<compile_context>
chip_gen: v7x
topology: tpu7x:2x2x1
jax: 0.10.2.dev20260603
libtpu: 0.0.44.dev20260713+nightly
codegen_flags: <defaults>
</compile_context>

<pallas_src>
import functools

import jax
import jax.numpy as jnp
from jax import lax
from jax.experimental import pallas as pl
from jax.experimental.pallas import tpu as pltpu
from jax.experimental.pallas import tpu_sc as plsc

_N = 10000
_E = 320000
_B = 64
_NC = 2
_NS = 16
_NW = _NC * _NS
_NPAD = 10240
_RPS = _NPAD // _NS
_EPW = _E // _NW
_K = 80
_NCH = _EPW // _K
_PAIRS = (_NCH - 1) // 2
_DK = 125
_DCH = _EPW // _DK
_RB = 2000
_GRID = _N // _RB
_EPS = 1e-5

_MESH = dict(core_axis_name="c", subcore_axis_name="s",
             num_cores=_NC, num_subcores=_NS)



def _make_sc_degree():

    @functools.partial(
        pl.kernel,
        out_type=jax.ShapeDtypeStruct((_NC, _NPAD, 32), jnp.float32),
        mesh=plsc.VectorSubcoreMesh(**_MESH),
        scratch_types=[
            pltpu.VMEM((_DCH, _DK), jnp.int32),
            pltpu.VMEM((_DK, 32), jnp.float32),
            pltpu.VMEM_SHARED((_NPAD, 32), jnp.float32),
            pltpu.SemaphoreType.DMA,
        ],
    )
    def deg_kernel(dst_hbm, ones_hbm, zero_hbm, out_hbm, didx, ones_v, acc_sh,
                   ssem):
        c = lax.axis_index("c")
        s = lax.axis_index("s")
        wid = s * _NC + c
        r0 = s * _RPS
        pltpu.sync_copy(dst_hbm.at[pl.ds(wid * _DCH, _DCH)], didx)
        pltpu.sync_copy(zero_hbm, acc_sh.at[pl.ds(r0, _RPS)])
        pltpu.sync_copy(ones_hbm, ones_v)
        plsc.subcore_barrier()

        pltpu.async_copy(ones_v, acc_sh.at[didx.at[0]], ssem, add=True)

        def step(i, carry):
            pltpu.async_copy(ones_v, acc_sh.at[didx.at[i + 1]], ssem, add=True)
            pltpu.make_async_copy(ones_v, acc_sh.at[didx.at[0]], ssem).wait()
            return carry

        lax.fori_loop(0, _DCH - 1, step, 0)
        pltpu.make_async_copy(ones_v, acc_sh.at[didx.at[0]], ssem).wait()
        plsc.subcore_barrier()
        pltpu.sync_copy(acc_sh.at[pl.ds(r0, _RPS)],
                        out_hbm.at[c, pl.ds(r0, _RPS)])

    return deg_kernel


def _make_sc_segsum(fc, p):

    @functools.partial(
        pl.kernel,
        out_type=jax.ShapeDtypeStruct((p * _NC, _NPAD, fc), jnp.float32),
        mesh=plsc.VectorSubcoreMesh(**_MESH),
        scratch_types=[
            pltpu.VMEM((_K,), jnp.int32),
            pltpu.VMEM((_K,), jnp.int32),
            pltpu.VMEM((_K,), jnp.int32),
            pltpu.VMEM((_K,), jnp.int32),
            pltpu.VMEM((_K, fc), jnp.float32),
            pltpu.VMEM((_K, fc), jnp.float32),
            pltpu.VMEM_SHARED((_NPAD, fc), jnp.float32),
            pltpu.SemaphoreType.DMA,
            pltpu.SemaphoreType.DMA,
            pltpu.SemaphoreType.DMA,
            pltpu.SemaphoreType.DMA,
            pltpu.SemaphoreType.DMA,
            pltpu.SemaphoreType.DMA,
        ],
    )
    def seg_kernel(*refs):
        hps = refs[:p]
        src_hbm, dst_hbm, zero_hbm, out_hbm = refs[p:p + 4]
        (sx0, dx0, sx1, dx1, rw0, rw1, acc_sh,
         gi0, gi1, sc0, sc1, il0, il1) = refs[p + 4:]
        c = lax.axis_index("c")
        s = lax.axis_index("s")
        wid = s * _NC + c
        r0 = s * _RPS
        base = wid * _EPW

        def iload(j, sx, dx, sem):
            off = pl.multiple_of(base + j * _K, 8)
            pltpu.async_copy(src_hbm.at[pl.ds(off, _K)], sx, sem)
            pltpu.async_copy(dst_hbm.at[pl.ds(off, _K)], dx, sem)

        def iwait(sx, dx, sem):
            pltpu.make_async_copy(src_hbm.at[pl.ds(0, _K)], sx, sem).wait()
            pltpu.make_async_copy(dst_hbm.at[pl.ds(0, _K)], dx, sem).wait()

        for pp in range(p):
            hp = hps[pp]

            def gwait(rw, sem):
                pltpu.make_async_copy(hp.at[sx0], rw, sem).wait()

            def swait(rw, sem):
                pltpu.make_async_copy(rw, acc_sh.at[dx0], sem).wait()

            pltpu.sync_copy(zero_hbm, acc_sh.at[pl.ds(r0, _RPS)])
            plsc.subcore_barrier()

            iload(0, sx0, dx0, il0)
            iwait(sx0, dx0, il0)
            pltpu.async_copy(hp.at[sx0], rw0, gi0).wait()
            pltpu.async_copy(rw0, acc_sh.at[dx0], sc0, add=True)
            iload(1, sx1, dx1, il1)

            def pair(i, carry):
                a = 2 * i + 1
                iwait(sx1, dx1, il1)
                pltpu.async_copy(hp.at[sx1], rw1, gi1)
                swait(rw0, sc0)
                iload(a + 1, sx0, dx0, il0)
                gwait(rw1, gi1)
                pltpu.async_copy(rw1, acc_sh.at[dx1], sc1, add=True)
                iwait(sx0, dx0, il0)
                pltpu.async_copy(hp.at[sx0], rw0, gi0)
                gwait(rw0, gi0)
                swait(rw1, sc1)
                iload(jnp.minimum(a + 2, _NCH - 1), sx1, dx1, il1)
                pltpu.async_copy(rw0, acc_sh.at[dx0], sc0, add=True)
                return carry

            lax.fori_loop(0, _PAIRS, pair, 0)
            iwait(sx1, dx1, il1)
            swait(rw0, sc0)
            plsc.subcore_barrier()
            pltpu.sync_copy(acc_sh.at[pl.ds(r0, _RPS)],
                            out_hbm.at[pp * _NC + c, pl.ds(r0, _RPS)])
            if pp + 1 < p:
                plsc.subcore_barrier()

    return seg_kernel



def _tc_mm1(x, w1, degp):

    def body(x_ref, w_ref, deg_ref, hlo_ref, hhi_ref, dinv_ref):
        deg = 1.0 + deg_ref[0][:, 0:1] + deg_ref[1][:, 0:1]
        dinv = lax.rsqrt(deg)
        h = jnp.dot(x_ref[...], w_ref[...], preferred_element_type=jnp.float32)
        hp = h * dinv
        hlo_ref[...] = hp[:, :128]
        hhi_ref[...] = hp[:, 128:]
        dinv_ref[...] = dinv

    return pl.pallas_call(
        body,
        grid=(_GRID,),
        in_specs=[
            pl.BlockSpec((_RB, 128), lambda i: (i, 0)),
            pl.BlockSpec((128, 256), lambda i: (0, 0)),
            pl.BlockSpec((_NC, _RB, 32), lambda i: (0, i, 0)),
        ],
        out_specs=[
            pl.BlockSpec((_RB, 128), lambda i: (i, 0)),
            pl.BlockSpec((_RB, 128), lambda i: (i, 0)),
            pl.BlockSpec((_RB, 1), lambda i: (i, 0)),
        ],
        out_shape=[
            jax.ShapeDtypeStruct((_N, 128), jnp.float32),
            jax.ShapeDtypeStruct((_N, 128), jnp.float32),
            jax.ShapeDtypeStruct((_N, 1), jnp.float32),
        ],
    )(x, w1, degp)


def _tc_stats(parts, hps, dinv, b, f, p, wc=128):
    fc = f // p

    def body(*refs):
        parts_ref = refs[0]
        hp_refs = refs[1:1 + p]
        dinv_ref, b_ref = refs[1 + p:3 + p]
        op_ref, mu_ref, var_ref = refs[3 + p:6 + p]
        s_acc, ss_acc = refs[6 + p:]
        i = pl.program_id(0)
        dinv = dinv_ref[...]
        cols = []
        for pp in range(p):
            tot = parts_ref[2 * pp] + parts_ref[2 * pp + 1] + hp_refs[pp][...]
            cols.append(dinv * tot[:, :fc])
        outb = (jnp.concatenate(cols, axis=1) if p > 1 else cols[0]) + b_ref[...]
        op_ref[...] = outb

        @pl.when(i == 0)
        def _():
            s_acc[...] = jnp.zeros_like(s_acc)
            ss_acc[...] = jnp.zeros_like(ss_acc)

        s_acc[...] += jnp.sum(outb, axis=0, keepdims=True)
        ss_acc[...] += jnp.sum(outb * outb, axis=0, keepdims=True)

        @pl.when(i == _GRID - 1)
        def _():
            mu = s_acc[...] * (1.0 / _N)
            mu_ref[...] = mu
            var_ref[...] = ss_acc[...] * (1.0 / _N) - mu * mu

    return pl.pallas_call(
        body,
        grid=(_GRID,),
        in_specs=(
            [pl.BlockSpec((p * _NC, _RB, wc), lambda i: (0, i, 0))]
            + [pl.BlockSpec((_RB, wc), lambda i: (i, 0))] * p
            + [pl.BlockSpec((_RB, 1), lambda i: (i, 0)),
               pl.BlockSpec((1, f), lambda i: (0, 0))]
        ),
        out_specs=[
            pl.BlockSpec((_RB, f), lambda i: (i, 0)),
            pl.BlockSpec((1, f), lambda i: (0, 0)),
            pl.BlockSpec((1, f), lambda i: (0, 0)),
        ],
        out_shape=[
            jax.ShapeDtypeStruct((_N, f), jnp.float32),
            jax.ShapeDtypeStruct((1, f), jnp.float32),
            jax.ShapeDtypeStruct((1, f), jnp.float32),
        ],
        scratch_shapes=[
            pltpu.VMEM((1, f), jnp.float32),
            pltpu.VMEM((1, f), jnp.float32),
        ],
    )(parts, *hps, dinv, b)


def _tc_fused(parts, hps, dinv, b, g, be, w, f, p, fn):
    fc = f // p

    def body(*refs):
        parts_ref = refs[0]
        hp_refs = refs[1:1 + p]
        dinv_ref, b_ref, g_ref, be_ref, w_ref = refs[1 + p:6 + p]
        out_ref = refs[6 + p]
        op_scr, s_acc, ss_acc = refs[7 + p:]
        t = pl.program_id(0)
        i = pl.program_id(1)

        @pl.when(t == 0)
        def _():
            dinv = dinv_ref[...]
            cols = []
            for pp in range(p):
                tot = (parts_ref[2 * pp] + parts_ref[2 * pp + 1]
                       + hp_refs[pp][...])
                cols.append(dinv * tot[:, :fc])
            outb = (jnp.concatenate(cols, axis=1) if p > 1 else cols[0]) \
                + b_ref[...]
            op_scr[pl.ds(i * _RB, _RB), :] = outb

            @pl.when(i == 0)
            def _():
                s_acc[...] = jnp.zeros_like(s_acc)
                ss_acc[...] = jnp.zeros_like(ss_acc)

            s_acc[...] += jnp.sum(outb, axis=0, keepdims=True)
            ss_acc[...] += jnp.sum(outb * outb, axis=0, keepdims=True)
            out_ref[...] = jnp.zeros_like(out_ref)

        @pl.when(t == 1)
        def _():
            mu = s_acc[...] * (1.0 / _N)
            var = ss_acc[...] * (1.0 / _N) - mu * mu
            blk = op_scr[pl.ds(i * _RB, _RB), :]
            hn = (blk - mu) * lax.rsqrt(var + _EPS)
            hn = jnp.maximum(hn * g_ref[...] + be_ref[...], 0.0)
            out_ref[...] = jnp.dot(
                hn, w_ref[...],
                preferred_element_type=jnp.float32) * dinv_ref[...]

    return pl.pallas_call(
        body,
        grid=(2, _GRID),
        in_specs=(
            [pl.BlockSpec((p * _NC, _RB, 128), lambda t, i: (0, i, 0))]
            + [pl.BlockSpec((_RB, 128), lambda t, i: (i, 0))] * p
            + [pl.BlockSpec((_RB, 1), lambda t, i: (i, 0)),
               pl.BlockSpec((1, f), lambda t, i: (0, 0)),
               pl.BlockSpec((1, f), lambda t, i: (0, 0)),
               pl.BlockSpec((1, f), lambda t, i: (0, 0)),
               pl.BlockSpec((f, fn), lambda t, i: (0, 0))]
        ),
        out_specs=pl.BlockSpec((_RB, fn), lambda t, i: (i, 0)),
        out_shape=jax.ShapeDtypeStruct((_N, fn), jnp.float32),
        scratch_shapes=[
            pltpu.VMEM((_N, f), jnp.float32),
            pltpu.VMEM((1, f), jnp.float32),
            pltpu.VMEM((1, f), jnp.float32),
        ],
    )(parts, *hps, dinv, b, g, be, w)


def _tc_bnmm(op, mu, var, g, be, w, dinv, f, fn):

    def body(op_ref, mu_ref, var_ref, g_ref, be_ref, w_ref, dinv_ref, out_ref):
        hn = (op_ref[...] - mu_ref[...]) * lax.rsqrt(var_ref[...] + _EPS)
        hn = jnp.maximum(hn * g_ref[...] + be_ref[...], 0.0)
        out_ref[...] = jnp.dot(
            hn, w_ref[...], preferred_element_type=jnp.float32) * dinv_ref[...]

    return pl.pallas_call(
        body,
        grid=(_GRID,),
        in_specs=[
            pl.BlockSpec((_RB, f), lambda i: (i, 0)),
            pl.BlockSpec((1, f), lambda i: (0, 0)),
            pl.BlockSpec((1, f), lambda i: (0, 0)),
            pl.BlockSpec((1, f), lambda i: (0, 0)),
            pl.BlockSpec((1, f), lambda i: (0, 0)),
            pl.BlockSpec((f, fn), lambda i: (0, 0)),
            pl.BlockSpec((_RB, 1), lambda i: (i, 0)),
        ],
        out_specs=pl.BlockSpec((_RB, fn), lambda i: (i, 0)),
        out_shape=jax.ShapeDtypeStruct((_N, fn), jnp.float32),
    )(op, mu, var, g, be, w, dinv)


def _tc_tail(op3, mu3, var3, g3, be3, lng, lnb, att, batch2d,
             mw1, mb1, mw2, mb2, mw3, mb3):

    def body(op_ref, mu_ref, var_ref, g_ref, be_ref, lg_ref, lb_ref, att_ref,
             bt_ref, w1_ref, c1_ref, w2_ref, c2_ref, w3_ref, c3_ref, out_ref):
        h = (op_ref[...] - mu_ref[...]) * lax.rsqrt(var_ref[...] + _EPS)
        h = jnp.maximum(h * g_ref[...] + be_ref[...], 0.0)
        rmu = jnp.mean(h, axis=1, keepdims=True)
        rvar = jnp.mean((h - rmu) ** 2, axis=1, keepdims=True)
        hln = (h - rmu) * lax.rsqrt(rvar + _EPS) * lg_ref[...] + lb_ref[...]
        t = jnp.tanh(jnp.dot(hln, att_ref[...],
                             preferred_element_type=jnp.float32))
        m = jnp.max(t, axis=0, keepdims=True)
        e = jnp.exp(t - m)
        aw = e / jnp.sum(e, axis=0, keepdims=True)
        hw = hln * aw
        ids = lax.broadcasted_iota(jnp.int32, (_B, 1), 0)
        oh = (bt_ref[...] == ids).astype(jnp.float32)
        sums = jnp.dot(oh, hw, preferred_element_type=jnp.float32, precision=lax.Precision.HIGHEST)
        cnt = jnp.sum(oh, axis=1, keepdims=True)
        pooled = sums / jnp.maximum(cnt, 1.0)
        z = jnp.maximum(jnp.dot(pooled, w1_ref[...],
                                preferred_element_type=jnp.float32)
                        + c1_ref[...], 0.0)
        z = jnp.maximum(jnp.dot(z, w2_ref[...],
                                preferred_element_type=jnp.float32)
                        + c2_ref[...], 0.0)
        out_ref[...] = jnp.dot(z, w3_ref[...],
                               preferred_element_type=jnp.float32) + c3_ref[...]

    return pl.pallas_call(
        body,
        out_shape=jax.ShapeDtypeStruct((_B, 2), jnp.float32),
    )(op3, mu3, var3, g3, be3, lng, lnb, att, batch2d,
      mw1, mb1, mw2, mb2, mw3, mb3)



_deg_call = _make_sc_degree()
_seg128x2 = _make_sc_segsum(128, 2)
_seg128x1 = _make_sc_segsum(128, 1)


def kernel(x, edge_index, batch, W1, b1, g1, be1, W2, b2, g2, be2,
           W3, b3, g3, be3, ln_g, ln_b, att, mw1, mb1, mw2, mb2, mw3, mb3):
    src = edge_index[0]
    dst = edge_index[1]
    dst2d = dst.reshape(_E // _DK, _DK)
    batch2d = batch.reshape(1, _N)
    ones32 = jnp.ones((_DK, 32), jnp.float32)
    z32 = jnp.zeros((_RPS, 32), jnp.float32)
    z128 = jnp.zeros((_RPS, 128), jnp.float32)
    w3p = jnp.concatenate([W3, jnp.zeros((128, 64), jnp.float32)], axis=1)
    row = lambda v: v.reshape(1, -1)

    degp = _deg_call(dst2d, ones32, z32)
    hlo, hhi, dinv = _tc_mm1(x, W1, degp)

    parts1 = _seg128x2(hlo, hhi, src, dst, z128)
    hp2 = _tc_fused(parts1, [hlo, hhi], dinv, row(b1), row(g1), row(be1),
                    W2, 256, 2, 128)

    parts2 = _seg128x1(hp2, src, dst, z128)
    hp3 = _tc_fused(parts2, [hp2], dinv, row(b2), row(g2), row(be2),
                    w3p, 128, 1, 128)

    parts3 = _seg128x1(hp3, src, dst, z128)
    op3, mu3, var3 = _tc_stats(parts3, [hp3], dinv, row(b3), 64, 1)

    return _tc_tail(op3, mu3, var3, row(g3), row(be3), row(ln_g), row(ln_b),
                    att, batch2d, mw1, row(mb1), mw2, row(mb2), mw3, row(mb3))

# --- scband reference (transcript-rebuilt; emitter-appended) ---
"""Pipeline reference for scband-malware-gnn-46385646797176 (READ-ONLY COPY).

The authoritative reference and input builder live on the scoring server;
editing this copy changes nothing except your own understanding.
"""

import jax, jax.numpy as jnp
import numpy as np

N = 10000
E = 320000
D = 128
B = 64
H = [256, 128, 64]


def setup_inputs(seed: int = 0) -> dict:
    key = jax.random.key(seed)
    ks = jax.random.split(key, 32)
    inp = {}
    inp["x"] = jax.random.normal(ks[0], (N, D), dtype=jnp.float32)
    src = jax.random.randint(ks[1], (E,), 0, N, dtype=jnp.int32)
    dst = jax.random.randint(ks[2], (E,), 0, N, dtype=jnp.int32)
    inp["edge_index"] = jnp.stack([src, dst])
    inp["batch"] = jnp.sort(jax.random.randint(ks[3], (N,), 0, B, dtype=jnp.int32))
    dims = [D] + H
    i = 4
    for l in range(3):
        fi, fo = dims[l], dims[l + 1]
        inp[f"W{l+1}"] = jax.random.normal(ks[i], (fi, fo), dtype=jnp.float32) / np.sqrt(fi)
        i += 1
        inp[f"b{l+1}"] = jnp.zeros((fo,), dtype=jnp.float32)
        inp[f"g{l+1}"] = jnp.ones((fo,), dtype=jnp.float32)
        inp[f"be{l+1}"] = jnp.zeros((fo,), dtype=jnp.float32)
    inp["ln_g"] = jnp.ones((64,), dtype=jnp.float32)
    inp["ln_b"] = jnp.zeros((64,), dtype=jnp.float32)
    inp["att"] = jax.random.normal(ks[i], (64, 1), dtype=jnp.float32)
    i += 1
    mdims = [64, 32, 16, 2]
    for l in range(3):
        fi, fo = mdims[l], mdims[l + 1]
        inp[f"mw{l+1}"] = jax.random.normal(ks[i], (fi, fo), dtype=jnp.float32) / np.sqrt(fi)
        i += 1
        inp[f"mb{l+1}"] = jnp.zeros((fo,), dtype=jnp.float32)
    return inp


def _gcn_block(x, src, dst, W, b, gamma, beta):
    # GCNConv with self-loops + symmetric normalization, then BatchNorm1d
    # (training-mode batch stats, affine), ReLU. Dropout is identity (eval).
    n = x.shape[0]
    loop = jnp.arange(n, dtype=src.dtype)
    s = jnp.concatenate([src, loop])
    d = jnp.concatenate([dst, loop])
    deg = jax.ops.segment_sum(jnp.ones(s.shape, dtype=x.dtype), d, num_segments=n)
    dinv = jnp.where(deg > 0, deg ** -0.5, 0.0)
    norm = dinv[s] * dinv[d]
    h = x @ W
    out = jax.ops.segment_sum(h[s] * norm[:, None], d, num_segments=n) + b
    mu = out.mean(axis=0)
    var = out.var(axis=0)
    out = (out - mu) / jnp.sqrt(var + 1e-5) * gamma + beta
    return jax.nn.relu(out)


def reference(x, edge_index, batch, W1, b1, g1, be1, W2, b2, g2, be2, W3, b3, g3, be3, ln_g, ln_b, att, mw1, mb1, mw2, mb2, mw3, mb3):
    src, dst = edge_index[0], edge_index[1]
    h = _gcn_block(x, src, dst, W1, b1, g1, be1)
    h = _gcn_block(h, src, dst, W2, b2, g2, be2)
    h = _gcn_block(h, src, dst, W3, b3, g3, be3)
    mu = h.mean(axis=-1, keepdims=True)
    var = h.var(axis=-1, keepdims=True)
    h = (h - mu) / jnp.sqrt(var + 1e-5) * ln_g + ln_b
    aw = jax.nn.softmax(jnp.tanh(h @ att), axis=0)
    h = h * aw
    sums = jax.ops.segment_sum(h, batch, num_segments=B)
    cnt = jax.ops.segment_sum(jnp.ones((h.shape[0],), dtype=h.dtype), batch, num_segments=B)
    pooled = sums / jnp.maximum(cnt, 1.0)[:, None]
    z = jax.nn.relu(pooled @ mw1 + mb1)
    z = jax.nn.relu(z @ mw2 + mb2)
    return z @ mw3 + mb3

if __name__ == "__main__":
    import jax
    _d = setup_inputs()
    print(jax.jit(kernel)(*tuple(_d.values())))

</pallas_src>

<mosaic_0001>
#map = affine_map<(d0, d1) -> (0, 0)>
#map1 = affine_map<(d0, d1) -> (0)>
#map2 = affine_map<(d0, d1) -> (0, 0, 0)>
module attributes {stable_mosaic.version = 14 : i64} {
  func.func @seg_kernel(%arg0: i32, %arg1: i32, %arg2: memref<10000x128xf32, #tpu.memory_space<hbm>>, %arg3: memref<320000xi32, #tpu.memory_space<hbm>>, %arg4: memref<320000xi32, #tpu.memory_space<hbm>>, %arg5: memref<640x128xf32, #tpu.memory_space<hbm>>, %arg6: memref<2x10240x128xf32, #tpu.memory_space<hbm>>, %arg7: memref<80xi32, #tpu.memory_space<vmem>>, %arg8: memref<80xi32, #tpu.memory_space<vmem>>, %arg9: memref<80xi32, #tpu.memory_space<vmem>>, %arg10: memref<80xi32, #tpu.memory_space<vmem>>, %arg11: memref<80x128xf32, #tpu.memory_space<vmem>>, %arg12: memref<80x128xf32, #tpu.memory_space<vmem>>, %arg13: memref<10240x128xf32, #tpu.memory_space<vmem_shared>>, %arg14: memref<!tpu.dma_semaphore, #tpu.memory_space<semaphore_mem>>, %arg15: memref<!tpu.dma_semaphore, #tpu.memory_space<semaphore_mem>>, %arg16: memref<!tpu.dma_semaphore, #tpu.memory_space<semaphore_mem>>, %arg17: memref<!tpu.dma_semaphore, #tpu.memory_space<semaphore_mem>>, %arg18: memref<!tpu.dma_semaphore, #tpu.memory_space<semaphore_mem>>, %arg19: memref<!tpu.dma_semaphore, #tpu.memory_space<semaphore_mem>>) attributes {dimension_semantics = [#tpu.dimension_semantics<core_parallel>, #tpu.dimension_semantics<subcore_parallel>], iteration_bounds = array<i64: 2, 16>, scalar_prefetch = 0 : i64, scratch_operands = 13 : i64, tpu.core_type = #tpu.core_type<sc_vector_subcore>, window_params = [{transform_indices = #map}, {transform_indices = #map1}, {transform_indices = #map1}, {transform_indices = #map}, {transform_indices = #map2}]} {
    %mul3A = arith.constant 2 : i32
    %mul3A_0 = arith.muli %arg1, %mul3A : i32
    %add3A = arith.addi %mul3A_0, %arg0 : i32
    %mul3A_1 = arith.constant 640 : i32
    %mul3A_2 = arith.muli %arg1, %mul3A_1 : i32
    %mul3A_3 = arith.constant 10000 : i32
    %mul3A_4 = arith.muli %add3A, %mul3A_3 : i32
    "tpu.region"() ({
      %run_scoped3A = tpu.sem_alloc : memref<!tpu.dma_semaphore, #tpu.memory_space<semaphore_mem>>
      %dma_start3A_52 = arith.constant 0 : i32
      %dma_start3A_53 = tpu.memref_slice %arg13[%mul3A_2, %dma_start3A_52] : memref<10240x128xf32, #tpu.memory_space<vmem_shared>> -> memref<640x128xf32, #tpu.memory_space<vmem_shared>>
      tpu.enqueue_dma source(%arg5 : memref<640x128xf32, #tpu.memory_space<hbm>>) target(%dma_start3A_53 : memref<640x128xf32, #tpu.memory_space<vmem_shared>>) target_semaphore(%run_scoped3A : memref<!tpu.dma_semaphore, #tpu.memory_space<semaphore_mem>>)
      %dma_wait3A_54 = arith.constant 0 : i32
      %dma_wait3A_55 = tpu.memref_slice %arg13[%mul3A_2, %dma_wait3A_54] : memref<10240x128xf32, #tpu.memory_space<vmem_shared>> -> memref<640x128xf32, #tpu.memory_space<vmem_shared>>
      tpu.wait_dma2 semaphore(%run_scoped3A : memref<!tpu.dma_semaphore, #tpu.memory_space<semaphore_mem>>) src(%arg5 : memref<640x128xf32, #tpu.memory_space<hbm>>) dst(%dma_wait3A_55 : memref<640x128xf32, #tpu.memory_space<vmem_shared>>)
      tpu.yield
    }) : () -> ()
    %barrier3A = arith.constant 0 : index
    tpu.barrier barrier_id(%barrier3A)
    %add3A_5 = arith.constant 0 : i32
    %add3A_6 = arith.addi %mul3A_4, %add3A_5 : i32
    %multiple_of3A = tpu.assume_multiple %add3A_6, 8 : i32
    %dma_start3A = tpu.memref_slice %arg3[%multiple_of3A] : memref<320000xi32, #tpu.memory_space<hbm>> -> memref<80xi32, #tpu.memory_space<hbm>>
    %dma_start3A_7 = tpu.memref_slice %arg3[%multiple_of3A] : memref<320000xi32, #tpu.memory_space<hbm>> -> memref<80xi32, #tpu.memory_space<hbm>>
    tpu.enqueue_dma source(%dma_start3A_7 : memref<80xi32, #tpu.memory_space<hbm>>) target(%arg7 : memref<80xi32, #tpu.memory_space<vmem>>) target_semaphore(%arg18 : memref<!tpu.dma_semaphore, #tpu.memory_space<semaphore_mem>>)
    %dma_start3A_8 = tpu.memref_slice %arg4[%multiple_of3A] : memref<320000xi32, #tpu.memory_space<hbm>> -> memref<80xi32, #tpu.memory_space<hbm>>
    %dma_start3A_9 = tpu.memref_slice %arg4[%multiple_of3A] : memref<320000xi32, #tpu.memory_space<hbm>> -> memref<80xi32, #tpu.memory_space<hbm>>
    tpu.enqueue_dma source(%dma_start3A_9 : memref<80xi32, #tpu.memory_space<hbm>>) target(%arg8 : memref<80xi32, #tpu.memory_space<vmem>>) target_semaphore(%arg18 : memref<!tpu.dma_semaphore, #tpu.memory_space<semaphore_mem>>)
    %dma_wait3A = arith.constant 0 : i32
    %dma_wait3A_10 = tpu.memref_slice %arg3[%dma_wait3A] : memref<320000xi32, #tpu.memory_space<hbm>> -> memref<80xi32, #tpu.memory_space<hbm>>
    %dma_wait3A_11 = arith.constant 0 : i32
    %dma_wait3A_12 = tpu.memref_slice %arg3[%dma_wait3A_11] : memref<320000xi32, #tpu.memory_space<hbm>> -> memref<80xi32, #tpu.memory_space<hbm>>
    tpu.wait_dma2 semaphore(%arg18 : memref<!tpu.dma_semaphore, #tpu.memory_space<semaphore_mem>>) src(%dma_wait3A_12 : memref<80xi32, #tpu.memory_space<hbm>>) dst(%arg7 : memref<80xi32, #tpu.memory_space<vmem>>)
    %dma_wait3A_13 = arith.constant 0 : i32
    %dma_wait3A_14 = tpu.memref_slice %arg4[%dma_wait3A_13] : memref<320000xi32, #tpu.memory_space<hbm>> -> memref<80xi32, #tpu.memory_space<hbm>>
    %dma_wait3A_15 = arith.constant 0 : i32
    %dma_wait3A_16 = tpu.memref_slice %arg4[%dma_wait3A_15] : memref<320000xi32, #tpu.memory_space<hbm>> -> memref<80xi32, #tpu.memory_space<hbm>>
    tpu.wait_dma2 semaphore(%arg18 : memref<!tpu.dma_semaphore, #tpu.memory_space<semaphore_mem>>) src(%dma_wait3A_16 : memref<80xi32, #tpu.memory_space<hbm>>) dst(%arg8 : memref<80xi32, #tpu.memory_space<vmem>>)
    %dma_start3A_17 = arith.constant 0 : i32
    %dma_start3A_18 = arith.constant 0 : i32
    %dma_start3A_19 = tpu.memref_slice %arg2[%dma_start3A_17, %dma_start3A_18] : memref<10000x128xf32, #tpu.memory_space<hbm>> -> memref<10000x128xf32, #tpu.memory_space<hbm>>
    tpu.enqueue_indirect_dma source(%dma_start3A_19 : memref<10000x128xf32, #tpu.memory_space<hbm>>) target(%arg11 : memref<80x128xf32, #tpu.memory_space<vmem>>) offsets(%arg7 : memref<80xi32, #tpu.memory_space<vmem>>) semaphore(%arg14 : memref<!tpu.dma_semaphore, #tpu.memory_space<semaphore_mem>>)
    %dma_wait3A_20 = arith.constant 0 : i32
    %dma_wait3A_21 = arith.constant 0 : i32
    %dma_wait3A_22 = tpu.memref_slice %arg2[%dma_wait3A_20, %dma_wait3A_21] : memref<10000x128xf32, #tpu.memory_space<hbm>> -> memref<10000x128xf32, #tpu.memory_space<hbm>>
    tpu.wait_indirect_dma semaphore(%arg14 : memref<!tpu.dma_semaphore, #tpu.memory_space<semaphore_mem>>) src(%dma_wait3A_22 : memref<10000x128xf32, #tpu.memory_space<hbm>>) dst(%arg11 : memref<80x128xf32, #tpu.memory_space<vmem>>)
    %dma_start3A_23 = arith.constant 0 : i32
    %dma_start3A_24 = arith.constant 0 : i32
    %dma_start3A_25 = tpu.memref_slice %arg13[%dma_start3A_23, %dma_start3A_24] : memref<10240x128xf32, #tpu.memory_space<vmem_shared>> -> memref<10240x128xf32, #tpu.memory_space<vmem_shared>>
    tpu.enqueue_indirect_dma source(%arg11 : memref<80x128xf32, #tpu.memory_space<vmem>>) target(%dma_start3A_25 : memref<10240x128xf32, #tpu.memory_space<vmem_shared>>) offsets(%arg8 : memref<80xi32, #tpu.memory_space<vmem>>) semaphore(%arg16 : memref<!tpu.dma_semaphore, #tpu.memory_space<semaphore_mem>>) {add = true}
    %add3A_26 = arith.constant 80 : i32
    %add3A_27 = arith.addi %mul3A_4, %add3A_26 : i32
    %multiple_of3A_28 = tpu.assume_multiple %add3A_27, 8 : i32
    %dma_start3A_29 = tpu.memref_slice %arg3[%multiple_of3A_28] : memref<320000xi32, #tpu.memory_space<hbm>> -> memref<80xi32, #tpu.memory_space<hbm>>
    %dma_start3A_30 = tpu.memref_slice %arg3[%multiple_of3A_28] : memref<320000xi32, #tpu.memory_space<hbm>> -> memref<80xi32, #tpu.memory_space<hbm>>
    tpu.enqueue_dma source(%dma_start3A_30 : memref<80xi32, #tpu.memory_space<hbm>>) target(%arg9 : memref<80xi32, #tpu.memory_space<vmem>>) target_semaphore(%arg19 : memref<!tpu.dma_semaphore, #tpu.memory_space<semaphore_mem>>)
    %dma_start3A_31 = tpu.memref_slice %arg4[%multiple_of3A_28] : memref<320000xi32, #tpu.memory_space<hbm>> -> memref<80xi32, #tpu.memory_space<hbm>>
    %dma_start3A_32 = tpu.memref_slice %arg4[%multiple_of3A_28] : memref<320000xi32, #tpu.memory_space<hbm>> -> memref<80xi32, #tpu.memory_space<hbm>>
    tpu.enqueue_dma source(%dma_start3A_32 : memref<80xi32, #tpu.memory_space<hbm>>) target(%arg10 : memref<80xi32, #tpu.memory_space<vmem>>) target_semaphore(%arg19 : memref<!tpu.dma_semaphore, #tpu.memory_space<semaphore_mem>>)
    %scan3A = arith.constant 0 : i32
    %scan3A_33 = arith.constant 0 : i32
    %scan3A_34 = arith.constant 62 : i32
    %scan3A_35 = arith.addi %scan3A_33, %scan3A_34 : i32
    %scan3A_36 = arith.constant 1 : i32
    scf.for %scan3A_52 = %scan3A_33 to %scan3A_35 step %scan3A_36  : i32 {
      %mul3A_53 = arith.constant 2 : i32
      %mul3A_54 = arith.muli %mul3A_53, %scan3A_52 : i32
      %add3A_55 = arith.constant 1 : i32
      %add3A_56 = arith.addi %mul3A_54, %add3A_55 : i32
      %dma_wait3A_57 = arith.constant 0 : i32
      %dma_wait3A_58 = tpu.memref_slice %arg3[%dma_wait3A_57] : memref<320000xi32, #tpu.memory_space<hbm>> -> memref<80xi32, #tpu.memory_space<hbm>>
      %dma_wait3A_59 = arith.constant 0 : i32
      %dma_wait3A_60 = tpu.memref_slice %arg3[%dma_wait3A_59] : memref<320000xi32, #tpu.memory_space<hbm>> -> memref<80xi32, #tpu.memory_space<hbm>>
      tpu.wait_dma2 semaphore(%arg19 : memref<!tpu.dma_semaphore, #tpu.memory_space<semaphore_mem>>) src(%dma_wait3A_60 : memref<80xi32, #tpu.memory_space<hbm>>) dst(%arg9 : memref<80xi32, #tpu.memory_space<vmem>>)
      %dma_wait3A_61 = arith.constant 0 : i32
      %dma_wait3A_62 = tpu.memref_slice %arg4[%dma_wait3A_61] : memref<320000xi32, #tpu.memory_space<hbm>> -> memref<80xi32, #tpu.memory_space<hbm>>
      %dma_wait3A_63 = arith.constant 0 : i32
      %dma_wait3A_64 = tpu.memref_slice %arg4[%dma_wait3A_63] : memref<320000xi32, #tpu.memory_space<hbm>> -> memref<80xi32, #tpu.memory_space<hbm>>
      tpu.wait_dma2 semaphore(%arg19 : memref<!tpu.dma_semaphore, #tpu.memory_space<semaphore_mem>>) src(%dma_wait3A_64 : memref<80xi32, #tpu.memory_space<hbm>>) dst(%arg10 : memref<80xi32, #tpu.memory_space<vmem>>)
      %dma_start3A_65 = arith.constant 0 : i32
      %dma_start3A_66 = arith.constant 0 : i32
      %dma_start3A_67 = tpu.memref_slice %arg2[%dma_start3A_65, %dma_start3A_66] : memref<10000x128xf32, #tpu.memory_space<hbm>> -> memref<10000x128xf32, #tpu.memory_space<hbm>>
      tpu.enqueue_indirect_dma source(%dma_start3A_67 : memref<10000x128xf32, #tpu.memory_space<hbm>>) target(%arg12 : memref<80x128xf32, #tpu.memory_space<vmem>>) offsets(%arg9 : memref<80xi32, #tpu.memory_space<vmem>>) semaphore(%arg15 : memref<!tpu.dma_semaphore, #tpu.memory_space<semaphore_mem>>)
      %dma_wait3A_68 = arith.constant 0 : i32
      %dma_wait3A_69 = arith.constant 0 : i32
      %dma_wait3A_70 = tpu.memref_slice %arg13[%dma_wait3A_68, %dma_wait3A_69] : memref<10240x128xf32, #tpu.memory_space<vmem_shared>> -> memref<10240x128xf32, #tpu.memory_space<vmem_shared>>
      tpu.wait_indirect_dma semaphore(%arg16 : memref<!tpu.dma_semaphore, #tpu.memory_space<semaphore_mem>>) src(%arg11 : memref<80x128xf32, #tpu.memory_space<vmem>>) dst(%dma_wait3A_70 : memref<10240x128xf32, #tpu.memory_space<vmem_shared>>)
      %add3A_71 = arith.constant 1 : i32
      %add3A_72 = arith.addi %add3A_56, %add3A_71 : i32
      %mul3A_73 = arith.constant 80 : i32
      %mul3A_74 = arith.muli %add3A_72, %mul3A_73 : i32
      %add3A_75 = arith.addi %mul3A_4, %mul3A_74 : i32
      %multiple_of3A_76 = tpu.assume_multiple %add3A_75, 8 : i32
      %dma_start3A_77 = tpu.memref_slice %arg3[%multiple_of3A_76] : memref<320000xi32, #tpu.memory_space<hbm>> -> memref<80xi32, #tpu.memory_space<hbm>>
      %dma_start3A_78 = tpu.memref_slice %arg3[%multiple_of3A_76] : memref<320000xi32, #tpu.memory_space<hbm>> -> memref<80xi32, #tpu.memory_space<hbm>>
      tpu.enqueue_dma source(%dma_start3A_78 : memref<80xi32, #tpu.memory_space<hbm>>) target(%arg7 : memref<80xi32, #tpu.memory_space<vmem>>) target_semaphore(%arg18 : memref<!tpu.dma_semaphore, #tpu.memory_space<semaphore_mem>>)
      %dma_start3A_79 = tpu.memref_slice %arg4[%multiple_of3A_76] : memref<320000xi32, #tpu.memory_space<hbm>> -> memref<80xi32, #tpu.memory_space<hbm>>
      %dma_start3A_80 = tpu.memref_slice %arg4[%multiple_of3A_76] : memref<320000xi32, #tpu.memory_space<hbm>> -> memref<80xi32, #tpu.memory_space<hbm>>
      tpu.enqueue_dma source(%dma_start3A_80 : memref<80xi32, #tpu.memory_space<hbm>>) target(%arg8 : memref<80xi32, #tpu.memory_space<vmem>>) target_semaphore(%arg18 : memref<!tpu.dma_semaphore, #tpu.memory_space<semaphore_mem>>)
      %dma_wait3A_81 = arith.constant 0 : i32
      %dma_wait3A_82 = arith.constant 0 : i32
      %dma_wait3A_83 = tpu.memref_slice %arg2[%dma_wait3A_81, %dma_wait3A_82] : memref<10000x128xf32, #tpu.memory_space<hbm>> -> memref<10000x128xf32, #tpu.memory_space<hbm>>
      tpu.wait_indirect_dma semaphore(%arg15 : memref<!tpu.dma_semaphore, #tpu.memory_space<semaphore_mem>>) src(%dma_wait3A_83 : memref<10000x128xf32, #tpu.memory_space<hbm>>) dst(%arg12 : memref<80x128xf32, #tpu.memory_space<vmem>>)
      %dma_start3A_84 = arith.constant 0 : i32
      %dma_start3A_85 = arith.constant 0 : i32
      %dma_start3A_86 = tpu.memref_slice %arg13[%dma_start3A_84, %dma_start3A_85] : memref<10240x128xf32, #tpu.memory_space<vmem_shared>> -> memref<10240x128xf32, #tpu.memory_space<vmem_shared>>
      tpu.enqueue_indirect_dma source(%arg12 : memref<80x128xf32, #tpu.memory_space<vmem>>) target(%dma_start3A_86 : memref<10240x128xf32, #tpu.memory_space<vmem_shared>>) offsets(%arg10 : memref<80xi32, #tpu.memory_space<vmem>>) semaphore(%arg17 : memref<!tpu.dma_semaphore, #tpu.memory_space<semaphore_mem>>) {add = true}
      %dma_wait3A_87 = arith.constant 0 : i32
      %dma_wait3A_88 = tpu.memref_slice %arg3[%dma_wait3A_87] : memref<320000xi32, #tpu.memory_space<hbm>> -> memref<80xi32, #tpu.memory_space<hbm>>
      %dma_wait3A_89 = arith.constant 0 : i32
      %dma_wait3A_90 = tpu.memref_slice %arg3[%dma_wait3A_89] : memref<320000xi32, #tpu.memory_space<hbm>> -> memref<80xi32, #tpu.memory_space<hbm>>
      tpu.wait_dma2 semaphore(%arg18 : memref<!tpu.dma_semaphore, #tpu.memory_space<semaphore_mem>>) src(%dma_wait3A_90 : memref<80xi32, #tpu.memory_space<hbm>>) dst(%arg7 : memref<80xi32, #tpu.memory_space<vmem>>)
      %dma_wait3A_91 = arith.constant 0 : i32
      %dma_wait3A_92 = tpu.memref_slice %arg4[%dma_wait3A_91] : memref<320000xi32, #tpu.memory_space<hbm>> -> memref<80xi32, #tpu.memory_space<hbm>>
      %dma_wait3A_93 = arith.constant 0 : i32
      %dma_wait3A_94 = tpu.memref_slice %arg4[%dma_wait3A_93] : memref<320000xi32, #tpu.memory_space<hbm>> -> memref<80xi32, #tpu.memory_space<hbm>>
      tpu.wait_dma2 semaphore(%arg18 : memref<!tpu.dma_semaphore, #tpu.memory_space<semaphore_mem>>) src(%dma_wait3A_94 : memref<80xi32, #tpu.memory_space<hbm>>) dst(%arg8 : memref<80xi32, #tpu.memory_space<vmem>>)
      %dma_start3A_95 = arith.constant 0 : i32
      %dma_start3A_96 = arith.constant 0 : i32
      %dma_start3A_97 = tpu.memref_slice %arg2[%dma_start3A_95, %dma_start3A_96] : memref<10000x128xf32, #tpu.memory_space<hbm>> -> memref<10000x128xf32, #tpu.memory_space<hbm>>
      tpu.enqueue_indirect_dma source(%dma_start3A_97 : memref<10000x128xf32, #tpu.memory_space<hbm>>) target(%arg11 : memref<80x128xf32, #tpu.memory_space<vmem>>) offsets(%arg7 : memref<80xi32, #tpu.memory_space<vmem>>) semaphore(%arg14 : memref<!tpu.dma_semaphore, #tpu.memory_space<semaphore_mem>>)
      %dma_wait3A_98 = arith.constant 0 : i32
      %dma_wait3A_99 = arith.constant 0 : i32
      %dma_wait3A_100 = tpu.memref_slice %arg2[%dma_wait3A_98, %dma_wait3A_99] : memref<10000x128xf32, #tpu.memory_space<hbm>> -> memref<10000x128xf32, #tpu.memory_space<hbm>>
      tpu.wait_indirect_dma semaphore(%arg14 : memref<!tpu.dma_semaphore, #tpu.memory_space<semaphore_mem>>) src(%dma_wait3A_100 : memref<10000x128xf32, #tpu.memory_space<hbm>>) dst(%arg11 : memref<80x128xf32, #tpu.memory_space<vmem>>)
      %dma_wait3A_101 = arith.constant 0 : i32
      %dma_wait3A_102 = arith.constant 0 : i32
      %dma_wait3A_103 = tpu.memref_slice %arg13[%dma_wait3A_101, %dma_wait3A_102] : memref<10240x128xf32, #tpu.memory_space<vmem_shared>> -> memref<10240x128xf32, #tpu.memory_space<vmem_shared>>
      tpu.wait_indirect_dma semaphore(%arg17 : memref<!tpu.dma_semaphore, #tpu.memory_space<semaphore_mem>>) src(%arg12 : memref<80x128xf32, #tpu.memory_space<vmem>>) dst(%dma_wait3A_103 : memref<10240x128xf32, #tpu.memory_space<vmem_shared>>)
      %add3A_104 = arith.constant 2 : i32
      %add3A_105 = arith.addi %add3A_56, %add3A_104 : i32
      %min3A = arith.constant 124 : i32
      %min3A_106 = arith.minsi %add3A_105, %min3A : i32
      %mul3A_107 = arith.constant 80 : i32
      %mul3A_108 = arith.muli %min3A_106, %mul3A_107 : i32
      %add3A_109 = arith.addi %mul3A_4, %mul3A_108 : i32
      %multiple_of3A_110 = tpu.assume_multiple %add3A_109, 8 : i32
      %dma_start3A_111 = tpu.memref_slice %arg3[%multiple_of3A_110] : memref<320000xi32, #tpu.memory_space<hbm>> -> memref<80xi32, #tpu.memory_space<hbm>>
      %dma_start3A_112 = tpu.memref_slice %arg3[%multiple_of3A_110] : memref<320000xi32, #tpu.memory_space<hbm>> -> memref<80xi32, #tpu.memory_space<hbm>>
      tpu.enqueue_dma source(%dma_start3A_112 : memref<80xi32, #tpu.memory_space<hbm>>) target(%arg9 : memref<80xi32, #tpu.memory_space<vmem>>) target_semaphore(%arg19 : memref<!tpu.dma_semaphore, #tpu.memory_space<semaphore_mem>>)
      %dma_start3A_113 = tpu.memref_slice %arg4[%multiple_of3A_110] : memref<320000xi32, #tpu.memory_space<hbm>> -> memref<80xi32, #tpu.memory_space<hbm>>
      %dma_start3A_114 = tpu.memref_slice %arg4[%multiple_of3A_110] : memref<320000xi32, #tpu.memory_space<hbm>> -> memref<80xi32, #tpu.memory_space<hbm>>
      tpu.enqueue_dma source(%dma_start3A_114 : memref<80xi32, #tpu.memory_space<hbm>>) target(%arg10 : memref<80xi32, #tpu.memory_space<vmem>>) target_semaphore(%arg19 : memref<!tpu.dma_semaphore, #tpu.memory_space<semaphore_mem>>)
      %dma_start3A_115 = arith.constant 0 : i32
      %dma_start3A_116 = arith.constant 0 : i32
      %dma_start3A_117 = tpu.memref_slice %arg13[%dma_start3A_115, %dma_start3A_116] : memref<10240x128xf32, #tpu.memory_space<vmem_shared>> -> memref<10240x128xf32, #tpu.memory_space<vmem_shared>>
      tpu.enqueue_indirect_dma source(%arg11 : memref<80x128xf32, #tpu.memory_space<vmem>>) target(%dma_start3A_117 : memref<10240x128xf32, #tpu.memory_space<vmem_shared>>) offsets(%arg8 : memref<80xi32, #tpu.memory_space<vmem>>) semaphore(%arg16 : memref<!tpu.dma_semaphore, #tpu.memory_space<semaphore_mem>>) {add = true}
    }
    %scan3A_37 = arith.constant 62 : i32
    %dma_wait3A_38 = arith.constant 0 : i32
    %dma_wait3A_39 = tpu.memref_slice %arg3[%dma_wait3A_38] : memref<320000xi32, #tpu.memory_space<hbm>> -> memref<80xi32, #tpu.memory_space<hbm>>
    %dma_wait3A_40 = arith.constant 0 : i32
    %dma_wait3A_41 = tpu.memref_slice %arg3[%dma_wait3A_40] : memref<320000xi32, #tpu.memory_space<hbm>> -> memref<80xi32, #tpu.memory_space<hbm>>
    tpu.wait_dma2 semaphore(%arg19 : memref<!tpu.dma_semaphore, #tpu.memory_space<semaphore_mem>>) src(%dma_wait3A_41 : memref<80xi32, #tpu.memory_space<hbm>>) dst(%arg9 : memref<80xi32, #tpu.memory_space<vmem>>)
    %dma_wait3A_42 = arith.constant 0 : i32
    %dma_wait3A_43 = tpu.memref_slice %arg4[%dma_wait3A_42] : memref<320000xi32, #tpu.memory_space<hbm>> -> memref<80xi32, #tpu.memory_space<hbm>>
    %dma_wait3A_44 = arith.constant 0 : i32
    %dma_wait3A_45 = tpu.memref_slice %arg4[%dma_wait3A_44] : memref<320000xi32, #tpu.memory_space<hbm>> -> memref<80xi32, #tpu.memory_space<hbm>>
    tpu.wait_dma2 semaphore(%arg19 : memref<!tpu.dma_semaphore, #tpu.memory_space<semaphore_mem>>) src(%dma_wait3A_45 : memref<80xi32, #tpu.memory_space<hbm>>) dst(%arg10 : memref<80xi32, #tpu.memory_space<vmem>>)
    %dma_wait3A_46 = arith.constant 0 : i32
    %dma_wait3A_47 = arith.constant 0 : i32
    %dma_wait3A_48 = tpu.memref_slice %arg13[%dma_wait3A_46, %dma_wait3A_47] : memref<10240x128xf32, #tpu.memory_space<vmem_shared>> -> memref<10240x128xf32, #tpu.memory_space<vmem_shared>>
    tpu.wait_indirect_dma semaphore(%arg16 : memref<!tpu.dma_semaphore, #tpu.memory_space<semaphore_mem>>) src(%arg11 : memref<80x128xf32, #tpu.memory_space<vmem>>) dst(%dma_wait3A_48 : memref<10240x128xf32, #tpu.memory_space<vmem_shared>>)
    %barrier3A_49 = arith.constant 0 : index
    tpu.barrier barrier_id(%barrier3A_49)
    %add3A_50 = arith.constant 0 : i32
    %add3A_51 = arith.addi %add3A_50, %arg0 : i32
    "tpu.region"() ({
      %run_scoped3A = tpu.sem_alloc : memref<!tpu.dma_semaphore, #tpu.memory_space<semaphore_mem>>
      %dma_start3A_52 = arith.constant 0 : i32
      %dma_start3A_53 = tpu.memref_slice %arg6[%add3A_51, %mul3A_2, %dma_start3A_52] : memref<2x10240x128xf32, #tpu.memory_space<hbm>> -> memref<1x640x128xf32, #tpu.memory_space<hbm>>
      %dma_start3A_54 = tpu.memref_squeeze %dma_start3A_53 : memref<1x640x128xf32, #tpu.memory_space<hbm>> -> memref<640x128xf32, #tpu.memory_space<hbm>>
      %dma_start3A_55 = arith.constant 0 : i32
      %dma_start3A_56 = tpu.memref_slice %arg13[%mul3A_2, %dma_start3A_55] : memref<10240x128xf32, #tpu.memory_space<vmem_shared>> -> memref<640x128xf32, #tpu.memory_space<vmem_shared>>
      tpu.enqueue_dma source(%dma_start3A_56 : memref<640x128xf32, #tpu.memory_space<vmem_shared>>) target(%dma_start3A_54 : memref<640x128xf32, #tpu.memory_space<hbm>>) target_semaphore(%run_scoped3A : memref<!tpu.dma_semaphore, #tpu.memory_space<semaphore_mem>>)
      %dma_wait3A_57 = arith.constant 0 : i32
      %dma_wait3A_58 = tpu.memref_slice %arg6[%add3A_51, %mul3A_2, %dma_wait3A_57] : memref<2x10240x128xf32, #tpu.memory_space<hbm>> -> memref<1x640x128xf32, #tpu.memory_space<hbm>>
      %dma_wait3A_59 = tpu.memref_squeeze %dma_wait3A_58 : memref<1x640x128xf32, #tpu.memory_space<hbm>> -> memref<640x128xf32, #tpu.memory_space<hbm>>
      %dma_wait3A_60 = arith.constant 0 : i32
      %dma_wait3A_61 = tpu.memref_slice %arg13[%mul3A_2, %dma_wait3A_60] : memref<10240x128xf32, #tpu.memory_space<vmem_shared>> -> memref<640x128xf32, #tpu.memory_space<vmem_shared>>
      tpu.wait_dma2 semaphore(%run_scoped3A : memref<!tpu.dma_semaphore, #tpu.memory_space<semaphore_mem>>) src(%dma_wait3A_61 : memref<640x128xf32, #tpu.memory_space<vmem_shared>>) dst(%dma_wait3A_59 : memref<640x128xf32, #tpu.memory_space<hbm>>)
      tpu.yield
    }) : () -> ()
    return
  }
}

#map = affine_map<(d0, d1) -> (0, 0)>
#map1 = affine_map<(d0, d1) -> (0, 0, 0)>
module attributes {stable_mosaic.version = 14 : i64} {
  func.func @deg_kernel(%arg0: i32, %arg1: i32, %arg2: memref<2560x125xi32, #tpu.memory_space<hbm>>, %arg3: memref<125x32xf32, #tpu.memory_space<hbm>>, %arg4: memref<640x32xf32, #tpu.memory_space<hbm>>, %arg5: memref<2x10240x32xf32, #tpu.memory_space<hbm>>, %arg6: memref<80x125xi32, #tpu.memory_space<vmem>>, %arg7: memref<125x32xf32, #tpu.memory_space<vmem>>, %arg8: memref<10240x32xf32, #tpu.memory_space<vmem_shared>>, %arg9: memref<!tpu.dma_semaphore, #tpu.memory_space<semaphore_mem>>) attributes {dimension_semantics = [#tpu.dimension_semantics<core_parallel>, #tpu.dimension_semantics<subcore_parallel>], iteration_bounds = array<i64: 2, 16>, scalar_prefetch = 0 : i64, scratch_operands = 4 : i64, tpu.core_type = #tpu.core_type<sc_vector_subcore>, window_params = [{transform_indices = #map}, {transform_indices = #map}, {transform_indices = #map}, {transform_indices = #map1}]} {
    %mul3A = arith.constant 2 : i32
    %mul3A_0 = arith.muli %arg1, %mul3A : i32
    %add3A = arith.addi %mul3A_0, %arg0 : i32
    %mul3A_1 = arith.constant 640 : i32
    %mul3A_2 = arith.muli %arg1, %mul3A_1 : i32
    %mul3A_3 = arith.constant 80 : i32
    %mul3A_4 = arith.muli %add3A, %mul3A_3 : i32
    "tpu.region"() ({
      %run_scoped3A = tpu.sem_alloc : memref<!tpu.dma_semaphore, #tpu.memory_space<semaphore_mem>>
      %dma_start3A_23 = arith.constant 0 : i32
      %dma_start3A_24 = tpu.memref_slice %arg2[%mul3A_4, %dma_start3A_23] : memref<2560x125xi32, #tpu.memory_space<hbm>> -> memref<80x125xi32, #tpu.memory_space<hbm>>
      %dma_start3A_25 = arith.constant 0 : i32
      %dma_start3A_26 = tpu.memref_slice %arg2[%mul3A_4, %dma_start3A_25] : memref<2560x125xi32, #tpu.memory_space<hbm>> -> memref<80x125xi32, #tpu.memory_space<hbm>>
      tpu.enqueue_dma source(%dma_start3A_26 : memref<80x125xi32, #tpu.memory_space<hbm>>) target(%arg6 : memref<80x125xi32, #tpu.memory_space<vmem>>) target_semaphore(%run_scoped3A : memref<!tpu.dma_semaphore, #tpu.memory_space<semaphore_mem>>)
      %dma_wait3A_27 = arith.constant 0 : i32
      %dma_wait3A_28 = tpu.memref_slice %arg2[%mul3A_4, %dma_wait3A_27] : memref<2560x125xi32, #tpu.memory_space<hbm>> -> memref<80x125xi32, #tpu.memory_space<hbm>>
      %dma_wait3A_29 = arith.constant 0 : i32
      %dma_wait3A_30 = tpu.memref_slice %arg2[%mul3A_4, %dma_wait3A_29] : memref<2560x125xi32, #tpu.memory_space<hbm>> -> memref<80x125xi32, #tpu.memory_space<hbm>>
      tpu.wait_dma2 semaphore(%run_scoped3A : memref<!tpu.dma_semaphore, #tpu.memory_space<semaphore_mem>>) src(%dma_wait3A_30 : memref<80x125xi32, #tpu.memory_space<hbm>>) dst(%arg6 : memref<80x125xi32, #tpu.memory_space<vmem>>)
      tpu.yield
    }) : () -> ()
    "tpu.region"() ({
      %run_scoped3A = tpu.sem_alloc : memref<!tpu.dma_semaphore, #tpu.memory_space<semaphore_mem>>
      %dma_start3A_23 = arith.constant 0 : i32
      %dma_start3A_24 = tpu.memref_slice %arg8[%mul3A_2, %dma_start3A_23] : memref<10240x32xf32, #tpu.memory_space<vmem_shared>> -> memref<640x32xf32, #tpu.memory_space<vmem_shared>>
      tpu.enqueue_dma source(%arg4 : memref<640x32xf32, #tpu.memory_space<hbm>>) target(%dma_start3A_24 : memref<640x32xf32, #tpu.memory_space<vmem_shared>>) target_semaphore(%run_scoped3A : memref<!tpu.dma_semaphore, #tpu.memory_space<semaphore_mem>>)
      %dma_wait3A_25 = arith.constant 0 : i32
      %dma_wait3A_26 = tpu.memref_slice %arg8[%mul3A_2, %dma_wait3A_25] : memref<10240x32xf32, #tpu.memory_space<vmem_shared>> -> memref<640x32xf32, #tpu.memory_space<vmem_shared>>
      tpu.wait_dma2 semaphore(%run_scoped3A : memref<!tpu.dma_semaphore, #tpu.memory_space<semaphore_mem>>) src(%arg4 : memref<640x32xf32, #tpu.memory_space<hbm>>) dst(%dma_wait3A_26 : memref<640x32xf32, #tpu.memory_space<vmem_shared>>)
      tpu.yield
    }) : () -> ()
    "tpu.region"() ({
      %run_scoped3A = tpu.sem_alloc : memref<!tpu.dma_semaphore, #tpu.memory_space<semaphore_mem>>
      tpu.enqueue_dma source(%arg3 : memref<125x32xf32, #tpu.memory_space<hbm>>) target(%arg7 : memref<125x32xf32, #tpu.memory_space<vmem>>) target_semaphore(%run_scoped3A : memref<!tpu.dma_semaphore, #tpu.memory_space<semaphore_mem>>)
      tpu.wait_dma2 semaphore(%run_scoped3A : memref<!tpu.dma_semaphore, #tpu.memory_space<semaphore_mem>>) src(%arg3 : memref<125x32xf32, #tpu.memory_space<hbm>>) dst(%arg7 : memref<125x32xf32, #tpu.memory_space<vmem>>)
      tpu.yield
    }) : () -> ()
    %barrier3A = arith.constant 0 : index
    tpu.barrier barrier_id(%barrier3A)
    %dma_start3A = arith.constant 0 : i32
    %dma_start3A_5 = arith.constant 0 : i32
    %dma_start3A_6 = tpu.memref_slice %arg6[%dma_start3A, %dma_start3A_5] : memref<80x125xi32, #tpu.memory_space<vmem>> -> memref<1x125xi32, #tpu.memory_space<vmem>>
    %dma_start3A_7 = tpu.memref_squeeze %dma_start3A_6 : memref<1x125xi32, #tpu.memory_space<vmem>> -> memref<125xi32, #tpu.memory_space<vmem>>
    %dma_start3A_8 = arith.constant 0 : i32
    %dma_start3A_9 = arith.constant 0 : i32
    %dma_start3A_10 = tpu.memref_slice %arg8[%dma_start3A_8, %dma_start3A_9] : memref<10240x32xf32, #tpu.memory_space<vmem_shared>> -> memref<10240x32xf32, #tpu.memory_space<vmem_shared>>
    tpu.enqueue_indirect_dma source(%arg7 : memref<125x32xf32, #tpu.memory_space<vmem>>) target(%dma_start3A_10 : memref<10240x32xf32, #tpu.memory_space<vmem_shared>>) offsets(%dma_start3A_7 : memref<125xi32, #tpu.memory_space<vmem>>) semaphore(%arg9 : memref<!tpu.dma_semaphore, #tpu.memory_space<semaphore_mem>>) {add = true}
    %scan3A = arith.constant 0 : i32
    %scan3A_11 = arith.constant 0 : i32
    %scan3A_12 = arith.constant 79 : i32
    %scan3A_13 = arith.addi %scan3A_11, %scan3A_12 : i32
    %scan3A_14 = arith.constant 1 : i32
    scf.for %scan3A_23 = %scan3A_11 to %scan3A_13 step %scan3A_14  : i32 {
      %add3A_24 = arith.constant 1 : i32
      %add3A_25 = arith.addi %scan3A_23, %add3A_24 : i32
      %dma_start3A_26 = arith.constant 0 : i32
      %dma_start3A_27 = tpu.memref_slice %arg6[%add3A_25, %dma_start3A_26] : memref<80x125xi32, #tpu.memory_space<vmem>> -> memref<1x125xi32, #tpu.memory_space<vmem>>
      %dma_start3A_28 = tpu.memref_squeeze %dma_start3A_27 : memref<1x125xi32, #tpu.memory_space<vmem>> -> memref<125xi32, #tpu.memory_space<vmem>>
      %dma_start3A_29 = arith.constant 0 : i32
      %dma_start3A_30 = arith.constant 0 : i32
      %dma_start3A_31 = tpu.memref_slice %arg8[%dma_start3A_29, %dma_start3A_30] : memref<10240x32xf32, #tpu.memory_space<vmem_shared>> -> memref<10240x32xf32, #tpu.memory_space<vmem_shared>>
      tpu.enqueue_indirect_dma source(%arg7 : memref<125x32xf32, #tpu.memory_space<vmem>>) target(%dma_start3A_31 : memref<10240x32xf32, #tpu.memory_space<vmem_shared>>) offsets(%dma_start3A_28 : memref<125xi32, #tpu.memory_space<vmem>>) semaphore(%arg9 : memref<!tpu.dma_semaphore, #tpu.memory_space<semaphore_mem>>) {add = true}
      %dma_wait3A_32 = arith.constant 0 : i32
      %dma_wait3A_33 = arith.constant 0 : i32
      %dma_wait3A_34 = tpu.memref_slice %arg6[%dma_wait3A_32, %dma_wait3A_33] : memref<80x125xi32, #tpu.memory_space<vmem>> -> memref<1x125xi32, #tpu.memory_space<vmem>>
      %dma_wait3A_35 = tpu.memref_squeeze %dma_wait3A_34 : memref<1x125xi32, #tpu.memory_space<vmem>> -> memref<125xi32, #tpu.memory_space<vmem>>
      %dma_wait3A_36 = arith.constant 0 : i32
      %dma_wait3A_37 = arith.constant 0 : i32
      %dma_wait3A_38 = tpu.memref_slice %arg8[%dma_wait3A_36, %dma_wait3A_37] : memref<10240x32xf32, #tpu.memory_space<vmem_shared>> -> memref<10240x32xf32, #tpu.memory_space<vmem_shared>>
      tpu.wait_indirect_dma semaphore(%arg9 : memref<!tpu.dma_semaphore, #tpu.memory_space<semaphore_mem>>) src(%arg7 : memref<125x32xf32, #tpu.memory_space<vmem>>) dst(%dma_wait3A_38 : memref<10240x32xf32, #tpu.memory_space<vmem_shared>>)
    }
    %scan3A_15 = arith.constant 79 : i32
    %dma_wait3A = arith.constant 0 : i32
    %dma_wait3A_16 = arith.constant 0 : i32
    %dma_wait3A_17 = tpu.memref_slice %arg6[%dma_wait3A, %dma_wait3A_16] : memref<80x125xi32, #tpu.memory_space<vmem>> -> memref<1x125xi32, #tpu.memory_space<vmem>>
    %dma_wait3A_18 = tpu.memref_squeeze %dma_wait3A_17 : memref<1x125xi32, #tpu.memory_space<vmem>> -> memref<125xi32, #tpu.memory_space<vmem>>
    %dma_wait3A_19 = arith.constant 0 : i32
    %dma_wait3A_20 = arith.constant 0 : i32
    %dma_wait3A_21 = tpu.memref_slice %arg8[%dma_wait3A_19, %dma_wait3A_20] : memref<10240x32xf32, #tpu.memory_space<vmem_shared>> -> memref<10240x32xf32, #tpu.memory_space<vmem_shared>>
    tpu.wait_indirect_dma semaphore(%arg9 : memref<!tpu.dma_semaphore, #tpu.memory_space<semaphore_mem>>) src(%arg7 : memref<125x32xf32, #tpu.memory_space<vmem>>) dst(%dma_wait3A_21 : memref<10240x32xf32, #tpu.memory_space<vmem_shared>>)
    %barrier3A_22 = arith.constant 0 : index
    tpu.barrier barrier_id(%barrier3A_22)
    "tpu.region"() ({
      %run_scoped3A = tpu.sem_alloc : memref<!tpu.dma_semaphore, #tpu.memory_space<semaphore_mem>>
      %dma_start3A_23 = arith.constant 0 : i32
      %dma_start3A_24 = tpu.memref_slice %arg5[%arg0, %mul3A_2, %dma_start3A_23] : memref<2x10240x32xf32, #tpu.memory_space<hbm>> -> memref<1x640x32xf32, #tpu.memory_space<hbm>>
      %dma_start3A_25 = tpu.memref_squeeze %dma_start3A_24 : memref<1x640x32xf32, #tpu.memory_space<hbm>> -> memref<640x32xf32, #tpu.memory_space<hbm>>
      %dma_start3A_26 = arith.constant 0 : i32
      %dma_start3A_27 = tpu.memref_slice %arg8[%mul3A_2, %dma_start3A_26] : memref<10240x32xf32, #tpu.memory_space<vmem_shared>> -> memref<640x32xf32, #tpu.memory_space<vmem_shared>>
      tpu.enqueue_dma source(%dma_start3A_27 : memref<640x32xf32, #tpu.memory_space<vmem_shared>>) target(%dma_start3A_25 : memref<640x32xf32, #tpu.memory_space<hbm>>) target_semaphore(%run_scoped3A : memref<!tpu.dma_semaphore, #tpu.memory_space<semaphore_mem>>)
      %dma_wait3A_28 = arith.constant 0 : i32
      %dma_wait3A_29 = tpu.memref_slice %arg5[%arg0, %mul3A_2, %dma_wait3A_28] : memref<2x10240x32xf32, #tpu.memory_space<hbm>> -> memref<1x640x32xf32, #tpu.memory_space<hbm>>
      %dma_wait3A_30 = tpu.memref_squeeze %dma_wait3A_29 : memref<1x640x32xf32, #tpu.memory_space<hbm>> -> memref<640x32xf32, #tpu.memory_space<hbm>>
      %dma_wait3A_31 = arith.constant 0 : i32
      %dma_wait3A_32 = tpu.memref_slice %arg8[%mul3A_2, %dma_wait3A_31] : memref<10240x32xf32, #tpu.memory_space<vmem_shared>> -> memref<640x32xf32, #tpu.memory_space<vmem_shared>>
      tpu.wait_dma2 semaphore(%run_scoped3A : memref<!tpu.dma_semaphore, #tpu.memory_space<semaphore_mem>>) src(%dma_wait3A_32 : memref<640x32xf32, #tpu.memory_space<vmem_shared>>) dst(%dma_wait3A_30 : memref<640x32xf32, #tpu.memory_space<hbm>>)
      tpu.yield
    }) : () -> ()
    return
  }
}

#map = affine_map<(d0, d1) -> (0, 0)>
#map1 = affine_map<(d0, d1) -> (0)>
#map2 = affine_map<(d0, d1) -> (0, 0, 0)>
module attributes {stable_mosaic.version = 14 : i64} {
  func.func @seg_kernel(%arg0: i32, %arg1: i32, %arg2: memref<10000x128xf32, #tpu.memory_space<hbm>>, %arg3: memref<320000xi32, #tpu.memory_space<hbm>>, %arg4: memref<320000xi32, #tpu.memory_space<hbm>>, %arg5: memref<640x128xf32, #tpu.memory_space<hbm>>, %arg6: memref<2x10240x128xf32, #tpu.memory_space<hbm>>, %arg7: memref<80xi32, #tpu.memory_space<vmem>>, %arg8: memref<80xi32, #tpu.memory_space<vmem>>, %arg9: memref<80xi32, #tpu.memory_space<vmem>>, %arg10: memref<80xi32, #tpu.memory_space<vmem>>, %arg11: memref<80x128xf32, #tpu.memory_space<vmem>>, %arg12: memref<80x128xf32, #tpu.memory_space<vmem>>, %arg13: memref<10240x128xf32, #tpu.memory_space<vmem_shared>>, %arg14: memref<!tpu.dma_semaphore, #tpu.memory_space<semaphore_mem>>, %arg15: memref<!tpu.dma_semaphore, #tpu.memory_space<semaphore_mem>>, %arg16: memref<!tpu.dma_semaphore, #tpu.memory_space<semaphore_mem>>, %arg17: memref<!tpu.dma_semaphore, #tpu.memory_space<semaphore_mem>>, %arg18: memref<!tpu.dma_semaphore, #tpu.memory_space<semaphore_mem>>, %arg19: memref<!tpu.dma_semaphore, #tpu.memory_space<semaphore_mem>>) attributes {dimension_semantics = [#tpu.dimension_semantics<core_parallel>, #tpu.dimension_semantics<subcore_parallel>], iteration_bounds = array<i64: 2, 16>, scalar_prefetch = 0 : i64, scratch_operands = 13 : i64, tpu.core_type = #tpu.core_type<sc_vector_subcore>, window_params = [{transform_indices = #map}, {transform_indices = #map1}, {transform_indices = #map1}, {transform_indices = #map}, {transform_indices = #map2}]} {
    %mul3A = arith.constant 2 : i32
    %mul3A_0 = arith.muli %arg1, %mul3A : i32
    %add3A = arith.addi %mul3A_0, %arg0 : i32
    %mul3A_1 = arith.constant 640 : i32
    %mul3A_2 = arith.muli %arg1, %mul3A_1 : i32
    %mul3A_3 = arith.constant 10000 : i32
    %mul3A_4 = arith.muli %add3A, %mul3A_3 : i32
    "tpu.region"() ({
      %run_scoped3A = tpu.sem_alloc : memref<!tpu.dma_semaphore, #tpu.memory_space<semaphore_mem>>
      %dma_start3A_52 = arith.constant 0 : i32
      %dma_start3A_53 = tpu.memref_slice %arg13[%mul3A_2, %dma_start3A_52] : memref<10240x128xf32, #tpu.memory_space<vmem_shared>> -> memref<640x128xf32, #tpu.memory_space<vmem_shared>>
      tpu.enqueue_dma source(%arg5 : memref<640x128xf32, #tpu.memory_space<hbm>>) target(%dma_start3A_53 : memref<640x128xf32, #tpu.memory_space<vmem_shared>>) target_semaphore(%run_scoped3A : memref<!tpu.dma_semaphore, #tpu.memory_space<semaphore_mem>>)
      %dma_wait3A_54 = arith.constant 0 : i32
      %dma_wait3A_55 = tpu.memref_slice %arg13[%mul3A_2, %dma_wait3A_54] : memref<10240x128xf32, #tpu.memory_space<vmem_shared>> -> memref<640x128xf32, #tpu.memory_space<vmem_shared>>
      tpu.wait_dma2 semaphore(%run_scoped3A : memref<!tpu.dma_semaphore, #tpu.memory_space<semaphore_mem>>) src(%arg5 : memref<640x128xf32, #tpu.memory_space<hbm>>) dst(%dma_wait3A_55 : memref<640x128xf32, #tpu.memory_space<vmem_shared>>)
      tpu.yield
    }) : () -> ()
    %barrier3A = arith.constant 0 : index
    tpu.barrier barrier_id(%barrier3A)
    %add3A_5 = arith.constant 0 : i32
    %add3A_6 = arith.addi %mul3A_4, %add3A_5 : i32
    %multiple_of3A = tpu.assume_multiple %add3A_6, 8 : i32
    %dma_start3A = tpu.memref_slice %arg3[%multiple_of3A] : memref<320000xi32, #tpu.memory_space<hbm>> -> memref<80xi32, #tpu.memory_space<hbm>>
    %dma_start3A_7 = tpu.memref_slice %arg3[%multiple_of3A] : memref<320000xi32, #tpu.memory_space<hbm>> -> memref<80xi32, #tpu.memory_space<hbm>>
    tpu.enqueue_dma source(%dma_start3A_7 : memref<80xi32, #tpu.memory_space<hbm>>) target(%arg7 : memref<80xi32, #tpu.memory_space<vmem>>) target_semaphore(%arg18 : memref<!tpu.dma_semaphore, #tpu.memory_space<semaphore_mem>>)
    %dma_start3A_8 = tpu.memref_slice %arg4[%multiple_of3A] : memref<320000xi32, #tpu.memory_space<hbm>> -> memref<80xi32, #tpu.memory_space<hbm>>
    %dma_start3A_9 = tpu.memref_slice %arg4[%multiple_of3A] : memref<320000xi32, #tpu.memory_space<hbm>> -> memref<80xi32, #tpu.memory_space<hbm>>
    tpu.enqueue_dma source(%dma_start3A_9 : memref<80xi32, #tpu.memory_space<hbm>>) target(%arg8 : memref<80xi32, #tpu.memory_space<vmem>>) target_semaphore(%arg18 : memref<!tpu.dma_semaphore, #tpu.memory_space<semaphore_mem>>)
    %dma_wait3A = arith.constant 0 : i32
    %dma_wait3A_10 = tpu.memref_slice %arg3[%dma_wait3A] : memref<320000xi32, #tpu.memory_space<hbm>> -> memref<80xi32, #tpu.memory_space<hbm>>
    %dma_wait3A_11 = arith.constant 0 : i32
    %dma_wait3A_12 = tpu.memref_slice %arg3[%dma_wait3A_11] : memref<320000xi32, #tpu.memory_space<hbm>> -> memref<80xi32, #tpu.memory_space<hbm>>
    tpu.wait_dma2 semaphore(%arg18 : memref<!tpu.dma_semaphore, #tpu.memory_space<semaphore_mem>>) src(%dma_wait3A_12 : memref<80xi32, #tpu.memory_space<hbm>>) dst(%arg7 : memref<80xi32, #tpu.memory_space<vmem>>)
    %dma_wait3A_13 = arith.constant 0 : i32
    %dma_wait3A_14 = tpu.memref_slice %arg4[%dma_wait3A_13] : memref<320000xi32, #tpu.memory_space<hbm>> -> memref<80xi32, #tpu.memory_space<hbm>>
    %dma_wait3A_15 = arith.constant 0 : i32
    %dma_wait3A_16 = tpu.memref_slice %arg4[%dma_wait3A_15] : memref<320000xi32, #tpu.memory_space<hbm>> -> memref<80xi32, #tpu.memory_space<hbm>>
    tpu.wait_dma2 semaphore(%arg18 : memref<!tpu.dma_semaphore, #tpu.memory_space<semaphore_mem>>) src(%dma_wait3A_16 : memref<80xi32, #tpu.memory_space<hbm>>) dst(%arg8 : memref<80xi32, #tpu.memory_space<vmem>>)
    %dma_start3A_17 = arith.constant 0 : i32
    %dma_start3A_18 = arith.constant 0 : i32
    %dma_start3A_19 = tpu.memref_slice %arg2[%dma_start3A_17, %dma_start3A_18] : memref<10000x128xf32, #tpu.memory_space<hbm>> -> memref<10000x128xf32, #tpu.memory_space<hbm>>
    tpu.enqueue_indirect_dma source(%dma_start3A_19 : memref<10000x128xf32, #tpu.memory_space<hbm>>) target(%arg11 : memref<80x128xf32, #tpu.memory_space<vmem>>) offsets(%arg7 : memref<80xi32, #tpu.memory_space<vmem>>) semaphore(%arg14 : memref<!tpu.dma_semaphore, #tpu.memory_space<semaphore_mem>>)
    %dma_wait3A_20 = arith.constant 0 : i32
    %dma_wait3A_21 = arith.constant 0 : i32
    %dma_wait3A_22 = tpu.memref_slice %arg2[%dma_wait3A_20, %dma_wait3A_21] : memref<10000x128xf32, #tpu.memory_space<hbm>> -> memref<10000x128xf32, #tpu.memory_space<hbm>>
    tpu.wait_indirect_dma semaphore(%arg14 : memref<!tpu.dma_semaphore, #tpu.memory_space<semaphore_mem>>) src(%dma_wait3A_22 : memref<10000x128xf32, #tpu.memory_space<hbm>>) dst(%arg11 : memref<80x128xf32, #tpu.memory_space<vmem>>)
    %dma_start3A_23 = arith.constant 0 : i32
    %dma_start3A_24 = arith.constant 0 : i32
    %dma_start3A_25 = tpu.memref_slice %arg13[%dma_start3A_23, %dma_start3A_24] : memref<10240x128xf32, #tpu.memory_space<vmem_shared>> -> memref<10240x128xf32, #tpu.memory_space<vmem_shared>>
    tpu.enqueue_indirect_dma source(%arg11 : memref<80x128xf32, #tpu.memory_space<vmem>>) target(%dma_start3A_25 : memref<10240x128xf32, #tpu.memory_space<vmem_shared>>) offsets(%arg8 : memref<80xi32, #tpu.memory_space<vmem>>) semaphore(%arg16 : memref<!tpu.dma_semaphore, #tpu.memory_space<semaphore_mem>>) {add = true}
    %add3A_26 = arith.constant 80 : i32
    %add3A_27 = arith.addi %mul3A_4, %add3A_26 : i32
    %multiple_of3A_28 = tpu.assume_multiple %add3A_27, 8 : i32
    %dma_start3A_29 = tpu.memref_slice %arg3[%multiple_of3A_28] : memref<320000xi32, #tpu.memory_space<hbm>> -> memref<80xi32, #tpu.memory_space<hbm>>
    %dma_start3A_30 = tpu.memref_slice %arg3[%multiple_of3A_28] : memref<320000xi32, #tpu.memory_space<hbm>> -> memref<80xi32, #tpu.memory_space<hbm>>
    tpu.enqueue_dma source(%dma_start3A_30 : memref<80xi32, #tpu.memory_space<hbm>>) target(%arg9 : memref<80xi32, #tpu.memory_space<vmem>>) target_semaphore(%arg19 : memref<!tpu.dma_semaphore, #tpu.memory_space<semaphore_mem>>)
    %dma_start3A_31 = tpu.memref_slice %arg4[%multiple_of3A_28] : memref<320000xi32, #tpu.memory_space<hbm>> -> memref<80xi32, #tpu.memory_space<hbm>>
    %dma_start3A_32 = tpu.memref_slice %arg4[%multiple_of3A_28] : memref<320000xi32, #tpu.memory_space<hbm>> -> memref<80xi32, #tpu.memory_space<hbm>>
    tpu.enqueue_dma source(%dma_start3A_32 : memref<80xi32, #tpu.memory_space<hbm>>) target(%arg10 : memref<80xi32, #tpu.memory_space<vmem>>) target_semaphore(%arg19 : memref<!tpu.dma_semaphore, #tpu.memory_space<semaphore_mem>>)
    %scan3A = arith.constant 0 : i32
    %scan3A_33 = arith.constant 0 : i32
    %scan3A_34 = arith.constant 62 : i32
    %scan3A_35 = arith.addi %scan3A_33, %scan3A_34 : i32
    %scan3A_36 = arith.constant 1 : i32
    scf.for %scan3A_52 = %scan3A_33 to %scan3A_35 step %scan3A_36  : i32 {
      %mul3A_53 = arith.constant 2 : i32
      %mul3A_54 = arith.muli %mul3A_53, %scan3A_52 : i32
      %add3A_55 = arith.constant 1 : i32
      %add3A_56 = arith.addi %mul3A_54, %add3A_55 : i32
      %dma_wait3A_57 = arith.constant 0 : i32
      %dma_wait3A_58 = tpu.memref_slice %arg3[%dma_wait3A_57] : memref<320000xi32, #tpu.memory_space<hbm>> -> memref<80xi32, #tpu.memory_space<hbm>>
      %dma_wait3A_59 = arith.constant 0 : i32
      %dma_wait3A_60 = tpu.memref_slice %arg3[%dma_wait3A_59] : memref<320000xi32, #tpu.memory_space<hbm>> -> memref<80xi32, #tpu.memory_space<hbm>>
      tpu.wait_dma2 semaphore(%arg19 : memref<!tpu.dma_semaphore, #tpu.memory_space<semaphore_mem>>) src(%dma_wait3A_60 : memref<80xi32, #tpu.memory_space<hbm>>) dst(%arg9 : memref<80xi32, #tpu.memory_space<vmem>>)
      %dma_wait3A_61 = arith.constant 0 : i32
      %dma_wait3A_62 = tpu.memref_slice %arg4[%dma_wait3A_61] : memref<320000xi32, #tpu.memory_space<hbm>> -> memref<80xi32, #tpu.memory_space<hbm>>
      %dma_wait3A_63 = arith.constant 0 : i32
      %dma_wait3A_64 = tpu.memref_slice %arg4[%dma_wait3A_63] : memref<320000xi32, #tpu.memory_space<hbm>> -> memref<80xi32, #tpu.memory_space<hbm>>
      tpu.wait_dma2 semaphore(%arg19 : memref<!tpu.dma_semaphore, #tpu.memory_space<semaphore_mem>>) src(%dma_wait3A_64 : memref<80xi32, #tpu.memory_space<hbm>>) dst(%arg10 : memref<80xi32, #tpu.memory_space<vmem>>)
      %dma_start3A_65 = arith.constant 0 : i32
      %dma_start3A_66 = arith.constant 0 : i32
      %dma_start3A_67 = tpu.memref_slice %arg2[%dma_start3A_65, %dma_start3A_66] : memref<10000x128xf32, #tpu.memory_space<hbm>> -> memref<10000x128xf32, #tpu.memory_space<hbm>>
      tpu.enqueue_indirect_dma source(%dma_start3A_67 : memref<10000x128xf32, #tpu.memory_space<hbm>>) target(%arg12 : memref<80x128xf32, #tpu.memory_space<vmem>>) offsets(%arg9 : memref<80xi32, #tpu.memory_space<vmem>>) semaphore(%arg15 : memref<!tpu.dma_semaphore, #tpu.memory_space<semaphore_mem>>)
      %dma_wait3A_68 = arith.constant 0 : i32
      %dma_wait3A_69 = arith.constant 0 : i32
      %dma_wait3A_70 = tpu.memref_slice %arg13[%dma_wait3A_68, %dma_wait3A_69] : memref<10240x128xf32, #tpu.memory_space<vmem_shared>> -> memref<10240x128xf32, #tpu.memory_space<vmem_shared>>
      tpu.wait_indirect_dma semaphore(%arg16 : memref<!tpu.dma_semaphore, #tpu.memory_space<semaphore_mem>>) src(%arg11 : memref<80x128xf32, #tpu.memory_space<vmem>>) dst(%dma_wait3A_70 : memref<10240x128xf32, #tpu.memory_space<vmem_shared>>)
      %add3A_71 = arith.constant 1 : i32
      %add3A_72 = arith.addi %add3A_56, %add3A_71 : i32
      %mul3A_73 = arith.constant 80 : i32
      %mul3A_74 = arith.muli %add3A_72, %mul3A_73 : i32
      %add3A_75 = arith.addi %mul3A_4, %mul3A_74 : i32
      %multiple_of3A_76 = tpu.assume_multiple %add3A_75, 8 : i32
      %dma_start3A_77 = tpu.memref_slice %arg3[%multiple_of3A_76] : memref<320000xi32, #tpu.memory_space<hbm>> -> memref<80xi32, #tpu.memory_space<hbm>>
      %dma_start3A_78 = tpu.memref_slice %arg3[%multiple_of3A_76] : memref<320000xi32, #tpu.memory_space<hbm>> -> memref<80xi32, #tpu.memory_space<hbm>>
      tpu.enqueue_dma source(%dma_start3A_78 : memref<80xi32, #tpu.memory_space<hbm>>) target(%arg7 : memref<80xi32, #tpu.memory_space<vmem>>) target_semaphore(%arg18 : memref<!tpu.dma_semaphore, #tpu.memory_space<semaphore_mem>>)
      %dma_start3A_79 = tpu.memref_slice %arg4[%multiple_of3A_76] : memref<320000xi32, #tpu.memory_space<hbm>> -> memref<80xi32, #tpu.memory_space<hbm>>
      %dma_start3A_80 = tpu.memref_slice %arg4[%multiple_of3A_76] : memref<320000xi32, #tpu.memory_space<hbm>> -> memref<80xi32, #tpu.memory_space<hbm>>
      tpu.enqueue_dma source(%dma_start3A_80 : memref<80xi32, #tpu.memory_space<hbm>>) target(%arg8 : memref<80xi32, #tpu.memory_space<vmem>>) target_semaphore(%arg18 : memref<!tpu.dma_semaphore, #tpu.memory_space<semaphore_mem>>)
      %dma_wait3A_81 = arith.constant 0 : i32
      %dma_wait3A_82 = arith.constant 0 : i32
      %dma_wait3A_83 = tpu.memref_slice %arg2[%dma_wait3A_81, %dma_wait3A_82] : memref<10000x128xf32, #tpu.memory_space<hbm>> -> memref<10000x128xf32, #tpu.memory_space<hbm>>
      tpu.wait_indirect_dma semaphore(%arg15 : memref<!tpu.dma_semaphore, #tpu.memory_space<semaphore_mem>>) src(%dma_wait3A_83 : memref<10000x128xf32, #tpu.memory_space<hbm>>) dst(%arg12 : memref<80x128xf32, #tpu.memory_space<vmem>>)
      %dma_start3A_84 = arith.constant 0 : i32
      %dma_start3A_85 = arith.constant 0 : i32
      %dma_start3A_86 = tpu.memref_slice %arg13[%dma_start3A_84, %dma_start3A_85] : memref<10240x128xf32, #tpu.memory_space<vmem_shared>> -> memref<10240x128xf32, #tpu.memory_space<vmem_shared>>
      tpu.enqueue_indirect_dma source(%arg12 : memref<80x128xf32, #tpu.memory_space<vmem>>) target(%dma_start3A_86 : memref<10240x128xf32, #tpu.memory_space<vmem_shared>>) offsets(%arg10 : memref<80xi32, #tpu.memory_space<vmem>>) semaphore(%arg17 : memref<!tpu.dma_semaphore, #tpu.memory_space<semaphore_mem>>) {add = true}
      %dma_wait3A_87 = arith.constant 0 : i32
      %dma_wait3A_88 = tpu.memref_slice %arg3[%dma_wait3A_87] : memref<320000xi32, #tpu.memory_space<hbm>> -> memref<80xi32, #tpu.memory_space<hbm>>
      %dma_wait3A_89 = arith.constant 0 : i32
      %dma_wait3A_90 = tpu.memref_slice %arg3[%dma_wait3A_89] : memref<320000xi32, #tpu.memory_space<hbm>> -> memref<80xi32, #tpu.memory_space<hbm>>
      tpu.wait_dma2 semaphore(%arg18 : memref<!tpu.dma_semaphore, #tpu.memory_space<semaphore_mem>>) src(%dma_wait3A_90 : memref<80xi32, #tpu.memory_space<hbm>>) dst(%arg7 : memref<80xi32, #tpu.memory_space<vmem>>)
      %dma_wait3A_91 = arith.constant 0 : i32
      %dma_wait3A_92 = tpu.memref_slice %arg4[%dma_wait3A_91] : memref<320000xi32, #tpu.memory_space<hbm>> -> memref<80xi32, #tpu.memory_space<hbm>>
      %dma_wait3A_93 = arith.constant 0 : i32
      %dma_wait3A_94 = tpu.memref_slice %arg4[%dma_wait3A_93] : memref<320000xi32, #tpu.memory_space<hbm>> -> memref<80xi32, #tpu.memory_space<hbm>>
      tpu.wait_dma2 semaphore(%arg18 : memref<!tpu.dma_semaphore, #tpu.memory_space<semaphore_mem>>) src(%dma_wait3A_94 : memref<80xi32, #tpu.memory_space<hbm>>) dst(%arg8 : memref<80xi32, #tpu.memory_space<vmem>>)
      %dma_start3A_95 = arith.constant 0 : i32
      %dma_start3A_96 = arith.constant 0 : i32
      %dma_start3A_97 = tpu.memref_slice %arg2[%dma_start3A_95, %dma_start3A_96] : memref<10000x128xf32, #tpu.memory_space<hbm>> -> memref<10000x128xf32, #tpu.memory_space<hbm>>
      tpu.enqueue_indirect_dma source(%dma_start3A_97 : memref<10000x128xf32, #tpu.memory_space<hbm>>) target(%arg11 : memref<80x128xf32, #tpu.memory_space<vmem>>) offsets(%arg7 : memref<80xi32, #tpu.memory_space<vmem>>) semaphore(%arg14 : memref<!tpu.dma_semaphore, #tpu.memory_space<semaphore_mem>>)
      %dma_wait3A_98 = arith.constant 0 : i32
      %dma_wait3A_99 = arith.constant 0 : i32
      %dma_wait3A_100 = tpu.memref_slice %arg2[%dma_wait3A_98, %dma_wait3A_99] : memref<10000x128xf32, #tpu.memory_space<hbm>> -> memref<10000x128xf32, #tpu.memory_space<hbm>>
      tpu.wait_indirect_dma semaphore(%arg14 : memref<!tpu.dma_semaphore, #tpu.memory_space<semaphore_mem>>) src(%dma_wait3A_100 : memref<10000x128xf32, #tpu.memory_space<hbm>>) dst(%arg11 : memref<80x128xf32, #tpu.memory_space<vmem>>)
      %dma_wait3A_101 = arith.constant 0 : i32
      %dma_wait3A_102 = arith.constant 0 : i32
      %dma_wait3A_103 = tpu.memref_slice %arg13[%dma_wait3A_101, %dma_wait3A_102] : memref<10240x128xf32, #tpu.memory_space<vmem_shared>> -> memref<10240x128xf32, #tpu.memory_space<vmem_shared>>
      tpu.wait_indirect_dma semaphore(%arg17 : memref<!tpu.dma_semaphore, #tpu.memory_space<semaphore_mem>>) src(%arg12 : memref<80x128xf32, #tpu.memory_space<vmem>>) dst(%dma_wait3A_103 : memref<10240x128xf32, #tpu.memory_space<vmem_shared>>)
      %add3A_104 = arith.constant 2 : i32
      %add3A_105 = arith.addi %add3A_56, %add3A_104 : i32
      %min3A = arith.constant 124 : i32
      %min3A_106 = arith.minsi %add3A_105, %min3A : i32
      %mul3A_107 = arith.constant 80 : i32
      %mul3A_108 = arith.muli %min3A_106, %mul3A_107 : i32
      %add3A_109 = arith.addi %mul3A_4, %mul3A_108 : i32
      %multiple_of3A_110 = tpu.assume_multiple %add3A_109, 8 : i32
      %dma_start3A_111 = tpu.memref_slice %arg3[%multiple_of3A_110] : memref<320000xi32, #tpu.memory_space<hbm>> -> memref<80xi32, #tpu.memory_space<hbm>>
      %dma_start3A_112 = tpu.memref_slice %arg3[%multiple_of3A_110] : memref<320000xi32, #tpu.memory_space<hbm>> -> memref<80xi32, #tpu.memory_space<hbm>>
      tpu.enqueue_dma source(%dma_start3A_112 : memref<80xi32, #tpu.memory_space<hbm>>) target(%arg9 : memref<80xi32, #tpu.memory_space<vmem>>) target_semaphore(%arg19 : memref<!tpu.dma_semaphore, #tpu.memory_space<semaphore_mem>>)
      %dma_start3A_113 = tpu.memref_slice %arg4[%multiple_of3A_110] : memref<320000xi32, #tpu.memory_space<hbm>> -> memref<80xi32, #tpu.memory_space<hbm>>
      %dma_start3A_114 = tpu.memref_slice %arg4[%multiple_of3A_110] : memref<320000xi32, #tpu.memory_space<hbm>> -> memref<80xi32, #tpu.memory_space<hbm>>
      tpu.enqueue_dma source(%dma_start3A_114 : memref<80xi32, #tpu.memory_space<hbm>>) target(%arg10 : memref<80xi32, #tpu.memory_space<vmem>>) target_semaphore(%arg19 : memref<!tpu.dma_semaphore, #tpu.memory_space<semaphore_mem>>)
      %dma_start3A_115 = arith.constant 0 : i32
      %dma_start3A_116 = arith.constant 0 : i32
      %dma_start3A_117 = tpu.memref_slice %arg13[%dma_start3A_115, %dma_start3A_116] : memref<10240x128xf32, #tpu.memory_space<vmem_shared>> -> memref<10240x128xf32, #tpu.memory_space<vmem_shared>>
      tpu.enqueue_indirect_dma source(%arg11 : memref<80x128xf32, #tpu.memory_space<vmem>>) target(%dma_start3A_117 : memref<10240x128xf32, #tpu.memory_space<vmem_shared>>) offsets(%arg8 : memref<80xi32, #tpu.memory_space<vmem>>) semaphore(%arg16 : memref<!tpu.dma_semaphore, #tpu.memory_space<semaphore_mem>>) {add = true}
    }
    %scan3A_37 = arith.constant 62 : i32
    %dma_wait3A_38 = arith.constant 0 : i32
    %dma_wait3A_39 = tpu.memref_slice %arg3[%dma_wait3A_38] : memref<320000xi32, #tpu.memory_space<hbm>> -> memref<80xi32, #tpu.memory_space<hbm>>
    %dma_wait3A_40 = arith.constant 0 : i32
    %dma_wait3A_41 = tpu.memref_slice %arg3[%dma_wait3A_40] : memref<320000xi32, #tpu.memory_space<hbm>> -> memref<80xi32, #tpu.memory_space<hbm>>
    tpu.wait_dma2 semaphore(%arg19 : memref<!tpu.dma_semaphore, #tpu.memory_space<semaphore_mem>>) src(%dma_wait3A_41 : memref<80xi32, #tpu.memory_space<hbm>>) dst(%arg9 : memref<80xi32, #tpu.memory_space<vmem>>)
    %dma_wait3A_42 = arith.constant 0 : i32
    %dma_wait3A_43 = tpu.memref_slice %arg4[%dma_wait3A_42] : memref<320000xi32, #tpu.memory_space<hbm>> -> memref<80xi32, #tpu.memory_space<hbm>>
    %dma_wait3A_44 = arith.constant 0 : i32
    %dma_wait3A_45 = tpu.memref_slice %arg4[%dma_wait3A_44] : memref<320000xi32, #tpu.memory_space<hbm>> -> memref<80xi32, #tpu.memory_space<hbm>>
    tpu.wait_dma2 semaphore(%arg19 : memref<!tpu.dma_semaphore, #tpu.memory_space<semaphore_mem>>) src(%dma_wait3A_45 : memref<80xi32, #tpu.memory_space<hbm>>) dst(%arg10 : memref<80xi32, #tpu.memory_space<vmem>>)
    %dma_wait3A_46 = arith.constant 0 : i32
    %dma_wait3A_47 = arith.constant 0 : i32
    %dma_wait3A_48 = tpu.memref_slice %arg13[%dma_wait3A_46, %dma_wait3A_47] : memref<10240x128xf32, #tpu.memory_space<vmem_shared>> -> memref<10240x128xf32, #tpu.memory_space<vmem_shared>>
    tpu.wait_indirect_dma semaphore(%arg16 : memref<!tpu.dma_semaphore, #tpu.memory_space<semaphore_mem>>) src(%arg11 : memref<80x128xf32, #tpu.memory_space<vmem>>) dst(%dma_wait3A_48 : memref<10240x128xf32, #tpu.memory_space<vmem_shared>>)
    %barrier3A_49 = arith.constant 0 : index
    tpu.barrier barrier_id(%barrier3A_49)
    %add3A_50 = arith.constant 0 : i32
    %add3A_51 = arith.addi %add3A_50, %arg0 : i32
    "tpu.region"() ({
      %run_scoped3A = tpu.sem_alloc : memref<!tpu.dma_semaphore, #tpu.memory_space<semaphore_mem>>
      %dma_start3A_52 = arith.constant 0 : i32
      %dma_start3A_53 = tpu.memref_slice %arg6[%add3A_51, %mul3A_2, %dma_start3A_52] : memref<2x10240x128xf32, #tpu.memory_space<hbm>> -> memref<1x640x128xf32, #tpu.memory_space<hbm>>
      %dma_start3A_54 = tpu.memref_squeeze %dma_start3A_53 : memref<1x640x128xf32, #tpu.memory_space<hbm>> -> memref<640x128xf32, #tpu.memory_space<hbm>>
      %dma_start3A_55 = arith.constant 0 : i32
      %dma_start3A_56 = tpu.memref_slice %arg13[%mul3A_2, %dma_start3A_55] : memref<10240x128xf32, #tpu.memory_space<vmem_shared>> -> memref<640x128xf32, #tpu.memory_space<vmem_shared>>
      tpu.enqueue_dma source(%dma_start3A_56 : memref<640x128xf32, #tpu.memory_space<vmem_shared>>) target(%dma_start3A_54 : memref<640x128xf32, #tpu.memory_space<hbm>>) target_semaphore(%run_scoped3A : memref<!tpu.dma_semaphore, #tpu.memory_space<semaphore_mem>>)
      %dma_wait3A_57 = arith.constant 0 : i32
      %dma_wait3A_58 = tpu.memref_slice %arg6[%add3A_51, %mul3A_2, %dma_wait3A_57] : memref<2x10240x128xf32, #tpu.memory_space<hbm>> -> memref<1x640x128xf32, #tpu.memory_space<hbm>>
      %dma_wait3A_59 = tpu.memref_squeeze %dma_wait3A_58 : memref<1x640x128xf32, #tpu.memory_space<hbm>> -> memref<640x128xf32, #tpu.memory_space<hbm>>
      %dma_wait3A_60 = arith.constant 0 : i32
      %dma_wait3A_61 = tpu.memref_slice %arg13[%mul3A_2, %dma_wait3A_60] : memref<10240x128xf32, #tpu.memory_space<vmem_shared>> -> memref<640x128xf32, #tpu.memory_space<vmem_shared>>
      tpu.wait_dma2 semaphore(%run_scoped3A : memref<!tpu.dma_semaphore, #tpu.memory_space<semaphore_mem>>) src(%dma_wait3A_61 : memref<640x128xf32, #tpu.memory_space<vmem_shared>>) dst(%dma_wait3A_59 : memref<640x128xf32, #tpu.memory_space<hbm>>)
      tpu.yield
    }) : () -> ()
    return
  }
}

#map = affine_map<(d0, d1) -> (0, 0)>
#map1 = affine_map<(d0, d1) -> (0)>
#map2 = affine_map<(d0, d1) -> (0, 0, 0)>
module attributes {stable_mosaic.version = 14 : i64} {
  func.func @seg_kernel(%arg0: i32, %arg1: i32, %arg2: memref<10000x128xf32, #tpu.memory_space<hbm>>, %arg3: memref<10000x128xf32, #tpu.memory_space<hbm>>, %arg4: memref<320000xi32, #tpu.memory_space<hbm>>, %arg5: memref<320000xi32, #tpu.memory_space<hbm>>, %arg6: memref<640x128xf32, #tpu.memory_space<hbm>>, %arg7: memref<4x10240x128xf32, #tpu.memory_space<hbm>>, %arg8: memref<80xi32, #tpu.memory_space<vmem>>, %arg9: memref<80xi32, #tpu.memory_space<vmem>>, %arg10: memref<80xi32, #tpu.memory_space<vmem>>, %arg11: memref<80xi32, #tpu.memory_space<vmem>>, %arg12: memref<80x128xf32, #tpu.memory_space<vmem>>, %arg13: memref<80x128xf32, #tpu.memory_space<vmem>>, %arg14: memref<10240x128xf32, #tpu.memory_space<vmem_shared>>, %arg15: memref<!tpu.dma_semaphore, #tpu.memory_space<semaphore_mem>>, %arg16: memref<!tpu.dma_semaphore, #tpu.memory_space<semaphore_mem>>, %arg17: memref<!tpu.dma_semaphore, #tpu.memory_space<semaphore_mem>>, %arg18: memref<!tpu.dma_semaphore, #tpu.memory_space<semaphore_mem>>, %arg19: memref<!tpu.dma_semaphore, #tpu.memory_space<semaphore_mem>>, %arg20: memref<!tpu.dma_semaphore, #tpu.memory_space<semaphore_mem>>) attributes {dimension_semantics = [#tpu.dimension_semantics<core_parallel>, #tpu.dimension_semantics<subcore_parallel>], iteration_bounds = array<i64: 2, 16>, scalar_prefetch = 0 : i64, scratch_operands = 13 : i64, tpu.core_type = #tpu.core_type<sc_vector_subcore>, window_params = [{transform_indices = #map}, {transform_indices = #map}, {transform_indices = #map1}, {transform_indices = #map1}, {transform_indices = #map}, {transform_indices = #map2}]} {
    %mul3A = arith.constant 2 : i32
    %mul3A_0 = arith.muli %arg1, %mul3A : i32
    %add3A = arith.addi %mul3A_0, %arg0 : i32
    %mul3A_1 = arith.constant 640 : i32
    %mul3A_2 = arith.muli %arg1, %mul3A_1 : i32
    %mul3A_3 = arith.constant 10000 : i32
    %mul3A_4 = arith.muli %add3A, %mul3A_3 : i32
    "tpu.region"() ({
      %run_scoped3A = tpu.sem_alloc : memref<!tpu.dma_semaphore, #tpu.memory_space<semaphore_mem>>
      %dma_start3A_105 = arith.constant 0 : i32
      %dma_start3A_106 = tpu.memref_slice %arg14[%mul3A_2, %dma_start3A_105] : memref<10240x128xf32, #tpu.memory_space<vmem_shared>> -> memref<640x128xf32, #tpu.memory_space<vmem_shared>>
      tpu.enqueue_dma source(%arg6 : memref<640x128xf32, #tpu.memory_space<hbm>>) target(%dma_start3A_106 : memref<640x128xf32, #tpu.memory_space<vmem_shared>>) target_semaphore(%run_scoped3A : memref<!tpu.dma_semaphore, #tpu.memory_space<semaphore_mem>>)
      %dma_wait3A_107 = arith.constant 0 : i32
      %dma_wait3A_108 = tpu.memref_slice %arg14[%mul3A_2, %dma_wait3A_107] : memref<10240x128xf32, #tpu.memory_space<vmem_shared>> -> memref<640x128xf32, #tpu.memory_space<vmem_shared>>
      tpu.wait_dma2 semaphore(%run_scoped3A : memref<!tpu.dma_semaphore, #tpu.memory_space<semaphore_mem>>) src(%arg6 : memref<640x128xf32, #tpu.memory_space<hbm>>) dst(%dma_wait3A_108 : memref<640x128xf32, #tpu.memory_space<vmem_shared>>)
      tpu.yield
    }) : () -> ()
    %barrier3A = arith.constant 0 : index
    tpu.barrier barrier_id(%barrier3A)
    %add3A_5 = arith.constant 0 : i32
    %add3A_6 = arith.addi %mul3A_4, %add3A_5 : i32
    %multiple_of3A = tpu.assume_multiple %add3A_6, 8 : i32
    %dma_start3A = tpu.memref_slice %arg4[%multiple_of3A] : memref<320000xi32, #tpu.memory_space<hbm>> -> memref<80xi32, #tpu.memory_space<hbm>>
    %dma_start3A_7 = tpu.memref_slice %arg4[%multiple_of3A] : memref<320000xi32, #tpu.memory_space<hbm>> -> memref<80xi32, #tpu.memory_space<hbm>>
    tpu.enqueue_dma source(%dma_start3A_7 : memref<80xi32, #tpu.memory_space<hbm>>) target(%arg8 : memref<80xi32, #tpu.memory_space<vmem>>) target_semaphore(%arg19 : memref<!tpu.dma_semaphore, #tpu.memory_space<semaphore_mem>>)
    %dma_start3A_8 = tpu.memref_slice %arg5[%multiple_of3A] : memref<320000xi32, #tpu.memory_space<hbm>> -> memref<80xi32, #tpu.memory_space<hbm>>
    %dma_start3A_9 = tpu.memref_slice %arg5[%multiple_of3A] : memref<320000xi32, #tpu.memory_space<hbm>> -> memref<80xi32, #tpu.memory_space<hbm>>
    tpu.enqueue_dma source(%dma_start3A_9 : memref<80xi32, #tpu.memory_space<hbm>>) target(%arg9 : memref<80xi32, #tpu.memory_space<vmem>>) target_semaphore(%arg19 : memref<!tpu.dma_semaphore, #tpu.memory_space<semaphore_mem>>)
    %dma_wait3A = arith.constant 0 : i32
    %dma_wait3A_10 = tpu.memref_slice %arg4[%dma_wait3A] : memref<320000xi32, #tpu.memory_space<hbm>> -> memref<80xi32, #tpu.memory_space<hbm>>
    %dma_wait3A_11 = arith.constant 0 : i32
    %dma_wait3A_12 = tpu.memref_slice %arg4[%dma_wait3A_11] : memref<320000xi32, #tpu.memory_space<hbm>> -> memref<80xi32, #tpu.memory_space<hbm>>
    tpu.wait_dma2 semaphore(%arg19 : memref<!tpu.dma_semaphore, #tpu.memory_space<semaphore_mem>>) src(%dma_wait3A_12 : memref<80xi32, #tpu.memory_space<hbm>>) dst(%arg8 : memref<80xi32, #tpu.memory_space<vmem>>)
    %dma_wait3A_13 = arith.constant 0 : i32
    %dma_wait3A_14 = tpu.memref_slice %arg5[%dma_wait3A_13] : memref<320000xi32, #tpu.memory_space<hbm>> -> memref<80xi32, #tpu.memory_space<hbm>>
    %dma_wait3A_15 = arith.constant 0 : i32
    %dma_wait3A_16 = tpu.memref_slice %arg5[%dma_wait3A_15] : memref<320000xi32, #tpu.memory_space<hbm>> -> memref<80xi32, #tpu.memory_space<hbm>>
    tpu.wait_dma2 semaphore(%arg19 : memref<!tpu.dma_semaphore, #tpu.memory_space<semaphore_mem>>) src(%dma_wait3A_16 : memref<80xi32, #tpu.memory_space<hbm>>) dst(%arg9 : memref<80xi32, #tpu.memory_space<vmem>>)
    %dma_start3A_17 = arith.constant 0 : i32
    %dma_start3A_18 = arith.constant 0 : i32
    %dma_start3A_19 = tpu.memref_slice %arg2[%dma_start3A_17, %dma_start3A_18] : memref<10000x128xf32, #tpu.memory_space<hbm>> -> memref<10000x128xf32, #tpu.memory_space<hbm>>
    tpu.enqueue_indirect_dma source(%dma_start3A_19 : memref<10000x128xf32, #tpu.memory_space<hbm>>) target(%arg12 : memref<80x128xf32, #tpu.memory_space<vmem>>) offsets(%arg8 : memref<80xi32, #tpu.memory_space<vmem>>) semaphore(%arg15 : memref<!tpu.dma_semaphore, #tpu.memory_space<semaphore_mem>>)
    %dma_wait3A_20 = arith.constant 0 : i32
    %dma_wait3A_21 = arith.constant 0 : i32
    %dma_wait3A_22 = tpu.memref_slice %arg2[%dma_wait3A_20, %dma_wait3A_21] : memref<10000x128xf32, #tpu.memory_space<hbm>> -> memref<10000x128xf32, #tpu.memory_space<hbm>>
    tpu.wait_indirect_dma semaphore(%arg15 : memref<!tpu.dma_semaphore, #tpu.memory_space<semaphore_mem>>) src(%dma_wait3A_22 : memref<10000x128xf32, #tpu.memory_space<hbm>>) dst(%arg12 : memref<80x128xf32, #tpu.memory_space<vmem>>)
    %dma_start3A_23 = arith.constant 0 : i32
    %dma_start3A_24 = arith.constant 0 : i32
    %dma_start3A_25 = tpu.memref_slice %arg14[%dma_start3A_23, %dma_start3A_24] : memref<10240x128xf32, #tpu.memory_space<vmem_shared>> -> memref<10240x128xf32, #tpu.memory_space<vmem_shared>>
    tpu.enqueue_indirect_dma source(%arg12 : memref<80x128xf32, #tpu.memory_space<vmem>>) target(%dma_start3A_25 : memref<10240x128xf32, #tpu.memory_space<vmem_shared>>) offsets(%arg9 : memref<80xi32, #tpu.memory_space<vmem>>) semaphore(%arg17 : memref<!tpu.dma_semaphore, #tpu.memory_space<semaphore_mem>>) {add = true}
    %add3A_26 = arith.constant 80 : i32
    %add3A_27 = arith.addi %mul3A_4, %add3A_26 : i32
    %multiple_of3A_28 = tpu.assume_multiple %add3A_27, 8 : i32
    %dma_start3A_29 = tpu.memref_slice %arg4[%multiple_of3A_28] : memref<320000xi32, #tpu.memory_space<hbm>> -> memref<80xi32, #tpu.memory_space<hbm>>
    %dma_start3A_30 = tpu.memref_slice %arg4[%multiple_of3A_28] : memref<320000xi32, #tpu.memory_space<hbm>> -> memref<80xi32, #tpu.memory_space<hbm>>
    tpu.enqueue_dma source(%dma_start3A_30 : memref<80xi32, #tpu.memory_space<hbm>>) target(%arg10 : memref<80xi32, #tpu.memory_space<vmem>>) target_semaphore(%arg20 : memref<!tpu.dma_semaphore, #tpu.memory_space<semaphore_mem>>)
    %dma_start3A_31 = tpu.memref_slice %arg5[%multiple_of3A_28] : memref<320000xi32, #tpu.memory_space<hbm>> -> memref<80xi32, #tpu.memory_space<hbm>>
    %dma_start3A_32 = tpu.memref_slice %arg5[%multiple_of3A_28] : memref<320000xi32, #tpu.memory_space<hbm>> -> memref<80xi32, #tpu.memory_space<hbm>>
    tpu.enqueue_dma source(%dma_start3A_32 : memref<80xi32, #tpu.memory_space<hbm>>) target(%arg11 : memref<80xi32, #tpu.memory_space<vmem>>) target_semaphore(%arg20 : memref<!tpu.dma_semaphore, #tpu.memory_space<semaphore_mem>>)
    %scan3A = arith.constant 0 : i32
    %scan3A_33 = arith.constant 0 : i32
    %scan3A_34 = arith.constant 62 : i32
    %scan3A_35 = arith.addi %scan3A_33, %scan3A_34 : i32
    %scan3A_36 = arith.constant 1 : i32
    scf.for %scan3A_105 = %scan3A_33 to %scan3A_35 step %scan3A_36  : i32 {
      %mul3A_106 = arith.constant 2 : i32
      %mul3A_107 = arith.muli %mul3A_106, %scan3A_105 : i32
      %add3A_108 = arith.constant 1 : i32
      %add3A_109 = arith.addi %mul3A_107, %add3A_108 : i32
      %dma_wait3A_110 = arith.constant 0 : i32
      %dma_wait3A_111 = tpu.memref_slice %arg4[%dma_wait3A_110] : memref<320000xi32, #tpu.memory_space<hbm>> -> memref<80xi32, #tpu.memory_space<hbm>>
      %dma_wait3A_112 = arith.constant 0 : i32
      %dma_wait3A_113 = tpu.memref_slice %arg4[%dma_wait3A_112] : memref<320000xi32, #tpu.memory_space<hbm>> -> memref<80xi32, #tpu.memory_space<hbm>>
      tpu.wait_dma2 semaphore(%arg20 : memref<!tpu.dma_semaphore, #tpu.memory_space<semaphore_mem>>) src(%dma_wait3A_113 : memref<80xi32, #tpu.memory_space<hbm>>) dst(%arg10 : memref<80xi32, #tpu.memory_space<vmem>>)
      %dma_wait3A_114 = arith.constant 0 : i32
      %dma_wait3A_115 = tpu.memref_slice %arg5[%dma_wait3A_114] : memref<320000xi32, #tpu.memory_space<hbm>> -> memref<80xi32, #tpu.memory_space<hbm>>
      %dma_wait3A_116 = arith.constant 0 : i32
      %dma_wait3A_117 = tpu.memref_slice %arg5[%dma_wait3A_116] : memref<320000xi32, #tpu.memory_space<hbm>> -> memref<80xi32, #tpu.memory_space<hbm>>
      tpu.wait_dma2 semaphore(%arg20 : memref<!tpu.dma_semaphore, #tpu.memory_space<semaphore_mem>>) src(%dma_wait3A_117 : memref<80xi32, #tpu.memory_space<hbm>>) dst(%arg11 : memref<80xi32, #tpu.memory_space<vmem>>)
      %dma_start3A_118 = arith.constant 0 : i32
      %dma_start3A_119 = arith.constant 0 : i32
      %dma_start3A_120 = tpu.memref_slice %arg2[%dma_start3A_118, %dma_start3A_119] : memref<10000x128xf32, #tpu.memory_space<hbm>> -> memref<10000x128xf32, #tpu.memory_space<hbm>>
      tpu.enqueue_indirect_dma source(%dma_start3A_120 : memref<10000x128xf32, #tpu.memory_space<hbm>>) target(%arg13 : memref<80x128xf32, #tpu.memory_space<vmem>>) offsets(%arg10 : memref<80xi32, #tpu.memory_space<vmem>>) semaphore(%arg16 : memref<!tpu.dma_semaphore, #tpu.memory_space<semaphore_mem>>)
      %dma_wait3A_121 = arith.constant 0 : i32
      %dma_wait3A_122 = arith.constant 0 : i32
      %dma_wait3A_123 = tpu.memref_slice %arg14[%dma_wait3A_121, %dma_wait3A_122] : memref<10240x128xf32, #tpu.memory_space<vmem_shared>> -> memref<10240x128xf32, #tpu.memory_space<vmem_shared>>
      tpu.wait_indirect_dma semaphore(%arg17 : memref<!tpu.dma_semaphore, #tpu.memory_space<semaphore_mem>>) src(%arg12 : memref<80x128xf32, #tpu.memory_space<vmem>>) dst(%dma_wait3A_123 : memref<10240x128xf32, #tpu.memory_space<vmem_shared>>)
      %add3A_124 = arith.constant 1 : i32
      %add3A_125 = arith.addi %add3A_109, %add3A_124 : i32
      %mul3A_126 = arith.constant 80 : i32
      %mul3A_127 = arith.muli %add3A_125, %mul3A_126 : i32
      %add3A_128 = arith.addi %mul3A_4, %mul3A_127 : i32
      %multiple_of3A_129 = tpu.assume_multiple %add3A_128, 8 : i32
      %dma_start3A_130 = tpu.memref_slice %arg4[%multiple_of3A_129] : memref<320000xi32, #tpu.memory_space<hbm>> -> memref<80xi32, #tpu.memory_space<hbm>>
      %dma_start3A_131 = tpu.memref_slice %arg4[%multiple_of3A_129] : memref<320000xi32, #tpu.memory_space<hbm>> -> memref<80xi32, #tpu.memory_space<hbm>>
      tpu.enqueue_dma source(%dma_start3A_131 : memref<80xi32, #tpu.memory_space<hbm>>) target(%arg8 : memref<80xi32, #tpu.memory_space<vmem>>) target_semaphore(%arg19 : memref<!tpu.dma_semaphore, #tpu.memory_space<semaphore_mem>>)
      %dma_start3A_132 = tpu.memref_slice %arg5[%multiple_of3A_129] : memref<320000xi32, #tpu.memory_space<hbm>> -> memref<80xi32, #tpu.memory_space<hbm>>
      %dma_start3A_133 = tpu.memref_slice %arg5[%multiple_of3A_129] : memref<320000xi32, #tpu.memory_space<hbm>> -> memref<80xi32, #tpu.memory_space<hbm>>
      tpu.enqueue_dma source(%dma_start3A_133 : memref<80xi32, #tpu.memory_space<hbm>>) target(%arg9 : memref<80xi32, #tpu.memory_space<vmem>>) target_semaphore(%arg19 : memref<!tpu.dma_semaphore, #tpu.memory_space<semaphore_mem>>)
      %dma_wait3A_134 = arith.constant 0 : i32
      %dma_wait3A_135 = arith.constant 0 : i32
      %dma_wait3A_136 = tpu.memref_slice %arg2[%dma_wait3A_134, %dma_wait3A_135] : memref<10000x128xf32, #tpu.memory_space<hbm>> -> memref<10000x128xf32, #tpu.memory_space<hbm>>
      tpu.wait_indirect_dma semaphore(%arg16 : memref<!tpu.dma_semaphore, #tpu.memory_space<semaphore_mem>>) src(%dma_wait3A_136 : memref<10000x128xf32, #tpu.memory_space<hbm>>) dst(%arg13 : memref<80x128xf32, #tpu.memory_space<vmem>>)
      %dma_start3A_137 = arith.constant 0 : i32
      %dma_start3A_138 = arith.constant 0 : i32
      %dma_start3A_139 = tpu.memref_slice %arg14[%dma_start3A_137, %dma_start3A_138] : memref<10240x128xf32, #tpu.memory_space<vmem_shared>> -> memref<10240x128xf32, #tpu.memory_space<vmem_shared>>
      tpu.enqueue_indirect_dma source(%arg13 : memref<80x128xf32, #tpu.memory_space<vmem>>) target(%dma_start3A_139 : memref<10240x128xf32, #tpu.memory_space<vmem_shared>>) offsets(%arg11 : memref<80xi32, #tpu.memory_space<vmem>>) semaphore(%arg18 : memref<!tpu.dma_semaphore, #tpu.memory_space<semaphore_mem>>) {add = true}
      %dma_wait3A_140 = arith.constant 0 : i32
      %dma_wait3A_141 = tpu.memref_slice %arg4[%dma_wait3A_140] : memref<320000xi32, #tpu.memory_space<hbm>> -> memref<80xi32, #tpu.memory_space<hbm>>
      %dma_wait3A_142 = arith.constant 0 : i32
      %dma_wait3A_143 = tpu.memref_slice %arg4[%dma_wait3A_142] : memref<320000xi32, #tpu.memory_space<hbm>> -> memref<80xi32, #tpu.memory_space<hbm>>
      tpu.wait_dma2 semaphore(%arg19 : memref<!tpu.dma_semaphore, #tpu.memory_space<semaphore_mem>>) src(%dma_wait3A_143 : memref<80xi32, #tpu.memory_space<hbm>>) dst(%arg8 : memref<80xi32, #tpu.memory_space<vmem>>)
      %dma_wait3A_144 = arith.constant 0 : i32
      %dma_wait3A_145 = tpu.memref_slice %arg5[%dma_wait3A_144] : memref<320000xi32, #tpu.memory_space<hbm>> -> memref<80xi32, #tpu.memory_space<hbm>>
      %dma_wait3A_146 = arith.constant 0 : i32
      %dma_wait3A_147 = tpu.memref_slice %arg5[%dma_wait3A_146] : memref<320000xi32, #tpu.memory_space<hbm>> -> memref<80xi32, #tpu.memory_space<hbm>>
      tpu.wait_dma2 semaphore(%arg19 : memref<!tpu.dma_semaphore, #tpu.memory_space<semaphore_mem>>) src(%dma_wait3A_147 : memref<80xi32, #tpu.memory_space<hbm>>) dst(%arg9 : memref<80xi32, #tpu.memory_space<vmem>>)
      %dma_start3A_148 = arith.constant 0 : i32
      %dma_start3A_149 = arith.constant 0 : i32
      %dma_start3A_150 = tpu.memref_slice %arg2[%dma_start3A_148, %dma_start3A_149] : memref<10000x128xf32, #tpu.memory_space<hbm>> -> memref<10000x128xf32, #tpu.memory_space<hbm>>
      tpu.enqueue_indirect_dma source(%dma_start3A_150 : memref<10000x128xf32, #tpu.memory_space<hbm>>) target(%arg12 : memref<80x128xf32, #tpu.memory_space<vmem>>) offsets(%arg8 : memref<80xi32, #tpu.memory_space<vmem>>) semaphore(%arg15 : memref<!tpu.dma_semaphore, #tpu.memory_space<semaphore_mem>>)
      %dma_wait3A_151 = arith.constant 0 : i32
      %dma_wait3A_152 = arith.constant 0 : i32
      %dma_wait3A_153 = tpu.memref_slice %arg2[%dma_wait3A_151, %dma_wait3A_152] : memref<10000x128xf32, #tpu.memory_space<hbm>> -> memref<10000x128xf32, #tpu.memory_space<hbm>>
      tpu.wait_indirect_dma semaphore(%arg15 : memref<!tpu.dma_semaphore, #tpu.memory_space<semaphore_mem>>) src(%dma_wait3A_153 : memref<10000x128xf32, #tpu.memory_space<hbm>>) dst(%arg12 : memref<80x128xf32, #tpu.memory_space<vmem>>)
      %dma_wait3A_154 = arith.constant 0 : i32
      %dma_wait3A_155 = arith.constant 0 : i32
      %dma_wait3A_156 = tpu.memref_slice %arg14[%dma_wait3A_154, %dma_wait3A_155] : memref<10240x128xf32, #tpu.memory_space<vmem_shared>> -> memref<10240x128xf32, #tpu.memory_space<vmem_shared>>
      tpu.wait_indirect_dma semaphore(%arg18 : memref<!tpu.dma_semaphore, #tpu.memory_space<semaphore_mem>>) src(%arg13 : memref<80x128xf32, #tpu.memory_space<vmem>>) dst(%dma_wait3A_156 : memref<10240x128xf32, #tpu.memory_space<vmem_shared>>)
      %add3A_157 = arith.constant 2 : i32
      %add3A_158 = arith.addi %add3A_109, %add3A_157 : i32
      %min3A = arith.constant 124 : i32
      %min3A_159 = arith.minsi %add3A_158, %min3A : i32
      %mul3A_160 = arith.constant 80 : i32
      %mul3A_161 = arith.muli %min3A_159, %mul3A_160 : i32
      %add3A_162 = arith.addi %mul3A_4, %mul3A_161 : i32
      %multiple_of3A_163 = tpu.assume_multiple %add3A_162, 8 : i32
      %dma_start3A_164 = tpu.memref_slice %arg4[%multiple_of3A_163] : memref<320000xi32, #tpu.memory_space<hbm>> -> memref<80xi32, #tpu.memory_space<hbm>>
      %dma_start3A_165 = tpu.memref_slice %arg4[%multiple_of3A_163] : memref<320000xi32, #tpu.memory_space<hbm>> -> memref<80xi32, #tpu.memory_space<hbm>>
      tpu.enqueue_dma source(%dma_start3A_165 : memref<80xi32, #tpu.memory_space<hbm>>) target(%arg10 : memref<80xi32, #tpu.memory_space<vmem>>) target_semaphore(%arg20 : memref<!tpu.dma_semaphore, #tpu.memory_space<semaphore_mem>>)
      %dma_start3A_166 = tpu.memref_slice %arg5[%multiple_of3A_163] : memref<320000xi32, #tpu.memory_space<hbm>> -> memref<80xi32, #tpu.memory_space<hbm>>
      %dma_start3A_167 = tpu.memref_slice %arg5[%multiple_of3A_163] : memref<320000xi32, #tpu.memory_space<hbm>> -> memref<80xi32, #tpu.memory_space<hbm>>
      tpu.enqueue_dma source(%dma_start3A_167 : memref<80xi32, #tpu.memory_space<hbm>>) target(%arg11 : memref<80xi32, #tpu.memory_space<vmem>>) target_semaphore(%arg20 : memref<!tpu.dma_semaphore, #tpu.memory_space<semaphore_mem>>)
      %dma_start3A_168 = arith.constant 0 : i32
      %dma_start3A_169 = arith.constant 0 : i32
      %dma_start3A_170 = tpu.memref_slice %arg14[%dma_start3A_168, %dma_start3A_169] : memref<10240x128xf32, #tpu.memory_space<vmem_shared>> -> memref<10240x128xf32, #tpu.memory_space<vmem_shared>>
      tpu.enqueue_indirect_dma source(%arg12 : memref<80x128xf32, #tpu.memory_space<vmem>>) target(%dma_start3A_170 : memref<10240x128xf32, #tpu.memory_space<vmem_shared>>) offsets(%arg9 : memref<80xi32, #tpu.memory_space<vmem>>) semaphore(%arg17 : memref<!tpu.dma_semaphore, #tpu.memory_space<semaphore_mem>>) {add = true}
    }
    %scan3A_37 = arith.constant 62 : i32
    %dma_wait3A_38 = arith.constant 0 : i32
    %dma_wait3A_39 = tpu.memref_slice %arg4[%dma_wait3A_38] : memref<320000xi32, #tpu.memory_space<hbm>> -> memref<80xi32, #tpu.memory_space<hbm>>
    %dma_wait3A_40 = arith.constant 0 : i32
    %dma_wait3A_41 = tpu.memref_slice %arg4[%dma_wait3A_40] : memref<320000xi32, #tpu.memory_space<hbm>> -> memref<80xi32, #tpu.memory_space<hbm>>
    tpu.wait_dma2 semaphore(%arg20 : memref<!tpu.dma_semaphore, #tpu.memory_space<semaphore_mem>>) src(%dma_wait3A_41 : memref<80xi32, #tpu.memory_space<hbm>>) dst(%arg10 : memref<80xi32, #tpu.memory_space<vmem>>)
    %dma_wait3A_42 = arith.constant 0 : i32
    %dma_wait3A_43 = tpu.memref_slice %arg5[%dma_wait3A_42] : memref<320000xi32, #tpu.memory_space<hbm>> -> memref<80xi32, #tpu.memory_space<hbm>>
    %dma_wait3A_44 = arith.constant 0 : i32
    %dma_wait3A_45 = tpu.memref_slice %arg5[%dma_wait3A_44] : memref<320000xi32, #tpu.memory_space<hbm>> -> memref<80xi32, #tpu.memory_space<hbm>>
    tpu.wait_dma2 semaphore(%arg20 : memref<!tpu.dma_semaphore, #tpu.memory_space<semaphore_mem>>) src(%dma_wait3A_45 : memref<80xi32, #tpu.memory_space<hbm>>) dst(%arg11 : memref<80xi32, #tpu.memory_space<vmem>>)
    %dma_wait3A_46 = arith.constant 0 : i32
    %dma_wait3A_47 = arith.constant 0 : i32
    %dma_wait3A_48 = tpu.memref_slice %arg14[%dma_wait3A_46, %dma_wait3A_47] : memref<10240x128xf32, #tpu.memory_space<vmem_shared>> -> memref<10240x128xf32, #tpu.memory_space<vmem_shared>>
    tpu.wait_indirect_dma semaphore(%arg17 : memref<!tpu.dma_semaphore, #tpu.memory_space<semaphore_mem>>) src(%arg12 : memref<80x128xf32, #tpu.memory_space<vmem>>) dst(%dma_wait3A_48 : memref<10240x128xf32, #tpu.memory_space<vmem_shared>>)
    %barrier3A_49 = arith.constant 0 : index
    tpu.barrier barrier_id(%barrier3A_49)
    %add3A_50 = arith.constant 0 : i32
    %add3A_51 = arith.addi %add3A_50, %arg0 : i32
    "tpu.region"() ({
      %run_scoped3A = tpu.sem_alloc : memref<!tpu.dma_semaphore, #tpu.memory_space<semaphore_mem>>
      %dma_start3A_105 = arith.constant 0 : i32
      %dma_start3A_106 = tpu.memref_slice %arg7[%add3A_51, %mul3A_2, %dma_start3A_105] : memref<4x10240x128xf32, #tpu.memory_space<hbm>> -> memref<1x640x128xf32, #tpu.memory_space<hbm>>
      %dma_start3A_107 = tpu.memref_squeeze %dma_start3A_106 : memref<1x640x128xf32, #tpu.memory_space<hbm>> -> memref<640x128xf32, #tpu.memory_space<hbm>>
      %dma_start3A_108 = arith.constant 0 : i32
      %dma_start3A_109 = tpu.memref_slice %arg14[%mul3A_2, %dma_start3A_108] : memref<10240x128xf32, #tpu.memory_space<vmem_shared>> -> memref<640x128xf32, #tpu.memory_space<vmem_shared>>
      tpu.enqueue_dma source(%dma_start3A_109 : memref<640x128xf32, #tpu.memory_space<vmem_shared>>) target(%dma_start3A_107 : memref<640x128xf32, #tpu.memory_space<hbm>>) target_semaphore(%run_scoped3A : memref<!tpu.dma_semaphore, #tpu.memory_space<semaphore_mem>>)
      %dma_wait3A_110 = arith.constant 0 : i32
      %dma_wait3A_111 = tpu.memref_slice %arg7[%add3A_51, %mul3A_2, %dma_wait3A_110] : memref<4x10240x128xf32, #tpu.memory_space<hbm>> -> memref<1x640x128xf32, #tpu.memory_space<hbm>>
      %dma_wait3A_112 = tpu.memref_squeeze %dma_wait3A_111 : memref<1x640x128xf32, #tpu.memory_space<hbm>> -> memref<640x128xf32, #tpu.memory_space<hbm>>
      %dma_wait3A_113 = arith.constant 0 : i32
      %dma_wait3A_114 = tpu.memref_slice %arg14[%mul3A_2, %dma_wait3A_113] : memref<10240x128xf32, #tpu.memory_space<vmem_shared>> -> memref<640x128xf32, #tpu.memory_space<vmem_shared>>
      tpu.wait_dma2 semaphore(%run_scoped3A : memref<!tpu.dma_semaphore, #tpu.memory_space<semaphore_mem>>) src(%dma_wait3A_114 : memref<640x128xf32, #tpu.memory_space<vmem_shared>>) dst(%dma_wait3A_112 : memref<640x128xf32, #tpu.memory_space<hbm>>)
      tpu.yield
    }) : () -> ()
    %barrier3A_52 = arith.constant 0 : index
    tpu.barrier barrier_id(%barrier3A_52)
    "tpu.region"() ({
      %run_scoped3A = tpu.sem_alloc : memref<!tpu.dma_semaphore, #tpu.memory_space<semaphore_mem>>
      %dma_start3A_105 = arith.constant 0 : i32
      %dma_start3A_106 = tpu.memref_slice %arg14[%mul3A_2, %dma_start3A_105] : memref<10240x128xf32, #tpu.memory_space<vmem_shared>> -> memref<640x128xf32, #tpu.memory_space<vmem_shared>>
      tpu.enqueue_dma source(%arg6 : memref<640x128xf32, #tpu.memory_space<hbm>>) target(%dma_start3A_106 : memref<640x128xf32, #tpu.memory_space<vmem_shared>>) target_semaphore(%run_scoped3A : memref<!tpu.dma_semaphore, #tpu.memory_space<semaphore_mem>>)
      %dma_wait3A_107 = arith.constant 0 : i32
      %dma_wait3A_108 = tpu.memref_slice %arg14[%mul3A_2, %dma_wait3A_107] : memref<10240x128xf32, #tpu.memory_space<vmem_shared>> -> memref<640x128xf32, #tpu.memory_space<vmem_shared>>
      tpu.wait_dma2 semaphore(%run_scoped3A : memref<!tpu.dma_semaphore, #tpu.memory_space<semaphore_mem>>) src(%arg6 : memref<640x128xf32, #tpu.memory_space<hbm>>) dst(%dma_wait3A_108 : memref<640x128xf32, #tpu.memory_space<vmem_shared>>)
      tpu.yield
    }) : () -> ()
    %barrier3A_53 = arith.constant 0 : index
    tpu.barrier barrier_id(%barrier3A_53)
    %add3A_54 = arith.constant 0 : i32
    %add3A_55 = arith.addi %mul3A_4, %add3A_54 : i32
    %multiple_of3A_56 = tpu.assume_multiple %add3A_55, 8 : i32
    %dma_start3A_57 = tpu.memref_slice %arg4[%multiple_of3A_56] : memref<320000xi32, #tpu.memory_space<hbm>> -> memref<80xi32, #tpu.memory_space<hbm>>
    %dma_start3A_58 = tpu.memref_slice %arg4[%multiple_of3A_56] : memref<320000xi32, #tpu.memory_space<hbm>> -> memref<80xi32, #tpu.memory_space<hbm>>
    tpu.enqueue_dma source(%dma_start3A_58 : memref<80xi32, #tpu.memory_space<hbm>>) target(%arg8 : memref<80xi32, #tpu.memory_space<vmem>>) target_semaphore(%arg19 : memref<!tpu.dma_semaphore, #tpu.memory_space<semaphore_mem>>)
    %dma_start3A_59 = tpu.memref_slice %arg5[%multiple_of3A_56] : memref<320000xi32, #tpu.memory_space<hbm>> -> memref<80xi32, #tpu.memory_space<hbm>>
    %dma_start3A_60 = tpu.memref_slice %arg5[%multiple_of3A_56] : memref<320000xi32, #tpu.memory_space<hbm>> -> memref<80xi32, #tpu.memory_space<hbm>>
    tpu.enqueue_dma source(%dma_start3A_60 : memref<80xi32, #tpu.memory_space<hbm>>) target(%arg9 : memref<80xi32, #tpu.memory_space<vmem>>) target_semaphore(%arg19 : memref<!tpu.dma_semaphore, #tpu.memory_space<semaphore_mem>>)
    %dma_wait3A_61 = arith.constant 0 : i32
    %dma_wait3A_62 = tpu.memref_slice %arg4[%dma_wait3A_61] : memref<320000xi32, #tpu.memory_space<hbm>> -> memref<80xi32, #tpu.memory_space<hbm>>
    %dma_wait3A_63 = arith.constant 0 : i32
    %dma_wait3A_64 = tpu.memref_slice %arg4[%dma_wait3A_63] : memref<320000xi32, #tpu.memory_space<hbm>> -> memref<80xi32, #tpu.memory_space<hbm>>
    tpu.wait_dma2 semaphore(%arg19 : memref<!tpu.dma_semaphore, #tpu.memory_space<semaphore_mem>>) src(%dma_wait3A_64 : memref<80xi32, #tpu.memory_space<hbm>>) dst(%arg8 : memref<80xi32, #tpu.memory_space<vmem>>)
    %dma_wait3A_65 = arith.constant 0 : i32
    %dma_wait3A_66 = tpu.memref_slice %arg5[%dma_wait3A_65] : memref<320000xi32, #tpu.memory_space<hbm>> -> memref<80xi32, #tpu.memory_space<hbm>>
    %dma_wait3A_67 = arith.constant 0 : i32
    %dma_wait3A_68 = tpu.memref_slice %arg5[%dma_wait3A_67] : memref<320000xi32, #tpu.memory_space<hbm>> -> memref<80xi32, #tpu.memory_space<hbm>>
    tpu.wait_dma2 semaphore(%arg19 : memref<!tpu.dma_semaphore, #tpu.memory_space<semaphore_mem>>) src(%dma_wait3A_68 : memref<80xi32, #tpu.memory_space<hbm>>) dst(%arg9 : memref<80xi32, #tpu.memory_space<vmem>>)
    %dma_start3A_69 = arith.constant 0 : i32
    %dma_start3A_70 = arith.constant 0 : i32
    %dma_start3A_71 = tpu.memref_slice %arg3[%dma_start3A_69, %dma_start3A_70] : memref<10000x128xf32, #tpu.memory_space<hbm>> -> memref<10000x128xf32, #tpu.memory_space<hbm>>
    tpu.enqueue_indirect_dma source(%dma_start3A_71 : memref<10000x128xf32, #tpu.memory_space<hbm>>) target(%arg12 : memref<80x128xf32, #tpu.memory_space<vmem>>) offsets(%arg8 : memref<80xi32, #tpu.memory_space<vmem>>) semaphore(%arg15 : memref<!tpu.dma_semaphore, #tpu.memory_space<semaphore_mem>>)
    %dma_wait3A_72 = arith.constant 0 : i32
    %dma_wait3A_73 = arith.constant 0 : i32
    %dma_wait3A_74 = tpu.memref_slice %arg3[%dma_wait3A_72, %dma_wait3A_73] : memref<10000x128xf32, #tpu.memory_space<hbm>> -> memref<10000x128xf32, #tpu.memory_space<hbm>>
    tpu.wait_indirect_dma semaphore(%arg15 : memref<!tpu.dma_semaphore, #tpu.memory_space<semaphore_mem>>) src(%dma_wait3A_74 : memref<10000x128xf32, #tpu.memory_space<hbm>>) dst(%arg12 : memref<80x128xf32, #tpu.memory_space<vmem>>)
    %dma_start3A_75 = arith.constant 0 : i32
    %dma_start3A_76 = arith.constant 0 : i32
    %dma_start3A_77 = tpu.memref_slice %arg14[%dma_start3A_75, %dma_start3A_76] : memref<10240x128xf32, #tpu.memory_space<vmem_shared>> -> memref<10240x128xf32, #tpu.memory_space<vmem_shared>>
    tpu.enqueue_indirect_dma source(%arg12 : memref<80x128xf32, #tpu.memory_space<vmem>>) target(%dma_start3A_77 : memref<10240x128xf32, #tpu.memory_space<vmem_shared>>) offsets(%arg9 : memref<80xi32, #tpu.memory_space<vmem>>) semaphore(%arg17 : memref<!tpu.dma_semaphore, #tpu.memory_space<semaphore_mem>>) {add = true}
    %add3A_78 = arith.constant 80 : i32
    %add3A_79 = arith.addi %mul3A_4, %add3A_78 : i32
    %multiple_of3A_80 = tpu.assume_multiple %add3A_79, 8 : i32
    %dma_start3A_81 = tpu.memref_slice %arg4[%multiple_of3A_80] : memref<320000xi32, #tpu.memory_space<hbm>> -> memref<80xi32, #tpu.memory_space<hbm>>
    %dma_start3A_82 = tpu.memref_slice %arg4[%multiple_of3A_80] : memref<320000xi32, #tpu.memory_space<hbm>> -> memref<80xi32, #tpu.memory_space<hbm>>
    tpu.enqueue_dma source(%dma_start3A_82 : memref<80xi32, #tpu.memory_space<hbm>>) target(%arg10 : memref<80xi32, #tpu.memory_space<vmem>>) target_semaphore(%arg20 : memref<!tpu.dma_semaphore, #tpu.memory_space<semaphore_mem>>)
    %dma_start3A_83 = tpu.memref_slice %arg5[%multiple_of3A_80] : memref<320000xi32, #tpu.memory_space<hbm>> -> memref<80xi32, #tpu.memory_space<hbm>>
    %dma_start3A_84 = tpu.memref_slice %arg5[%multiple_of3A_80] : memref<320000xi32, #tpu.memory_space<hbm>> -> memref<80xi32, #tpu.memory_space<hbm>>
    tpu.enqueue_dma source(%dma_start3A_84 : memref<80xi32, #tpu.memory_space<hbm>>) target(%arg11 : memref<80xi32, #tpu.memory_space<vmem>>) target_semaphore(%arg20 : memref<!tpu.dma_semaphore, #tpu.memory_space<semaphore_mem>>)
    %scan3A_85 = arith.constant 0 : i32
    %scan3A_86 = arith.constant 0 : i32
    %scan3A_87 = arith.constant 62 : i32
    %scan3A_88 = arith.addi %scan3A_86, %scan3A_87 : i32
    %scan3A_89 = arith.constant 1 : i32
    scf.for %scan3A_105 = %scan3A_86 to %scan3A_88 step %scan3A_89  : i32 {
      %mul3A_106 = arith.constant 2 : i32
      %mul3A_107 = arith.muli %mul3A_106, %scan3A_105 : i32
      %add3A_108 = arith.constant 1 : i32
      %add3A_109 = arith.addi %mul3A_107, %add3A_108 : i32
      %dma_wait3A_110 = arith.constant 0 : i32
      %dma_wait3A_111 = tpu.memref_slice %arg4[%dma_wait3A_110] : memref<320000xi32, #tpu.memory_space<hbm>> -> memref<80xi32, #tpu.memory_space<hbm>>
      %dma_wait3A_112 = arith.constant 0 : i32
      %dma_wait3A_113 = tpu.memref_slice %arg4[%dma_wait3A_112] : memref<320000xi32, #tpu.memory_space<hbm>> -> memref<80xi32, #tpu.memory_space<hbm>>
      tpu.wait_dma2 semaphore(%arg20 : memref<!tpu.dma_semaphore, #tpu.memory_space<semaphore_mem>>) src(%dma_wait3A_113 : memref<80xi32, #tpu.memory_space<hbm>>) dst(%arg10 : memref<80xi32, #tpu.memory_space<vmem>>)
      %dma_wait3A_114 = arith.constant 0 : i32
      %dma_wait3A_115 = tpu.memref_slice %arg5[%dma_wait3A_114] : memref<320000xi32, #tpu.memory_space<hbm>> -> memref<80xi32, #tpu.memory_space<hbm>>
      %dma_wait3A_116 = arith.constant 0 : i32
      %dma_wait3A_117 = tpu.memref_slice %arg5[%dma_wait3A_116] : memref<320000xi32, #tpu.memory_space<hbm>> -> memref<80xi32, #tpu.memory_space<hbm>>
      tpu.wait_dma2 semaphore(%arg20 : memref<!tpu.dma_semaphore, #tpu.memory_space<semaphore_mem>>) src(%dma_wait3A_117 : memref<80xi32, #tpu.memory_space<hbm>>) dst(%arg11 : memref<80xi32, #tpu.memory_space<vmem>>)
      %dma_start3A_118 = arith.constant 0 : i32
      %dma_start3A_119 = arith.constant 0 : i32
      %dma_start3A_120 = tpu.memref_slice %arg3[%dma_start3A_118, %dma_start3A_119] : memref<10000x128xf32, #tpu.memory_space<hbm>> -> memref<10000x128xf32, #tpu.memory_space<hbm>>
      tpu.enqueue_indirect_dma source(%dma_start3A_120 : memref<10000x128xf32, #tpu.memory_space<hbm>>) target(%arg13 : memref<80x128xf32, #tpu.memory_space<vmem>>) offsets(%arg10 : memref<80xi32, #tpu.memory_space<vmem>>) semaphore(%arg16 : memref<!tpu.dma_semaphore, #tpu.memory_space<semaphore_mem>>)
      %dma_wait3A_121 = arith.constant 0 : i32
      %dma_wait3A_122 = arith.constant 0 : i32
      %dma_wait3A_123 = tpu.memref_slice %arg14[%dma_wait3A_121, %dma_wait3A_122] : memref<10240x128xf32, #tpu.memory_space<vmem_shared>> -> memref<10240x128xf32, #tpu.memory_space<vmem_shared>>
      tpu.wait_indirect_dma semaphore(%arg17 : memref<!tpu.dma_semaphore, #tpu.memory_space<semaphore_mem>>) src(%arg12 : memref<80x128xf32, #tpu.memory_space<vmem>>) dst(%dma_wait3A_123 : memref<10240x128xf32, #tpu.memory_space<vmem_shared>>)
      %add3A_124 = arith.constant 1 : i32
      %add3A_125 = arith.addi %add3A_109, %add3A_124 : i32
      %mul3A_126 = arith.constant 80 : i32
      %mul3A_127 = arith.muli %add3A_125, %mul3A_126 : i32
      %add3A_128 = arith.addi %mul3A_4, %mul3A_127 : i32
      %multiple_of3A_129 = tpu.assume_multiple %add3A_128, 8 : i32
      %dma_start3A_130 = tpu.memref_slice %arg4[%multiple_of3A_129] : memref<320000xi32, #tpu.memory_space<hbm>> -> memref<80xi32, #tpu.memory_space<hbm>>
      %dma_start3A_131 = tpu.memref_slice %arg4[%multiple_of3A_129] : memref<320000xi32, #tpu.memory_space<hbm>> -> memref<80xi32, #tpu.memory_space<hbm>>
      tpu.enqueue_dma source(%dma_start3A_131 : memref<80xi32, #tpu.memory_space<hbm>>) target(%arg8 : memref<80xi32, #tpu.memory_space<vmem>>) target_semaphore(%arg19 : memref<!tpu.dma_semaphore, #tpu.memory_space<semaphore_mem>>)
      %dma_start3A_132 = tpu.memref_slice %arg5[%multiple_of3A_129] : memref<320000xi32, #tpu.memory_space<hbm>> -> memref<80xi32, #tpu.memory_space<hbm>>
      %dma_start3A_133 = tpu.memref_slice %arg5[%multiple_of3A_129] : memref<320000xi32, #tpu.memory_space<hbm>> -> memref<80xi32, #tpu.memory_space<hbm>>
      tpu.enqueue_dma source(%dma_start3A_133 : memref<80xi32, #tpu.memory_space<hbm>>) target(%arg9 : memref<80xi32, #tpu.memory_space<vmem>>) target_semaphore(%arg19 : memref<!tpu.dma_semaphore, #tpu.memory_space<semaphore_mem>>)
      %dma_wait3A_134 = arith.constant 0 : i32
      %dma_wait3A_135 = arith.constant 0 : i32
      %dma_wait3A_136 = tpu.memref_slice %arg3[%dma_wait3A_134, %dma_wait3A_135] : memref<10000x128xf32, #tpu.memory_space<hbm>> -> memref<10000x128xf32, #tpu.memory_space<hbm>>
      tpu.wait_indirect_dma semaphore(%arg16 : memref<!tpu.dma_semaphore, #tpu.memory_space<semaphore_mem>>) src(%dma_wait3A_136 : memref<10000x128xf32, #tpu.memory_space<hbm>>) dst(%arg13 : memref<80x128xf32, #tpu.memory_space<vmem>>)
      %dma_start3A_137 = arith.constant 0 : i32
      %dma_start3A_138 = arith.constant 0 : i32
      %dma_start3A_139 = tpu.memref_slice %arg14[%dma_start3A_137, %dma_start3A_138] : memref<10240x128xf32, #tpu.memory_space<vmem_shared>> -> memref<10240x128xf32, #tpu.memory_space<vmem_shared>>
      tpu.enqueue_indirect_dma source(%arg13 : memref<80x128xf32, #tpu.memory_space<vmem>>) target(%dma_start3A_139 : memref<10240x128xf32, #tpu.memory_space<vmem_shared>>) offsets(%arg11 : memref<80xi32, #tpu.memory_space<vmem>>) semaphore(%arg18 : memref<!tpu.dma_semaphore, #tpu.memory_space<semaphore_mem>>) {add = true}
      %dma_wait3A_140 = arith.constant 0 : i32
      %dma_wait3A_141 = tpu.memref_slice %arg4[%dma_wait3A_140] : memref<320000xi32, #tpu.memory_space<hbm>> -> memref<80xi32, #tpu.memory_space<hbm>>
      %dma_wait3A_142 = arith.constant 0 : i32
      %dma_wait3A_143 = tpu.memref_slice %arg4[%dma_wait3A_142] : memref<320000xi32, #tpu.memory_space<hbm>> -> memref<80xi32, #tpu.memory_space<hbm>>
      tpu.wait_dma2 semaphore(%arg19 : memref<!tpu.dma_semaphore, #tpu.memory_space<semaphore_mem>>) src(%dma_wait3A_143 : memref<80xi32, #tpu.memory_space<hbm>>) dst(%arg8 : memref<80xi32, #tpu.memory_space<vmem>>)
      %dma_wait3A_144 = arith.constant 0 : i32
      %dma_wait3A_145 = tpu.memref_slice %arg5[%dma_wait3A_144] : memref<320000xi32, #tpu.memory_space<hbm>> -> memref<80xi32, #tpu.memory_space<hbm>>
      %dma_wait3A_146 = arith.constant 0 : i32
      %dma_wait3A_147 = tpu.memref_slice %arg5[%dma_wait3A_146] : memref<320000xi32, #tpu.memory_space<hbm>> -> memref<80xi32, #tpu.memory_space<hbm>>
      tpu.wait_dma2 semaphore(%arg19 : memref<!tpu.dma_semaphore, #tpu.memory_space<semaphore_mem>>) src(%dma_wait3A_147 : memref<80xi32, #tpu.memory_space<hbm>>) dst(%arg9 : memref<80xi32, #tpu.memory_space<vmem>>)
      %dma_start3A_148 = arith.constant 0 : i32
      %dma_start3A_149 = arith.constant 0 : i32
      %dma_start3A_150 = tpu.memref_slice %arg3[%dma_start3A_148, %dma_start3A_149] : memref<10000x128xf32, #tpu.memory_space<hbm>> -> memref<10000x128xf32, #tpu.memory_space<hbm>>
      tpu.enqueue_indirect_dma source(%dma_start3A_150 : memref<10000x128xf32, #tpu.memory_space<hbm>>) target(%arg12 : memref<80x128xf32, #tpu.memory_space<vmem>>) offsets(%arg8 : memref<80xi32, #tpu.memory_space<vmem>>) semaphore(%arg15 : memref<!tpu.dma_semaphore, #tpu.memory_space<semaphore_mem>>)
      %dma_wait3A_151 = arith.constant 0 : i32
      %dma_wait3A_152 = arith.constant 0 : i32
      %dma_wait3A_153 = tpu.memref_slice %arg3[%dma_wait3A_151, %dma_wait3A_152] : memref<10000x128xf32, #tpu.memory_space<hbm>> -> memref<10000x128xf32, #tpu.memory_space<hbm>>
      tpu.wait_indirect_dma semaphore(%arg15 : memref<!tpu.dma_semaphore, #tpu.memory_space<semaphore_mem>>) src(%dma_wait3A_153 : memref<10000x128xf32, #tpu.memory_space<hbm>>) dst(%arg12 : memref<80x128xf32, #tpu.memory_space<vmem>>)
      %dma_wait3A_154 = arith.constant 0 : i32
      %dma_wait3A_155 = arith.constant 0 : i32
      %dma_wait3A_156 = tpu.memref_slice %arg14[%dma_wait3A_154, %dma_wait3A_155] : memref<10240x128xf32, #tpu.memory_space<vmem_shared>> -> memref<10240x128xf32, #tpu.memory_space<vmem_shared>>
      tpu.wait_indirect_dma semaphore(%arg18 : memref<!tpu.dma_semaphore, #tpu.memory_space<semaphore_mem>>) src(%arg13 : memref<80x128xf32, #tpu.memory_space<vmem>>) dst(%dma_wait3A_156 : memref<10240x128xf32, #tpu.memory_space<vmem_shared>>)
      %add3A_157 = arith.constant 2 : i32
      %add3A_158 = arith.addi %add3A_109, %add3A_157 : i32
      %min3A = arith.constant 124 : i32
      %min3A_159 = arith.minsi %add3A_158, %min3A : i32
      %mul3A_160 = arith.constant 80 : i32
      %mul3A_161 = arith.muli %min3A_159, %mul3A_160 : i32
      %add3A_162 = arith.addi %mul3A_4, %mul3A_161 : i32
      %multiple_of3A_163 = tpu.assume_multiple %add3A_162, 8 : i32
      %dma_start3A_164 = tpu.memref_slice %arg4[%multiple_of3A_163] : memref<320000xi32, #tpu.memory_space<hbm>> -> memref<80xi32, #tpu.memory_space<hbm>>
      %dma_start3A_165 = tpu.memref_slice %arg4[%multiple_of3A_163] : memref<320000xi32, #tpu.memory_space<hbm>> -> memref<80xi32, #tpu.memory_space<hbm>>
      tpu.enqueue_dma source(%dma_start3A_165 : memref<80xi32, #tpu.memory_space<hbm>>) target(%arg10 : memref<80xi32, #tpu.memory_space<vmem>>) target_semaphore(%arg20 : memref<!tpu.dma_semaphore, #tpu.memory_space<semaphore_mem>>)
      %dma_start3A_166 = tpu.memref_slice %arg5[%multiple_of3A_163] : memref<320000xi32, #tpu.memory_space<hbm>> -> memref<80xi32, #tpu.memory_space<hbm>>
      %dma_start3A_167 = tpu.memref_slice %arg5[%multiple_of3A_163] : memref<320000xi32, #tpu.memory_space<hbm>> -> memref<80xi32, #tpu.memory_space<hbm>>
      tpu.enqueue_dma source(%dma_start3A_167 : memref<80xi32, #tpu.memory_space<hbm>>) target(%arg11 : memref<80xi32, #tpu.memory_space<vmem>>) target_semaphore(%arg20 : memref<!tpu.dma_semaphore, #tpu.memory_space<semaphore_mem>>)
      %dma_start3A_168 = arith.constant 0 : i32
      %dma_start3A_169 = arith.constant 0 : i32
      %dma_start3A_170 = tpu.memref_slice %arg14[%dma_start3A_168, %dma_start3A_169] : memref<10240x128xf32, #tpu.memory_space<vmem_shared>> -> memref<10240x128xf32, #tpu.memory_space<vmem_shared>>
      tpu.enqueue_indirect_dma source(%arg12 : memref<80x128xf32, #tpu.memory_space<vmem>>) target(%dma_start3A_170 : memref<10240x128xf32, #tpu.memory_space<vmem_shared>>) offsets(%arg9 : memref<80xi32, #tpu.memory_space<vmem>>) semaphore(%arg17 : memref<!tpu.dma_semaphore, #tpu.memory_space<semaphore_mem>>) {add = true}
    }
    %scan3A_90 = arith.constant 62 : i32
    %dma_wait3A_91 = arith.constant 0 : i32
    %dma_wait3A_92 = tpu.memref_slice %arg4[%dma_wait3A_91] : memref<320000xi32, #tpu.memory_space<hbm>> -> memref<80xi32, #tpu.memory_space<hbm>>
    %dma_wait3A_93 = arith.constant 0 : i32
    %dma_wait3A_94 = tpu.memref_slice %arg4[%dma_wait3A_93] : memref<320000xi32, #tpu.memory_space<hbm>> -> memref<80xi32, #tpu.memory_space<hbm>>
    tpu.wait_dma2 semaphore(%arg20 : memref<!tpu.dma_semaphore, #tpu.memory_space<semaphore_mem>>) src(%dma_wait3A_94 : memref<80xi32, #tpu.memory_space<hbm>>) dst(%arg10 : memref<80xi32, #tpu.memory_space<vmem>>)
    %dma_wait3A_95 = arith.constant 0 : i32
    %dma_wait3A_96 = tpu.memref_slice %arg5[%dma_wait3A_95] : memref<320000xi32, #tpu.memory_space<hbm>> -> memref<80xi32, #tpu.memory_space<hbm>>
    %dma_wait3A_97 = arith.constant 0 : i32
    %dma_wait3A_98 = tpu.memref_slice %arg5[%dma_wait3A_97] : memref<320000xi32, #tpu.memory_space<hbm>> -> memref<80xi32, #tpu.memory_space<hbm>>
    tpu.wait_dma2 semaphore(%arg20 : memref<!tpu.dma_semaphore, #tpu.memory_space<semaphore_mem>>) src(%dma_wait3A_98 : memref<80xi32, #tpu.memory_space<hbm>>) dst(%arg11 : memref<80xi32, #tpu.memory_space<vmem>>)
    %dma_wait3A_99 = arith.constant 0 : i32
    %dma_wait3A_100 = arith.constant 0 : i32
    %dma_wait3A_101 = tpu.memref_slice %arg14[%dma_wait3A_99, %dma_wait3A_100] : memref<10240x128xf32, #tpu.memory_space<vmem_shared>> -> memref<10240x128xf32, #tpu.memory_space<vmem_shared>>
    tpu.wait_indirect_dma semaphore(%arg17 : memref<!tpu.dma_semaphore, #tpu.memory_space<semaphore_mem>>) src(%arg12 : memref<80x128xf32, #tpu.memory_space<vmem>>) dst(%dma_wait3A_101 : memref<10240x128xf32, #tpu.memory_space<vmem_shared>>)
    %barrier3A_102 = arith.constant 0 : index
    tpu.barrier barrier_id(%barrier3A_102)
    %add3A_103 = arith.constant 2 : i32
    %add3A_104 = arith.addi %add3A_103, %arg0 : i32
    "tpu.region"() ({
      %run_scoped3A = tpu.sem_alloc : memref<!tpu.dma_semaphore, #tpu.memory_space<semaphore_mem>>
      %dma_start3A_105 = arith.constant 0 : i32
      %dma_start3A_106 = tpu.memref_slice %arg7[%add3A_104, %mul3A_2, %dma_start3A_105] : memref<4x10240x128xf32, #tpu.memory_space<hbm>> -> memref<1x640x128xf32, #tpu.memory_space<hbm>>
      %dma_start3A_107 = tpu.memref_squeeze %dma_start3A_106 : memref<1x640x128xf32, #tpu.memory_space<hbm>> -> memref<640x128xf32, #tpu.memory_space<hbm>>
      %dma_start3A_108 = arith.constant 0 : i32
      %dma_start3A_109 = tpu.memref_slice %arg14[%mul3A_2, %dma_start3A_108] : memref<10240x128xf32, #tpu.memory_space<vmem_shared>> -> memref<640x128xf32, #tpu.memory_space<vmem_shared>>
      tpu.enqueue_dma source(%dma_start3A_109 : memref<640x128xf32, #tpu.memory_space<vmem_shared>>) target(%dma_start3A_107 : memref<640x128xf32, #tpu.memory_space<hbm>>) target_semaphore(%run_scoped3A : memref<!tpu.dma_semaphore, #tpu.memory_space<semaphore_mem>>)
      %dma_wait3A_110 = arith.constant 0 : i32
      %dma_wait3A_111 = tpu.memref_slice %arg7[%add3A_104, %mul3A_2, %dma_wait3A_110] : memref<4x10240x128xf32, #tpu.memory_space<hbm>> -> memref<1x640x128xf32, #tpu.memory_space<hbm>>
      %dma_wait3A_112 = tpu.memref_squeeze %dma_wait3A_111 : memref<1x640x128xf32, #tpu.memory_space<hbm>> -> memref<640x128xf32, #tpu.memory_space<hbm>>
      %dma_wait3A_113 = arith.constant 0 : i32
      %dma_wait3A_114 = tpu.memref_slice %arg14[%mul3A_2, %dma_wait3A_113] : memref<10240x128xf32, #tpu.memory_space<vmem_shared>> -> memref<640x128xf32, #tpu.memory_space<vmem_shared>>
      tpu.wait_dma2 semaphore(%run_scoped3A : memref<!tpu.dma_semaphore, #tpu.memory_space<semaphore_mem>>) src(%dma_wait3A_114 : memref<640x128xf32, #tpu.memory_space<vmem_shared>>) dst(%dma_wait3A_112 : memref<640x128xf32, #tpu.memory_space<hbm>>)
      tpu.yield
    }) : () -> ()
    return
  }
}

module attributes {stable_mosaic.version = 14 : i64} {
  func.func @body(%arg0: i32, %arg1: i32, %arg2: memref<4x2000x128xf32, #tpu.memory_space<vmem>>, %arg3: memref<2000x128xf32, #tpu.memory_space<vmem>>, %arg4: memref<2000x128xf32, #tpu.memory_space<vmem>>, %arg5: memref<2000x1xf32, #tpu.memory_space<vmem>>, %arg6: memref<1x256xf32, #tpu.memory_space<vmem>>, %arg7: memref<1x256xf32, #tpu.memory_space<vmem>>, %arg8: memref<1x256xf32, #tpu.memory_space<vmem>>, %arg9: memref<256x128xf32, #tpu.memory_space<vmem>>, %arg10: memref<2000x128xf32, #tpu.memory_space<vmem>>, %arg11: memref<10000x256xf32, #tpu.memory_space<vmem>>, %arg12: memref<1x256xf32, #tpu.memory_space<vmem>>, %arg13: memref<1x256xf32, #tpu.memory_space<vmem>>) attributes {dimension_semantics = [#tpu.dimension_semantics<arbitrary>, #tpu.dimension_semantics<arbitrary>], iteration_bounds = array<i64: 2, 5>, scalar_prefetch = 0 : i64, scratch_operands = 3 : i64, tpu.core_type = #tpu.core_type<tc>, window_params = [{transform_indices = @transform_0, window_bounds = array<i64: 4, 2000, 128>}, {transform_indices = @transform_1, window_bounds = array<i64: 2000, 128>}, {transform_indices = @transform_2, window_bounds = array<i64: 2000, 128>}, {transform_indices = @transform_3, window_bounds = array<i64: 2000, 1>}, {pipeline_mode = #tpu.pipeline_mode<synchronous>, transform_indices = @transform_4, window_bounds = array<i64: 1, 256>}, {pipeline_mode = #tpu.pipeline_mode<synchronous>, transform_indices = @transform_5, window_bounds = array<i64: 1, 256>}, {pipeline_mode = #tpu.pipeline_mode<synchronous>, transform_indices = @transform_6, window_bounds = array<i64: 1, 256>}, {pipeline_mode = #tpu.pipeline_mode<synchronous>, transform_indices = @transform_7, window_bounds = array<i64: 256, 128>}, {transform_indices = @transform_8, window_bounds = array<i64: 2000, 128>}]} {
    %eq3A = arith.constant 0 : i32
    %eq3A_0 = arith.cmpi eq, %arg0, %eq3A : i32
    %convert_element_type3A = arith.extui %eq3A_0 : i1 to i32
    %cond3A = arith.constant 0 : i32
    %cond3A_1 = arith.cmpi ne, %convert_element_type3A, %cond3A : i32
    scf.if %cond3A_1 {
      %get3A = arith.constant 0 : index
      %get3A_7 = arith.constant 0 : index
      %get3A_8 = vector.load %arg5[%get3A, %get3A_7] : memref<2000x1xf32, #tpu.memory_space<vmem>>, vector<2000x1xf32>
      %get3A_9 = arith.constant 0 : index
      %get3A_10 = arith.constant 0 : index
      %get3A_11 = arith.constant 0 : index
      %get3A_12 = vector.load %arg2[%get3A_9, %get3A_10, %get3A_11] : memref<4x2000x128xf32, #tpu.memory_space<vmem>>, vector<1x2000x128xf32>
      %get3A_13 = vector.shape_cast %get3A_12 : vector<1x2000x128xf32> to vector<2000x128xf32>
      %get3A_14 = arith.constant 1 : index
      %get3A_15 = arith.constant 0 : index
      %get3A_16 = arith.constant 0 : index
      %get3A_17 = vector.load %arg2[%get3A_14, %get3A_15, %get3A_16] : memref<4x2000x128xf32, #tpu.memory_space<vmem>>, vector<1x2000x128xf32>
      %get3A_18 = vector.shape_cast %get3A_17 : vector<1x2000x128xf32> to vector<2000x128xf32>
      %add3A = arith.addf %get3A_13, %get3A_18 : vector<2000x128xf32>
      %get3A_19 = arith.constant 0 : index
      %get3A_20 = arith.constant 0 : index
      %get3A_21 = vector.load %arg3[%get3A_19, %get3A_20] : memref<2000x128xf32, #tpu.memory_space<vmem>>, vector<2000x128xf32>
      %add3A_22 = arith.addf %add3A, %get3A_21 : vector<2000x128xf32>
      %mul3A = vector.broadcast %get3A_8 : vector<2000x1xf32> to vector<2000x128xf32>
      %mul3A_23 = arith.mulf %mul3A, %add3A_22 : vector<2000x128xf32>
      %get3A_24 = arith.constant 2 : index
      %get3A_25 = arith.constant 0 : index
      %get3A_26 = arith.constant 0 : index
      %get3A_27 = vector.load %arg2[%get3A_24, %get3A_25, %get3A_26] : memref<4x2000x128xf32, #tpu.memory_space<vmem>>, vector<1x2000x128xf32>
      %get3A_28 = vector.shape_cast %get3A_27 : vector<1x2000x128xf32> to vector<2000x128xf32>
      %get3A_29 = arith.constant 3 : index
      %get3A_30 = arith.constant 0 : index
      %get3A_31 = arith.constant 0 : index
      %get3A_32 = vector.load %arg2[%get3A_29, %get3A_30, %get3A_31] : memref<4x2000x128xf32, #tpu.memory_space<vmem>>, vector<1x2000x128xf32>
      %get3A_33 = vector.shape_cast %get3A_32 : vector<1x2000x128xf32> to vector<2000x128xf32>
      %add3A_34 = arith.addf %get3A_28, %get3A_33 : vector<2000x128xf32>
      %get3A_35 = arith.constant 0 : index
      %get3A_36 = arith.constant 0 : index
      %get3A_37 = vector.load %arg4[%get3A_35, %get3A_36] : memref<2000x128xf32, #tpu.memory_space<vmem>>, vector<2000x128xf32>
      %add3A_38 = arith.addf %add3A_34, %get3A_37 : vector<2000x128xf32>
      %mul3A_39 = vector.broadcast %get3A_8 : vector<2000x1xf32> to vector<2000x128xf32>
      %mul3A_40 = arith.mulf %mul3A_39, %add3A_38 : vector<2000x128xf32>
      %concatenate3A = tpu.concatenate %mul3A_23, %mul3A_40 in 1 : vector<2000x128xf32>, vector<2000x128xf32> -> vector<2000x256xf32>
      %get3A_41 = arith.constant 0 : index
      %get3A_42 = arith.constant 0 : index
      %get3A_43 = vector.load %arg6[%get3A_41, %get3A_42] : memref<1x256xf32, #tpu.memory_space<vmem>>, vector<1x256xf32>
      %add3A_44 = vector.broadcast %get3A_43 : vector<1x256xf32> to vector<2000x256xf32>
      %add3A_45 = arith.addf %concatenate3A, %add3A_44 : vector<2000x256xf32>
      %mul3A_46 = arith.constant 2000 : i32
      %mul3A_47 = arith.muli %arg1, %mul3A_46 : i32
      %swap3A = arith.index_cast %mul3A_47 : i32 to index
      %swap3A_48 = arith.constant 0 : index
      %swap3A_49 = vector.load %arg11[%swap3A, %swap3A_48] : memref<10000x256xf32, #tpu.memory_space<vmem>>, vector<2000x256xf32>
      tpu.vector_store %arg11[%swap3A, %swap3A_48], %add3A_45 {strides = array<i32>} : memref<10000x256xf32, #tpu.memory_space<vmem>>, vector<2000x256xf32>,
      %eq3A_50 = arith.constant 0 : i32
      %eq3A_51 = arith.cmpi eq, %arg1, %eq3A_50 : i32
      %convert_element_type3A_52 = arith.extui %eq3A_51 : i1 to i32
      %cond3A_53 = arith.constant 0 : i32
      %cond3A_54 = arith.cmpi ne, %convert_element_type3A_52, %cond3A_53 : i32
      scf.if %cond3A_54 {
        %broadcast_in_dim3A_79 = arith.constant 0.000000e+00 : f32
        %broadcast_in_dim3A_80 = vector.broadcast %broadcast_in_dim3A_79 : f32 to vector<1x256xf32>
        %swap3A_81 = arith.constant 0 : index
        %swap3A_82 = arith.constant 0 : index
        %swap3A_83 = vector.load %arg12[%swap3A_81, %swap3A_82] : memref<1x256xf32, #tpu.memory_space<vmem>>, vector<1x256xf32>
        tpu.vector_store %arg12[%swap3A_81, %swap3A_82], %broadcast_in_dim3A_80 {strides = array<i32>} : memref<1x256xf32, #tpu.memory_space<vmem>>, vector<1x256xf32>,
        %broadcast_in_dim3A_84 = arith.constant 0.000000e+00 : f32
        %broadcast_in_dim3A_85 = vector.broadcast %broadcast_in_dim3A_84 : f32 to vector<1x256xf32>
        %swap3A_86 = arith.constant 0 : index
        %swap3A_87 = arith.constant 0 : index
        %swap3A_88 = vector.load %arg13[%swap3A_86, %swap3A_87] : memref<1x256xf32, #tpu.memory_space<vmem>>, vector<1x256xf32>
        tpu.vector_store %arg13[%swap3A_86, %swap3A_87], %broadcast_in_dim3A_85 {strides = array<i32>} : memref<1x256xf32, #tpu.memory_space<vmem>>, vector<1x256xf32>,
      } else {
      }
      %get3A_55 = arith.constant 0 : index
      %get3A_56 = arith.constant 0 : index
      %get3A_57 = vector.load %arg12[%get3A_55, %get3A_56] : memref<1x256xf32, #tpu.memory_space<vmem>>, vector<1x256xf32>
      %reduce_sum3A = arith.constant dense<0.000000e+00> : vector<256xf32>
      %reduce_sum3A_58 = vector.multi_reduction <add>, %add3A_45, %reduce_sum3A [0] : vector<2000x256xf32> to vector<256xf32>
      %broadcast_in_dim3A = vector.shape_cast %reduce_sum3A_58 : vector<256xf32> to vector<1x256xf32>
      %add3A_59 = arith.addf %get3A_57, %broadcast_in_dim3A : vector<1x256xf32>
      %swap3A_60 = arith.constant 0 : index
      %swap3A_61 = arith.constant 0 : index
      %swap3A_62 = vector.load %arg12[%swap3A_60, %swap3A_61] : memref<1x256xf32, #tpu.memory_space<vmem>>, vector<1x256xf32>
      tpu.vector_store %arg12[%swap3A_60, %swap3A_61], %add3A_59 {strides = array<i32>} : memref<1x256xf32, #tpu.memory_space<vmem>>, vector<1x256xf32>,
      %get3A_63 = arith.constant 0 : index
      %get3A_64 = arith.constant 0 : index
      %get3A_65 = vector.load %arg13[%get3A_63, %get3A_64] : memref<1x256xf32, #tpu.memory_space<vmem>>, vector<1x256xf32>
      %mul3A_66 = arith.mulf %add3A_45, %add3A_45 : vector<2000x256xf32>
      %reduce_sum3A_67 = arith.constant dense<0.000000e+00> : vector<256xf32>
      %reduce_sum3A_68 = vector.multi_reduction <add>, %mul3A_66, %reduce_sum3A_67 [0] : vector<2000x256xf32> to vector<256xf32>
      %broadcast_in_dim3A_69 = vector.shape_cast %reduce_sum3A_68 : vector<256xf32> to vector<1x256xf32>
      %add3A_70 = arith.addf %get3A_65, %broadcast_in_dim3A_69 : vector<1x256xf32>
      %swap3A_71 = arith.constant 0 : index
      %swap3A_72 = arith.constant 0 : index
      %swap3A_73 = vector.load %arg13[%swap3A_71, %swap3A_72] : memref<1x256xf32, #tpu.memory_space<vmem>>, vector<1x256xf32>
      tpu.vector_store %arg13[%swap3A_71, %swap3A_72], %add3A_70 {strides = array<i32>} : memref<1x256xf32, #tpu.memory_space<vmem>>, vector<1x256xf32>,
      %broadcast_in_dim3A_74 = arith.constant 0.000000e+00 : f32
      %broadcast_in_dim3A_75 = vector.broadcast %broadcast_in_dim3A_74 : f32 to vector<2000x128xf32>
      %swap3A_76 = arith.constant 0 : index
      %swap3A_77 = arith.constant 0 : index
      %swap3A_78 = vector.load %arg10[%swap3A_76, %swap3A_77] : memref<2000x128xf32, #tpu.memory_space<vmem>>, vector<2000x128xf32>
      tpu.vector_store %arg10[%swap3A_76, %swap3A_77], %broadcast_in_dim3A_75 {strides = array<i32>} : memref<2000x128xf32, #tpu.memory_space<vmem>>, vector<2000x128xf32>,
    } else {
    }
    %eq3A_2 = arith.constant 1 : i32
    %eq3A_3 = arith.cmpi eq, %arg0, %eq3A_2 : i32
    %convert_element_type3A_4 = arith.extui %eq3A_3 : i1 to i32
    %cond3A_5 = arith.constant 0 : i32
    %cond3A_6 = arith.cmpi ne, %convert_element_type3A_4, %cond3A_5 : i32
    scf.if %cond3A_6 {
      %get3A = arith.constant 0 : index
      %get3A_7 = arith.constant 0 : index
      %get3A_8 = vector.load %arg12[%get3A, %get3A_7] : memref<1x256xf32, #tpu.memory_space<vmem>>, vector<1x256xf32>
      %mul3A = arith.constant 9.99999974E-5 : f32
      %mul3A_9 = vector.broadcast %mul3A : f32 to vector<1x256xf32>
      %mul3A_10 = arith.mulf %get3A_8, %mul3A_9 : vector<1x256xf32>
      %get3A_11 = arith.constant 0 : index
      %get3A_12 = arith.constant 0 : index
      %get3A_13 = vector.load %arg13[%get3A_11, %get3A_12] : memref<1x256xf32, #tpu.memory_space<vmem>>, vector<1x256xf32>
      %mul3A_14 = arith.constant 9.99999974E-5 : f32
      %mul3A_15 = vector.broadcast %mul3A_14 : f32 to vector<1x256xf32>
      %mul3A_16 = arith.mulf %get3A_13, %mul3A_15 : vector<1x256xf32>
      %mul3A_17 = arith.mulf %mul3A_10, %mul3A_10 : vector<1x256xf32>
      %sub3A = arith.subf %mul3A_16, %mul3A_17 : vector<1x256xf32>
      %mul3A_18 = arith.constant 2000 : i32
      %mul3A_19 = arith.muli %arg1, %mul3A_18 : i32
      %get3A_20 = arith.index_cast %mul3A_19 : i32 to index
      %get3A_21 = arith.constant 0 : index
      %get3A_22 = vector.load %arg11[%get3A_20, %get3A_21] : memref<10000x256xf32, #tpu.memory_space<vmem>>, vector<2000x256xf32>
      %sub3A_23 = vector.broadcast %mul3A_10 : vector<1x256xf32> to vector<2000x256xf32>
      %sub3A_24 = arith.subf %get3A_22, %sub3A_23 : vector<2000x256xf32>
      %add3A = arith.constant 9.99999974E-6 : f32
      %add3A_25 = vector.broadcast %add3A : f32 to vector<1x256xf32>
      %add3A_26 = arith.addf %sub3A, %add3A_25 : vector<1x256xf32>
      %rsqrt3A = math.rsqrt %add3A_26 : vector<1x256xf32>
      %mul3A_27 = vector.broadcast %rsqrt3A : vector<1x256xf32> to vector<2000x256xf32>
      %mul3A_28 = arith.mulf %sub3A_24, %mul3A_27 : vector<2000x256xf32>
      %get3A_29 = arith.constant 0 : index
      %get3A_30 = arith.constant 0 : index
      %get3A_31 = vector.load %arg7[%get3A_29, %get3A_30] : memref<1x256xf32, #tpu.memory_space<vmem>>, vector<1x256xf32>
      %mul3A_32 = vector.broadcast %get3A_31 : vector<1x256xf32> to vector<2000x256xf32>
      %mul3A_33 = arith.mulf %mul3A_28, %mul3A_32 : vector<2000x256xf32>
      %get3A_34 = arith.constant 0 : index
      %get3A_35 = arith.constant 0 : index
      %get3A_36 = vector.load %arg8[%get3A_34, %get3A_35] : memref<1x256xf32, #tpu.memory_space<vmem>>, vector<1x256xf32>
      %add3A_37 = vector.broadcast %get3A_36 : vector<1x256xf32> to vector<2000x256xf32>
      %add3A_38 = arith.addf %mul3A_33, %add3A_37 : vector<2000x256xf32>
      %max3A = arith.constant 0.000000e+00 : f32
      %max3A_39 = vector.broadcast %max3A : f32 to vector<2000x256xf32>
      %max3A_40 = arith.maximumf %add3A_38, %max3A_39 : vector<2000x256xf32>
      %get3A_41 = arith.constant 0 : index
      %get3A_42 = arith.constant 0 : index
      %get3A_43 = vector.load %arg9[%get3A_41, %get3A_42] : memref<256x128xf32, #tpu.memory_space<vmem>>, vector<256x128xf32>
      %dot_general3A = arith.constant dense<0.000000e+00> : vector<2000x128xf32>
      %dot_general3A_44 = tpu.matmul %max3A_40, %get3A_43, %dot_general3A {dimension_numbers = #tpu.dot_dimension_numbers<[1], [0], [0], [1], [0, 0, 1, 1], [], []>, transpose_lhs_hint = false} : vector<2000x256xf32>, vector<256x128xf32>, vector<2000x128xf32> -> vector<2000x128xf32>
      %get3A_45 = arith.constant 0 : index
      %get3A_46 = arith.constant 0 : index
      %get3A_47 = vector.load %arg5[%get3A_45, %get3A_46] : memref<2000x1xf32, #tpu.memory_space<vmem>>, vector<2000x1xf32>
      %mul3A_48 = vector.broadcast %get3A_47 : vector<2000x1xf32> to vector<2000x128xf32>
      %mul3A_49 = arith.mulf %dot_general3A_44, %mul3A_48 : vector<2000x128xf32>
      %swap3A = arith.constant 0 : index
      %swap3A_50 = arith.constant 0 : index
      %swap3A_51 = vector.load %arg10[%swap3A, %swap3A_50] : memref<2000x128xf32, #tpu.memory_space<vmem>>, vector<2000x128xf32>
      tpu.vector_store %arg10[%swap3A, %swap3A_50], %mul3A_49 {strides = array<i32>} : memref<2000x128xf32, #tpu.memory_space<vmem>>, vector<2000x128xf32>,
    } else {
    }
    return
  }
  func.func @transform_0(%arg0: i32, %arg1: i32) -> (i32, i32, i32) {
    %c0_i32 = arith.constant 0 : i32
    %c0_i32_0 = arith.constant 0 : i32
    %c0_i32_1 = arith.constant 0 : i32
    return %c0_i32, %arg1, %c0_i32_0 : i32, i32, i32
  }
  func.func @transform_1(%arg0: i32, %arg1: i32) -> (i32, i32) {
    %c0_i32 = arith.constant 0 : i32
    %c0_i32_0 = arith.constant 0 : i32
    return %arg1, %c0_i32 : i32, i32
  }
  func.func @transform_2(%arg0: i32, %arg1: i32) -> (i32, i32) {
    %c0_i32 = arith.constant 0 : i32
    %c0_i32_0 = arith.constant 0 : i32
    return %arg1, %c0_i32 : i32, i32
  }
  func.func @transform_3(%arg0: i32, %arg1: i32) -> (i32, i32) {
    %c0_i32 = arith.constant 0 : i32
    %c0_i32_0 = arith.constant 0 : i32
    return %arg1, %c0_i32 : i32, i32
  }
  func.func @transform_4(%arg0: i32, %arg1: i32) -> (i32, i32) {
    %c0_i32 = arith.constant 0 : i32
    %c0_i32_0 = arith.constant 0 : i32
    %c0_i32_1 = arith.constant 0 : i32
    return %c0_i32, %c0_i32_0 : i32, i32
  }
  func.func @transform_5(%arg0: i32, %arg1: i32) -> (i32, i32) {
    %c0_i32 = arith.constant 0 : i32
    %c0_i32_0 = arith.constant 0 : i32
    %c0_i32_1 = arith.constant 0 : i32
    return %c0_i32, %c0_i32_0 : i32, i32
  }
  func.func @transform_6(%arg0: i32, %arg1: i32) -> (i32, i32) {
    %c0_i32 = arith.constant 0 : i32
    %c0_i32_0 = arith.constant 0 : i32
    %c0_i32_1 = arith.constant 0 : i32
    return %c0_i32, %c0_i32_0 : i32, i32
  }
  func.func @transform_7(%arg0: i32, %arg1: i32) -> (i32, i32) {
    %c0_i32 = arith.constant 0 : i32
    %c0_i32_0 = arith.constant 0 : i32
    %c0_i32_1 = arith.constant 0 : i32
    return %c0_i32, %c0_i32_0 : i32, i32
  }
  func.func @transform_8(%arg0: i32, %arg1: i32) -> (i32, i32) {
    %c0_i32 = arith.constant 0 : i32
    %c0_i32_0 = arith.constant 0 : i32
    return %arg1, %c0_i32 : i32, i32
  }
}

module attributes {stable_mosaic.version = 14 : i64} {
  func.func @body(%arg0: i32, %arg1: memref<2000x128xf32, #tpu.memory_space<vmem>>, %arg2: memref<128x256xf32, #tpu.memory_space<vmem>>, %arg3: memref<2x2000x32xf32, #tpu.memory_space<vmem>>, %arg4: memref<2000x128xf32, #tpu.memory_space<vmem>>, %arg5: memref<2000x128xf32, #tpu.memory_space<vmem>>, %arg6: memref<2000x1xf32, #tpu.memory_space<vmem>>) attributes {dimension_semantics = [#tpu.dimension_semantics<arbitrary>], iteration_bounds = array<i64: 5>, scalar_prefetch = 0 : i64, scratch_operands = 0 : i64, tpu.core_type = #tpu.core_type<tc>, window_params = [{transform_indices = @transform_0, window_bounds = array<i64: 2000, 128>}, {pipeline_mode = #tpu.pipeline_mode<synchronous>, transform_indices = @transform_1, window_bounds = array<i64: 128, 256>}, {transform_indices = @transform_2, window_bounds = array<i64: 2, 2000, 32>}, {transform_indices = @transform_3, window_bounds = array<i64: 2000, 128>}, {transform_indices = @transform_4, window_bounds = array<i64: 2000, 128>}, {transform_indices = @transform_5, window_bounds = array<i64: 2000, 1>}]} {
    %get3A = arith.constant 0 : index
    %get3A_0 = arith.constant 0 : index
    %get3A_1 = arith.constant 0 : index
    %get3A_2 = vector.load %arg3[%get3A, %get3A_0, %get3A_1] : memref<2x2000x32xf32, #tpu.memory_space<vmem>>, vector<1x2000x32xf32>
    %get3A_3 = vector.shape_cast %get3A_2 : vector<1x2000x32xf32> to vector<2000x32xf32>
    %slice3A = vector.extract_strided_slice %get3A_3 {offsets = [0, 0], sizes = [2000, 1], strides = [1, 1]} : vector<2000x32xf32> to vector<2000x1xf32>
    %add3A = arith.constant 1.000000e+00 : f32
    %add3A_4 = vector.broadcast %add3A : f32 to vector<2000x1xf32>
    %add3A_5 = arith.addf %add3A_4, %slice3A : vector<2000x1xf32>
    %get3A_6 = arith.constant 1 : index
    %get3A_7 = arith.constant 0 : index
    %get3A_8 = arith.constant 0 : index
    %get3A_9 = vector.load %arg3[%get3A_6, %get3A_7, %get3A_8] : memref<2x2000x32xf32, #tpu.memory_space<vmem>>, vector<1x2000x32xf32>
    %get3A_10 = vector.shape_cast %get3A_9 : vector<1x2000x32xf32> to vector<2000x32xf32>
    %slice3A_11 = vector.extract_strided_slice %get3A_10 {offsets = [0, 0], sizes = [2000, 1], strides = [1, 1]} : vector<2000x32xf32> to vector<2000x1xf32>
    %add3A_12 = arith.addf %add3A_5, %slice3A_11 : vector<2000x1xf32>
    %rsqrt3A = math.rsqrt %add3A_12 : vector<2000x1xf32>
    %get3A_13 = arith.constant 0 : index
    %get3A_14 = arith.constant 0 : index
    %get3A_15 = vector.load %arg1[%get3A_13, %get3A_14] : memref<2000x128xf32, #tpu.memory_space<vmem>>, vector<2000x128xf32>
    %get3A_16 = arith.constant 0 : index
    %get3A_17 = arith.constant 0 : index
    %get3A_18 = vector.load %arg2[%get3A_16, %get3A_17] : memref<128x256xf32, #tpu.memory_space<vmem>>, vector<128x256xf32>
    %dot_general3A = arith.constant dense<0.000000e+00> : vector<2000x256xf32>
    %dot_general3A_19 = tpu.matmul %get3A_15, %get3A_18, %dot_general3A {dimension_numbers = #tpu.dot_dimension_numbers<[1], [0], [0], [1], [0, 0, 1, 1], [], []>, transpose_lhs_hint = false} : vector<2000x128xf32>, vector<128x256xf32>, vector<2000x256xf32> -> vector<2000x256xf32>
    %mul3A = vector.broadcast %rsqrt3A : vector<2000x1xf32> to vector<2000x256xf32>
    %mul3A_20 = arith.mulf %dot_general3A_19, %mul3A : vector<2000x256xf32>
    %slice3A_21 = vector.extract_strided_slice %mul3A_20 {offsets = [0, 0], sizes = [2000, 128], strides = [1, 1]} : vector<2000x256xf32> to vector<2000x128xf32>
    %swap3A = arith.constant 0 : index
    %swap3A_22 = arith.constant 0 : index
    %swap3A_23 = vector.load %arg4[%swap3A, %swap3A_22] : memref<2000x128xf32, #tpu.memory_space<vmem>>, vector<2000x128xf32>
    tpu.vector_store %arg4[%swap3A, %swap3A_22], %slice3A_21 {strides = array<i32>} : memref<2000x128xf32, #tpu.memory_space<vmem>>, vector<2000x128xf32>,
    %slice3A_24 = vector.extract_strided_slice %mul3A_20 {offsets = [0, 128], sizes = [2000, 128], strides = [1, 1]} : vector<2000x256xf32> to vector<2000x128xf32>
    %swap3A_25 = arith.constant 0 : index
    %swap3A_26 = arith.constant 0 : index
    %swap3A_27 = vector.load %arg5[%swap3A_25, %swap3A_26] : memref<2000x128xf32, #tpu.memory_space<vmem>>, vector<2000x128xf32>
    tpu.vector_store %arg5[%swap3A_25, %swap3A_26], %slice3A_24 {strides = array<i32>} : memref<2000x128xf32, #tpu.memory_space<vmem>>, vector<2000x128xf32>,
    %swap3A_28 = arith.constant 0 : index
    %swap3A_29 = arith.constant 0 : index
    %swap3A_30 = vector.load %arg6[%swap3A_28, %swap3A_29] : memref<2000x1xf32, #tpu.memory_space<vmem>>, vector<2000x1xf32>
    tpu.vector_store %arg6[%swap3A_28, %swap3A_29], %rsqrt3A {strides = array<i32>} : memref<2000x1xf32, #tpu.memory_space<vmem>>, vector<2000x1xf32>,
    return
  }
  func.func @transform_0(%arg0: i32) -> (i32, i32) {
    %c0_i32 = arith.constant 0 : i32
    %c0_i32_0 = arith.constant 0 : i32
    return %arg0, %c0_i32 : i32, i32
  }
  func.func @transform_1(%arg0: i32) -> (i32, i32) {
    %c0_i32 = arith.constant 0 : i32
    %c0_i32_0 = arith.constant 0 : i32
    %c0_i32_1 = arith.constant 0 : i32
    return %c0_i32, %c0_i32_0 : i32, i32
  }
  func.func @transform_2(%arg0: i32) -> (i32, i32, i32) {
    %c0_i32 = arith.constant 0 : i32
    %c0_i32_0 = arith.constant 0 : i32
    %c0_i32_1 = arith.constant 0 : i32
    return %c0_i32, %arg0, %c0_i32_0 : i32, i32, i32
  }
  func.func @transform_3(%arg0: i32) -> (i32, i32) {
    %c0_i32 = arith.constant 0 : i32
    %c0_i32_0 = arith.constant 0 : i32
    return %arg0, %c0_i32 : i32, i32
  }
  func.func @transform_4(%arg0: i32) -> (i32, i32) {
    %c0_i32 = arith.constant 0 : i32
    %c0_i32_0 = arith.constant 0 : i32
    return %arg0, %c0_i32 : i32, i32
  }
  func.func @transform_5(%arg0: i32) -> (i32, i32) {
    %c0_i32 = arith.constant 0 : i32
    %c0_i32_0 = arith.constant 0 : i32
    return %arg0, %c0_i32 : i32, i32
  }
}

module attributes {stable_mosaic.version = 14 : i64} {
  func.func @body(%arg0: i32, %arg1: memref<2x2000x128xf32, #tpu.memory_space<vmem>>, %arg2: memref<2000x128xf32, #tpu.memory_space<vmem>>, %arg3: memref<2000x1xf32, #tpu.memory_space<vmem>>, %arg4: memref<1x64xf32, #tpu.memory_space<vmem>>, %arg5: memref<2000x64xf32, #tpu.memory_space<vmem>>, %arg6: memref<1x64xf32, #tpu.memory_space<vmem>>, %arg7: memref<1x64xf32, #tpu.memory_space<vmem>>, %arg8: memref<1x64xf32, #tpu.memory_space<vmem>>, %arg9: memref<1x64xf32, #tpu.memory_space<vmem>>) attributes {dimension_semantics = [#tpu.dimension_semantics<arbitrary>], iteration_bounds = array<i64: 5>, scalar_prefetch = 0 : i64, scratch_operands = 2 : i64, tpu.core_type = #tpu.core_type<tc>, window_params = [{transform_indices = @transform_0, window_bounds = array<i64: 2, 2000, 128>}, {transform_indices = @transform_1, window_bounds = array<i64: 2000, 128>}, {transform_indices = @transform_2, window_bounds = array<i64: 2000, 1>}, {pipeline_mode = #tpu.pipeline_mode<synchronous>, transform_indices = @transform_3, window_bounds = array<i64: 1, 64>}, {transform_indices = @transform_4, window_bounds = array<i64: 2000, 64>}, {pipeline_mode = #tpu.pipeline_mode<synchronous>, transform_indices = @transform_5, window_bounds = array<i64: 1, 64>}, {pipeline_mode = #tpu.pipeline_mode<synchronous>, transform_indices = @transform_6, window_bounds = array<i64: 1, 64>}]} {
    %get3A = arith.constant 0 : index
    %get3A_0 = arith.constant 0 : index
    %get3A_1 = vector.load %arg3[%get3A, %get3A_0] : memref<2000x1xf32, #tpu.memory_space<vmem>>, vector<2000x1xf32>
    %get3A_2 = arith.constant 0 : index
    %get3A_3 = arith.constant 0 : index
    %get3A_4 = arith.constant 0 : index
    %get3A_5 = vector.load %arg1[%get3A_2, %get3A_3, %get3A_4] : memref<2x2000x128xf32, #tpu.memory_space<vmem>>, vector<1x2000x128xf32>
    %get3A_6 = vector.shape_cast %get3A_5 : vector<1x2000x128xf32> to vector<2000x128xf32>
    %get3A_7 = arith.constant 1 : index
    %get3A_8 = arith.constant 0 : index
    %get3A_9 = arith.constant 0 : index
    %get3A_10 = vector.load %arg1[%get3A_7, %get3A_8, %get3A_9] : memref<2x2000x128xf32, #tpu.memory_space<vmem>>, vector<1x2000x128xf32>
    %get3A_11 = vector.shape_cast %get3A_10 : vector<1x2000x128xf32> to vector<2000x128xf32>
    %add3A = arith.addf %get3A_6, %get3A_11 : vector<2000x128xf32>
    %get3A_12 = arith.constant 0 : index
    %get3A_13 = arith.constant 0 : index
    %get3A_14 = vector.load %arg2[%get3A_12, %get3A_13] : memref<2000x128xf32, #tpu.memory_space<vmem>>, vector<2000x128xf32>
    %add3A_15 = arith.addf %add3A, %get3A_14 : vector<2000x128xf32>
    %slice3A = vector.extract_strided_slice %add3A_15 {offsets = [0, 0], sizes = [2000, 64], strides = [1, 1]} : vector<2000x128xf32> to vector<2000x64xf32>
    %mul3A = vector.broadcast %get3A_1 : vector<2000x1xf32> to vector<2000x64xf32>
    %mul3A_16 = arith.mulf %mul3A, %slice3A : vector<2000x64xf32>
    %get3A_17 = arith.constant 0 : index
    %get3A_18 = arith.constant 0 : index
    %get3A_19 = vector.load %arg4[%get3A_17, %get3A_18] : memref<1x64xf32, #tpu.memory_space<vmem>>, vector<1x64xf32>
    %add3A_20 = vector.broadcast %get3A_19 : vector<1x64xf32> to vector<2000x64xf32>
    %add3A_21 = arith.addf %mul3A_16, %add3A_20 : vector<2000x64xf32>
    %swap3A = arith.constant 0 : index
    %swap3A_22 = arith.constant 0 : index
    %swap3A_23 = vector.load %arg5[%swap3A, %swap3A_22] : memref<2000x64xf32, #tpu.memory_space<vmem>>, vector<2000x64xf32>
    tpu.vector_store %arg5[%swap3A, %swap3A_22], %add3A_21 {strides = array<i32>} : memref<2000x64xf32, #tpu.memory_space<vmem>>, vector<2000x64xf32>,
    %eq3A = arith.constant 0 : i32
    %eq3A_24 = arith.cmpi eq, %arg0, %eq3A : i32
    %convert_element_type3A = arith.extui %eq3A_24 : i1 to i32
    %cond3A = arith.constant 0 : i32
    %cond3A_25 = arith.cmpi ne, %convert_element_type3A, %cond3A : i32
    scf.if %cond3A_25 {
      %broadcast_in_dim3A_50 = arith.constant 0.000000e+00 : f32
      %broadcast_in_dim3A_51 = vector.broadcast %broadcast_in_dim3A_50 : f32 to vector<1x64xf32>
      %swap3A_52 = arith.constant 0 : index
      %swap3A_53 = arith.constant 0 : index
      %swap3A_54 = vector.load %arg8[%swap3A_52, %swap3A_53] : memref<1x64xf32, #tpu.memory_space<vmem>>, vector<1x64xf32>
      tpu.vector_store %arg8[%swap3A_52, %swap3A_53], %broadcast_in_dim3A_51 {strides = array<i32>} : memref<1x64xf32, #tpu.memory_space<vmem>>, vector<1x64xf32>,
      %broadcast_in_dim3A_55 = arith.constant 0.000000e+00 : f32
      %broadcast_in_dim3A_56 = vector.broadcast %broadcast_in_dim3A_55 : f32 to vector<1x64xf32>
      %swap3A_57 = arith.constant 0 : index
      %swap3A_58 = arith.constant 0 : index
      %swap3A_59 = vector.load %arg9[%swap3A_57, %swap3A_58] : memref<1x64xf32, #tpu.memory_space<vmem>>, vector<1x64xf32>
      tpu.vector_store %arg9[%swap3A_57, %swap3A_58], %broadcast_in_dim3A_56 {strides = array<i32>} : memref<1x64xf32, #tpu.memory_space<vmem>>, vector<1x64xf32>,
    } else {
    }
    %get3A_26 = arith.constant 0 : index
    %get3A_27 = arith.constant 0 : index
    %get3A_28 = vector.load %arg8[%get3A_26, %get3A_27] : memref<1x64xf32, #tpu.memory_space<vmem>>, vector<1x64xf32>
    %reduce_sum3A = arith.constant dense<0.000000e+00> : vector<64xf32>
    %reduce_sum3A_29 = vector.multi_reduction <add>, %add3A_21, %reduce_sum3A [0] : vector<2000x64xf32> to vector<64xf32>
    %broadcast_in_dim3A = vector.shape_cast %reduce_sum3A_29 : vector<64xf32> to vector<1x64xf32>
    %add3A_30 = arith.addf %get3A_28, %broadcast_in_dim3A : vector<1x64xf32>
    %swap3A_31 = arith.constant 0 : index
    %swap3A_32 = arith.constant 0 : index
    %swap3A_33 = vector.load %arg8[%swap3A_31, %swap3A_32] : memref<1x64xf32, #tpu.memory_space<vmem>>, vector<1x64xf32>
    tpu.vector_store %arg8[%swap3A_31, %swap3A_32], %add3A_30 {strides = array<i32>} : memref<1x64xf32, #tpu.memory_space<vmem>>, vector<1x64xf32>,
    %get3A_34 = arith.constant 0 : index
    %get3A_35 = arith.constant 0 : index
    %get3A_36 = vector.load %arg9[%get3A_34, %get3A_35] : memref<1x64xf32, #tpu.memory_space<vmem>>, vector<1x64xf32>
    %mul3A_37 = arith.mulf %add3A_21, %add3A_21 : vector<2000x64xf32>
    %reduce_sum3A_38 = arith.constant dense<0.000000e+00> : vector<64xf32>
    %reduce_sum3A_39 = vector.multi_reduction <add>, %mul3A_37, %reduce_sum3A_38 [0] : vector<2000x64xf32> to vector<64xf32>
    %broadcast_in_dim3A_40 = vector.shape_cast %reduce_sum3A_39 : vector<64xf32> to vector<1x64xf32>
    %add3A_41 = arith.addf %get3A_36, %broadcast_in_dim3A_40 : vector<1x64xf32>
    %swap3A_42 = arith.constant 0 : index
    %swap3A_43 = arith.constant 0 : index
    %swap3A_44 = vector.load %arg9[%swap3A_42, %swap3A_43] : memref<1x64xf32, #tpu.memory_space<vmem>>, vector<1x64xf32>
    tpu.vector_store %arg9[%swap3A_42, %swap3A_43], %add3A_41 {strides = array<i32>} : memref<1x64xf32, #tpu.memory_space<vmem>>, vector<1x64xf32>,
    %eq3A_45 = arith.constant 4 : i32
    %eq3A_46 = arith.cmpi eq, %arg0, %eq3A_45 : i32
    %convert_element_type3A_47 = arith.extui %eq3A_46 : i1 to i32
    %cond3A_48 = arith.constant 0 : i32
    %cond3A_49 = arith.cmpi ne, %convert_element_type3A_47, %cond3A_48 : i32
    scf.if %cond3A_49 {
      %get3A_50 = arith.constant 0 : index
      %get3A_51 = arith.constant 0 : index
      %get3A_52 = vector.load %arg8[%get3A_50, %get3A_51] : memref<1x64xf32, #tpu.memory_space<vmem>>, vector<1x64xf32>
      %mul3A_53 = arith.constant 9.99999974E-5 : f32
      %mul3A_54 = vector.broadcast %mul3A_53 : f32 to vector<1x64xf32>
      %mul3A_55 = arith.mulf %get3A_52, %mul3A_54 : vector<1x64xf32>
      %swap3A_56 = arith.constant 0 : index
      %swap3A_57 = arith.constant 0 : index
      %swap3A_58 = vector.load %arg6[%swap3A_56, %swap3A_57] : memref<1x64xf32, #tpu.memory_space<vmem>>, vector<1x64xf32>
      tpu.vector_store %arg6[%swap3A_56, %swap3A_57], %mul3A_55 {strides = array<i32>} : memref<1x64xf32, #tpu.memory_space<vmem>>, vector<1x64xf32>,
      %get3A_59 = arith.constant 0 : index
      %get3A_60 = arith.constant 0 : index
      %get3A_61 = vector.load %arg9[%get3A_59, %get3A_60] : memref<1x64xf32, #tpu.memory_space<vmem>>, vector<1x64xf32>
      %mul3A_62 = arith.constant 9.99999974E-5 : f32
      %mul3A_63 = vector.broadcast %mul3A_62 : f32 to vector<1x64xf32>
      %mul3A_64 = arith.mulf %get3A_61, %mul3A_63 : vector<1x64xf32>
      %mul3A_65 = arith.mulf %mul3A_55, %mul3A_55 : vector<1x64xf32>
      %sub3A = arith.subf %mul3A_64, %mul3A_65 : vector<1x64xf32>
      %swap3A_66 = arith.constant 0 : index
      %swap3A_67 = arith.constant 0 : index
      %swap3A_68 = vector.load %arg7[%swap3A_66, %swap3A_67] : memref<1x64xf32, #tpu.memory_space<vmem>>, vector<1x64xf32>
      tpu.vector_store %arg7[%swap3A_66, %swap3A_67], %sub3A {strides = array<i32>} : memref<1x64xf32, #tpu.memory_space<vmem>>, vector<1x64xf32>,
    } else {
    }
    return
  }
  func.func @transform_0(%arg0: i32) -> (i32, i32, i32) {
    %c0_i32 = arith.constant 0 : i32
    %c0_i32_0 = arith.constant 0 : i32
    %c0_i32_1 = arith.constant 0 : i32
    return %c0_i32, %arg0, %c0_i32_0 : i32, i32, i32
  }
  func.func @transform_1(%arg0: i32) -> (i32, i32) {
    %c0_i32 = arith.constant 0 : i32
    %c0_i32_0 = arith.constant 0 : i32
    return %arg0, %c0_i32 : i32, i32
  }
  func.func @transform_2(%arg0: i32) -> (i32, i32) {
    %c0_i32 = arith.constant 0 : i32
    %c0_i32_0 = arith.constant 0 : i32
    return %arg0, %c0_i32 : i32, i32
  }
  func.func @transform_3(%arg0: i32) -> (i32, i32) {
    %c0_i32 = arith.constant 0 : i32
    %c0_i32_0 = arith.constant 0 : i32
    %c0_i32_1 = arith.constant 0 : i32
    return %c0_i32, %c0_i32_0 : i32, i32
  }
  func.func @transform_4(%arg0: i32) -> (i32, i32) {
    %c0_i32 = arith.constant 0 : i32
    %c0_i32_0 = arith.constant 0 : i32
    return %arg0, %c0_i32 : i32, i32
  }
  func.func @transform_5(%arg0: i32) -> (i32, i32) {
    %c0_i32 = arith.constant 0 : i32
    %c0_i32_0 = arith.constant 0 : i32
    %c0_i32_1 = arith.constant 0 : i32
    return %c0_i32, %c0_i32_0 : i32, i32
  }
  func.func @transform_6(%arg0: i32) -> (i32, i32) {
    %c0_i32 = arith.constant 0 : i32
    %c0_i32_0 = arith.constant 0 : i32
    %c0_i32_1 = arith.constant 0 : i32
    return %c0_i32, %c0_i32_0 : i32, i32
  }
}

module attributes {stable_mosaic.version = 14 : i64} {
  func.func @body(%arg0: i32, %arg1: i32, %arg2: memref<2x2000x128xf32, #tpu.memory_space<vmem>>, %arg3: memref<2000x128xf32, #tpu.memory_space<vmem>>, %arg4: memref<2000x1xf32, #tpu.memory_space<vmem>>, %arg5: memref<1x128xf32, #tpu.memory_space<vmem>>, %arg6: memref<1x128xf32, #tpu.memory_space<vmem>>, %arg7: memref<1x128xf32, #tpu.memory_space<vmem>>, %arg8: memref<128x128xf32, #tpu.memory_space<vmem>>, %arg9: memref<2000x128xf32, #tpu.memory_space<vmem>>, %arg10: memref<10000x128xf32, #tpu.memory_space<vmem>>, %arg11: memref<1x128xf32, #tpu.memory_space<vmem>>, %arg12: memref<1x128xf32, #tpu.memory_space<vmem>>) attributes {dimension_semantics = [#tpu.dimension_semantics<arbitrary>, #tpu.dimension_semantics<arbitrary>], iteration_bounds = array<i64: 2, 5>, scalar_prefetch = 0 : i64, scratch_operands = 3 : i64, tpu.core_type = #tpu.core_type<tc>, window_params = [{transform_indices = @transform_0, window_bounds = array<i64: 2, 2000, 128>}, {transform_indices = @transform_1, window_bounds = array<i64: 2000, 128>}, {transform_indices = @transform_2, window_bounds = array<i64: 2000, 1>}, {pipeline_mode = #tpu.pipeline_mode<synchronous>, transform_indices = @transform_3, window_bounds = array<i64: 1, 128>}, {pipeline_mode = #tpu.pipeline_mode<synchronous>, transform_indices = @transform_4, window_bounds = array<i64: 1, 128>}, {pipeline_mode = #tpu.pipeline_mode<synchronous>, transform_indices = @transform_5, window_bounds = array<i64: 1, 128>}, {pipeline_mode = #tpu.pipeline_mode<synchronous>, transform_indices = @transform_6, window_bounds = array<i64: 128, 128>}, {transform_indices = @transform_7, window_bounds = array<i64: 2000, 128>}]} {
    %eq3A = arith.constant 0 : i32
    %eq3A_0 = arith.cmpi eq, %arg0, %eq3A : i32
    %convert_element_type3A = arith.extui %eq3A_0 : i1 to i32
    %cond3A = arith.constant 0 : i32
    %cond3A_1 = arith.cmpi ne, %convert_element_type3A, %cond3A : i32
    scf.if %cond3A_1 {
      %get3A = arith.constant 0 : index
      %get3A_7 = arith.constant 0 : index
      %get3A_8 = vector.load %arg4[%get3A, %get3A_7] : memref<2000x1xf32, #tpu.memory_space<vmem>>, vector<2000x1xf32>
      %get3A_9 = arith.constant 0 : index
      %get3A_10 = arith.constant 0 : index
      %get3A_11 = arith.constant 0 : index
      %get3A_12 = vector.load %arg2[%get3A_9, %get3A_10, %get3A_11] : memref<2x2000x128xf32, #tpu.memory_space<vmem>>, vector<1x2000x128xf32>
      %get3A_13 = vector.shape_cast %get3A_12 : vector<1x2000x128xf32> to vector<2000x128xf32>
      %get3A_14 = arith.constant 1 : index
      %get3A_15 = arith.constant 0 : index
      %get3A_16 = arith.constant 0 : index
      %get3A_17 = vector.load %arg2[%get3A_14, %get3A_15, %get3A_16] : memref<2x2000x128xf32, #tpu.memory_space<vmem>>, vector<1x2000x128xf32>
      %get3A_18 = vector.shape_cast %get3A_17 : vector<1x2000x128xf32> to vector<2000x128xf32>
      %add3A = arith.addf %get3A_13, %get3A_18 : vector<2000x128xf32>
      %get3A_19 = arith.constant 0 : index
      %get3A_20 = arith.constant 0 : index
      %get3A_21 = vector.load %arg3[%get3A_19, %get3A_20] : memref<2000x128xf32, #tpu.memory_space<vmem>>, vector<2000x128xf32>
      %add3A_22 = arith.addf %add3A, %get3A_21 : vector<2000x128xf32>
      %mul3A = vector.broadcast %get3A_8 : vector<2000x1xf32> to vector<2000x128xf32>
      %mul3A_23 = arith.mulf %mul3A, %add3A_22 : vector<2000x128xf32>
      %get3A_24 = arith.constant 0 : index
      %get3A_25 = arith.constant 0 : index
      %get3A_26 = vector.load %arg5[%get3A_24, %get3A_25] : memref<1x128xf32, #tpu.memory_space<vmem>>, vector<1x128xf32>
      %add3A_27 = vector.broadcast %get3A_26 : vector<1x128xf32> to vector<2000x128xf32>
      %add3A_28 = arith.addf %mul3A_23, %add3A_27 : vector<2000x128xf32>
      %mul3A_29 = arith.constant 2000 : i32
      %mul3A_30 = arith.muli %arg1, %mul3A_29 : i32
      %swap3A = arith.index_cast %mul3A_30 : i32 to index
      %swap3A_31 = arith.constant 0 : index
      %swap3A_32 = vector.load %arg10[%swap3A, %swap3A_31] : memref<10000x128xf32, #tpu.memory_space<vmem>>, vector<2000x128xf32>
      tpu.vector_store %arg10[%swap3A, %swap3A_31], %add3A_28 {strides = array<i32>} : memref<10000x128xf32, #tpu.memory_space<vmem>>, vector<2000x128xf32>,
      %eq3A_33 = arith.constant 0 : i32
      %eq3A_34 = arith.cmpi eq, %arg1, %eq3A_33 : i32
      %convert_element_type3A_35 = arith.extui %eq3A_34 : i1 to i32
      %cond3A_36 = arith.constant 0 : i32
      %cond3A_37 = arith.cmpi ne, %convert_element_type3A_35, %cond3A_36 : i32
      scf.if %cond3A_37 {
        %broadcast_in_dim3A_62 = arith.constant 0.000000e+00 : f32
        %broadcast_in_dim3A_63 = vector.broadcast %broadcast_in_dim3A_62 : f32 to vector<1x128xf32>
        %swap3A_64 = arith.constant 0 : index
        %swap3A_65 = arith.constant 0 : index
        %swap3A_66 = vector.load %arg11[%swap3A_64, %swap3A_65] : memref<1x128xf32, #tpu.memory_space<vmem>>, vector<1x128xf32>
        tpu.vector_store %arg11[%swap3A_64, %swap3A_65], %broadcast_in_dim3A_63 {strides = array<i32>} : memref<1x128xf32, #tpu.memory_space<vmem>>, vector<1x128xf32>,
        %broadcast_in_dim3A_67 = arith.constant 0.000000e+00 : f32
        %broadcast_in_dim3A_68 = vector.broadcast %broadcast_in_dim3A_67 : f32 to vector<1x128xf32>
        %swap3A_69 = arith.constant 0 : index
        %swap3A_70 = arith.constant 0 : index
        %swap3A_71 = vector.load %arg12[%swap3A_69, %swap3A_70] : memref<1x128xf32, #tpu.memory_space<vmem>>, vector<1x128xf32>
        tpu.vector_store %arg12[%swap3A_69, %swap3A_70], %broadcast_in_dim3A_68 {strides = array<i32>} : memref<1x128xf32, #tpu.memory_space<vmem>>, vector<1x128xf32>,
      } else {
      }
      %get3A_38 = arith.constant 0 : index
      %get3A_39 = arith.constant 0 : index
      %get3A_40 = vector.load %arg11[%get3A_38, %get3A_39] : memref<1x128xf32, #tpu.memory_space<vmem>>, vector<1x128xf32>
      %reduce_sum3A = arith.constant dense<0.000000e+00> : vector<128xf32>
      %reduce_sum3A_41 = vector.multi_reduction <add>, %add3A_28, %reduce_sum3A [0] : vector<2000x128xf32> to vector<128xf32>
      %broadcast_in_dim3A = vector.shape_cast %reduce_sum3A_41 : vector<128xf32> to vector<1x128xf32>
      %add3A_42 = arith.addf %get3A_40, %broadcast_in_dim3A : vector<1x128xf32>
      %swap3A_43 = arith.constant 0 : index
      %swap3A_44 = arith.constant 0 : index
      %swap3A_45 = vector.load %arg11[%swap3A_43, %swap3A_44] : memref<1x128xf32, #tpu.memory_space<vmem>>, vector<1x128xf32>
      tpu.vector_store %arg11[%swap3A_43, %swap3A_44], %add3A_42 {strides = array<i32>} : memref<1x128xf32, #tpu.memory_space<vmem>>, vector<1x128xf32>,
      %get3A_46 = arith.constant 0 : index
      %get3A_47 = arith.constant 0 : index
      %get3A_48 = vector.load %arg12[%get3A_46, %get3A_47] : memref<1x128xf32, #tpu.memory_space<vmem>>, vector<1x128xf32>
      %mul3A_49 = arith.mulf %add3A_28, %add3A_28 : vector<2000x128xf32>
      %reduce_sum3A_50 = arith.constant dense<0.000000e+00> : vector<128xf32>
      %reduce_sum3A_51 = vector.multi_reduction <add>, %mul3A_49, %reduce_sum3A_50 [0] : vector<2000x128xf32> to vector<128xf32>
      %broadcast_in_dim3A_52 = vector.shape_cast %reduce_sum3A_51 : vector<128xf32> to vector<1x128xf32>
      %add3A_53 = arith.addf %get3A_48, %broadcast_in_dim3A_52 : vector<1x128xf32>
      %swap3A_54 = arith.constant 0 : index
      %swap3A_55 = arith.constant 0 : index
      %swap3A_56 = vector.load %arg12[%swap3A_54, %swap3A_55] : memref<1x128xf32, #tpu.memory_space<vmem>>, vector<1x128xf32>
      tpu.vector_store %arg12[%swap3A_54, %swap3A_55], %add3A_53 {strides = array<i32>} : memref<1x128xf32, #tpu.memory_space<vmem>>, vector<1x128xf32>,
      %broadcast_in_dim3A_57 = arith.constant 0.000000e+00 : f32
      %broadcast_in_dim3A_58 = vector.broadcast %broadcast_in_dim3A_57 : f32 to vector<2000x128xf32>
      %swap3A_59 = arith.constant 0 : index
      %swap3A_60 = arith.constant 0 : index
      %swap3A_61 = vector.load %arg9[%swap3A_59, %swap3A_60] : memref<2000x128xf32, #tpu.memory_space<vmem>>, vector<2000x128xf32>
      tpu.vector_store %arg9[%swap3A_59, %swap3A_60], %broadcast_in_dim3A_58 {strides = array<i32>} : memref<2000x128xf32, #tpu.memory_space<vmem>>, vector<2000x128xf32>,
    } else {
    }
    %eq3A_2 = arith.constant 1 : i32
    %eq3A_3 = arith.cmpi eq, %arg0, %eq3A_2 : i32
    %convert_element_type3A_4 = arith.extui %eq3A_3 : i1 to i32
    %cond3A_5 = arith.constant 0 : i32
    %cond3A_6 = arith.cmpi ne, %convert_element_type3A_4, %cond3A_5 : i32
    scf.if %cond3A_6 {
      %get3A = arith.constant 0 : index
      %get3A_7 = arith.constant 0 : index
      %get3A_8 = vector.load %arg11[%get3A, %get3A_7] : memref<1x128xf32, #tpu.memory_space<vmem>>, vector<1x128xf32>
      %mul3A = arith.constant 9.99999974E-5 : f32
      %mul3A_9 = vector.broadcast %mul3A : f32 to vector<1x128xf32>
      %mul3A_10 = arith.mulf %get3A_8, %mul3A_9 : vector<1x128xf32>
      %get3A_11 = arith.constant 0 : index
      %get3A_12 = arith.constant 0 : index
      %get3A_13 = vector.load %arg12[%get3A_11, %get3A_12] : memref<1x128xf32, #tpu.memory_space<vmem>>, vector<1x128xf32>
      %mul3A_14 = arith.constant 9.99999974E-5 : f32
      %mul3A_15 = vector.broadcast %mul3A_14 : f32 to vector<1x128xf32>
      %mul3A_16 = arith.mulf %get3A_13, %mul3A_15 : vector<1x128xf32>
      %mul3A_17 = arith.mulf %mul3A_10, %mul3A_10 : vector<1x128xf32>
      %sub3A = arith.subf %mul3A_16, %mul3A_17 : vector<1x128xf32>
      %mul3A_18 = arith.constant 2000 : i32
      %mul3A_19 = arith.muli %arg1, %mul3A_18 : i32
      %get3A_20 = arith.index_cast %mul3A_19 : i32 to index
      %get3A_21 = arith.constant 0 : index
      %get3A_22 = vector.load %arg10[%get3A_20, %get3A_21] : memref<10000x128xf32, #tpu.memory_space<vmem>>, vector<2000x128xf32>
      %sub3A_23 = vector.broadcast %mul3A_10 : vector<1x128xf32> to vector<2000x128xf32>
      %sub3A_24 = arith.subf %get3A_22, %sub3A_23 : vector<2000x128xf32>
      %add3A = arith.constant 9.99999974E-6 : f32
      %add3A_25 = vector.broadcast %add3A : f32 to vector<1x128xf32>
      %add3A_26 = arith.addf %sub3A, %add3A_25 : vector<1x128xf32>
      %rsqrt3A = math.rsqrt %add3A_26 : vector<1x128xf32>
      %mul3A_27 = vector.broadcast %rsqrt3A : vector<1x128xf32> to vector<2000x128xf32>
      %mul3A_28 = arith.mulf %sub3A_24, %mul3A_27 : vector<2000x128xf32>
      %get3A_29 = arith.constant 0 : index
      %get3A_30 = arith.constant 0 : index
      %get3A_31 = vector.load %arg6[%get3A_29, %get3A_30] : memref<1x128xf32, #tpu.memory_space<vmem>>, vector<1x128xf32>
      %mul3A_32 = vector.broadcast %get3A_31 : vector<1x128xf32> to vector<2000x128xf32>
      %mul3A_33 = arith.mulf %mul3A_28, %mul3A_32 : vector<2000x128xf32>
      %get3A_34 = arith.constant 0 : index
      %get3A_35 = arith.constant 0 : index
      %get3A_36 = vector.load %arg7[%get3A_34, %get3A_35] : memref<1x128xf32, #tpu.memory_space<vmem>>, vector<1x128xf32>
      %add3A_37 = vector.broadcast %get3A_36 : vector<1x128xf32> to vector<2000x128xf32>
      %add3A_38 = arith.addf %mul3A_33, %add3A_37 : vector<2000x128xf32>
      %max3A = arith.constant 0.000000e+00 : f32
      %max3A_39 = vector.broadcast %max3A : f32 to vector<2000x128xf32>
      %max3A_40 = arith.maximumf %add3A_38, %max3A_39 : vector<2000x128xf32>
      %get3A_41 = arith.constant 0 : index
      %get3A_42 = arith.constant 0 : index
      %get3A_43 = vector.load %arg8[%get3A_41, %get3A_42] : memref<128x128xf32, #tpu.memory_space<vmem>>, vector<128x128xf32>
      %dot_general3A = arith.constant dense<0.000000e+00> : vector<2000x128xf32>
      %dot_general3A_44 = tpu.matmul %max3A_40, %get3A_43, %dot_general3A {dimension_numbers = #tpu.dot_dimension_numbers<[1], [0], [0], [1], [0, 0, 1, 1], [], []>, transpose_lhs_hint = false} : vector<2000x128xf32>, vector<128x128xf32>, vector<2000x128xf32> -> vector<2000x128xf32>
      %get3A_45 = arith.constant 0 : index
      %get3A_46 = arith.constant 0 : index
      %get3A_47 = vector.load %arg4[%get3A_45, %get3A_46] : memref<2000x1xf32, #tpu.memory_space<vmem>>, vector<2000x1xf32>
      %mul3A_48 = vector.broadcast %get3A_47 : vector<2000x1xf32> to vector<2000x128xf32>
      %mul3A_49 = arith.mulf %dot_general3A_44, %mul3A_48 : vector<2000x128xf32>
      %swap3A = arith.constant 0 : index
      %swap3A_50 = arith.constant 0 : index
      %swap3A_51 = vector.load %arg9[%swap3A, %swap3A_50] : memref<2000x128xf32, #tpu.memory_space<vmem>>, vector<2000x128xf32>
      tpu.vector_store %arg9[%swap3A, %swap3A_50], %mul3A_49 {strides = array<i32>} : memref<2000x128xf32, #tpu.memory_space<vmem>>, vector<2000x128xf32>,
    } else {
    }
    return
  }
  func.func @transform_0(%arg0: i32, %arg1: i32) -> (i32, i32, i32) {
    %c0_i32 = arith.constant 0 : i32
    %c0_i32_0 = arith.constant 0 : i32
    %c0_i32_1 = arith.constant 0 : i32
    return %c0_i32, %arg1, %c0_i32_0 : i32, i32, i32
  }
  func.func @transform_1(%arg0: i32, %arg1: i32) -> (i32, i32) {
    %c0_i32 = arith.constant 0 : i32
    %c0_i32_0 = arith.constant 0 : i32
    return %arg1, %c0_i32 : i32, i32
  }
  func.func @transform_2(%arg0: i32, %arg1: i32) -> (i32, i32) {
    %c0_i32 = arith.constant 0 : i32
    %c0_i32_0 = arith.constant 0 : i32
    return %arg1, %c0_i32 : i32, i32
  }
  func.func @transform_3(%arg0: i32, %arg1: i32) -> (i32, i32) {
    %c0_i32 = arith.constant 0 : i32
    %c0_i32_0 = arith.constant 0 : i32
    %c0_i32_1 = arith.constant 0 : i32
    return %c0_i32, %c0_i32_0 : i32, i32
  }
  func.func @transform_4(%arg0: i32, %arg1: i32) -> (i32, i32) {
    %c0_i32 = arith.constant 0 : i32
    %c0_i32_0 = arith.constant 0 : i32
    %c0_i32_1 = arith.constant 0 : i32
    return %c0_i32, %c0_i32_0 : i32, i32
  }
  func.func @transform_5(%arg0: i32, %arg1: i32) -> (i32, i32) {
    %c0_i32 = arith.constant 0 : i32
    %c0_i32_0 = arith.constant 0 : i32
    %c0_i32_1 = arith.constant 0 : i32
    return %c0_i32, %c0_i32_0 : i32, i32
  }
  func.func @transform_6(%arg0: i32, %arg1: i32) -> (i32, i32) {
    %c0_i32 = arith.constant 0 : i32
    %c0_i32_0 = arith.constant 0 : i32
    %c0_i32_1 = arith.constant 0 : i32
    return %c0_i32, %c0_i32_0 : i32, i32
  }
  func.func @transform_7(%arg0: i32, %arg1: i32) -> (i32, i32) {
    %c0_i32 = arith.constant 0 : i32
    %c0_i32_0 = arith.constant 0 : i32
    return %arg1, %c0_i32 : i32, i32
  }
}

module attributes {stable_mosaic.version = 14 : i64} {
  func.func @body(%arg0: memref<10000x64xf32, #tpu.memory_space<vmem>>, %arg1: memref<1x64xf32, #tpu.memory_space<vmem>>, %arg2: memref<1x64xf32, #tpu.memory_space<vmem>>, %arg3: memref<1x64xf32, #tpu.memory_space<vmem>>, %arg4: memref<1x64xf32, #tpu.memory_space<vmem>>, %arg5: memref<1x64xf32, #tpu.memory_space<vmem>>, %arg6: memref<1x64xf32, #tpu.memory_space<vmem>>, %arg7: memref<64x1xf32, #tpu.memory_space<vmem>>, %arg8: memref<1x10000xi32, #tpu.memory_space<vmem>>, %arg9: memref<64x32xf32, #tpu.memory_space<vmem>>, %arg10: memref<1x32xf32, #tpu.memory_space<vmem>>, %arg11: memref<32x16xf32, #tpu.memory_space<vmem>>, %arg12: memref<1x16xf32, #tpu.memory_space<vmem>>, %arg13: memref<16x2xf32, #tpu.memory_space<vmem>>, %arg14: memref<1x2xf32, #tpu.memory_space<vmem>>, %arg15: memref<64x2xf32, #tpu.memory_space<vmem>>) attributes {dimension_semantics = [], scalar_prefetch = 0 : i64, scratch_operands = 0 : i64, tpu.core_type = #tpu.core_type<tc>} {
    %get3A = arith.constant 0 : index
    %get3A_0 = arith.constant 0 : index
    %get3A_1 = vector.load %arg0[%get3A, %get3A_0] : memref<10000x64xf32, #tpu.memory_space<vmem>>, vector<10000x64xf32>
    %get3A_2 = arith.constant 0 : index
    %get3A_3 = arith.constant 0 : index
    %get3A_4 = vector.load %arg1[%get3A_2, %get3A_3] : memref<1x64xf32, #tpu.memory_space<vmem>>, vector<1x64xf32>
    %sub3A = vector.broadcast %get3A_4 : vector<1x64xf32> to vector<10000x64xf32>
    %sub3A_5 = arith.subf %get3A_1, %sub3A : vector<10000x64xf32>
    %get3A_6 = arith.constant 0 : index
    %get3A_7 = arith.constant 0 : index
    %get3A_8 = vector.load %arg2[%get3A_6, %get3A_7] : memref<1x64xf32, #tpu.memory_space<vmem>>, vector<1x64xf32>
    %add3A = arith.constant 9.99999974E-6 : f32
    %add3A_9 = vector.broadcast %add3A : f32 to vector<1x64xf32>
    %add3A_10 = arith.addf %get3A_8, %add3A_9 : vector<1x64xf32>
    %rsqrt3A = math.rsqrt %add3A_10 : vector<1x64xf32>
    %mul3A = vector.broadcast %rsqrt3A : vector<1x64xf32> to vector<10000x64xf32>
    %mul3A_11 = arith.mulf %sub3A_5, %mul3A : vector<10000x64xf32>
    %get3A_12 = arith.constant 0 : index
    %get3A_13 = arith.constant 0 : index
    %get3A_14 = vector.load %arg3[%get3A_12, %get3A_13] : memref<1x64xf32, #tpu.memory_space<vmem>>, vector<1x64xf32>
    %mul3A_15 = vector.broadcast %get3A_14 : vector<1x64xf32> to vector<10000x64xf32>
    %mul3A_16 = arith.mulf %mul3A_11, %mul3A_15 : vector<10000x64xf32>
    %get3A_17 = arith.constant 0 : index
    %get3A_18 = arith.constant 0 : index
    %get3A_19 = vector.load %arg4[%get3A_17, %get3A_18] : memref<1x64xf32, #tpu.memory_space<vmem>>, vector<1x64xf32>
    %add3A_20 = vector.broadcast %get3A_19 : vector<1x64xf32> to vector<10000x64xf32>
    %add3A_21 = arith.addf %mul3A_16, %add3A_20 : vector<10000x64xf32>
    %max3A = arith.constant 0.000000e+00 : f32
    %max3A_22 = vector.broadcast %max3A : f32 to vector<10000x64xf32>
    %max3A_23 = arith.maximumf %add3A_21, %max3A_22 : vector<10000x64xf32>
    %reduce_sum3A = arith.constant dense<0.000000e+00> : vector<10000xf32>
    %reduce_sum3A_24 = vector.multi_reduction <add>, %max3A_23, %reduce_sum3A [1] : vector<10000x64xf32> to vector<10000xf32>
    %broadcast_in_dim3A = vector.shape_cast %reduce_sum3A_24 : vector<10000xf32> to vector<10000x1xf32>
    %div3A = arith.constant 6.400000e+01 : f32
    %div3A_25 = vector.broadcast %div3A : f32 to vector<10000x1xf32>
    %div3A_26 = arith.divf %broadcast_in_dim3A, %div3A_25 : vector<10000x1xf32>
    %sub3A_27 = vector.broadcast %div3A_26 : vector<10000x1xf32> to vector<10000x64xf32>
    %sub3A_28 = arith.subf %max3A_23, %sub3A_27 : vector<10000x64xf32>
    %integer_pow3A = arith.mulf %sub3A_28, %sub3A_28 : vector<10000x64xf32>
    %reduce_sum3A_29 = arith.constant dense<0.000000e+00> : vector<10000xf32>
    %reduce_sum3A_30 = vector.multi_reduction <add>, %integer_pow3A, %reduce_sum3A_29 [1] : vector<10000x64xf32> to vector<10000xf32>
    %broadcast_in_dim3A_31 = vector.shape_cast %reduce_sum3A_30 : vector<10000xf32> to vector<10000x1xf32>
    %div3A_32 = arith.constant 6.400000e+01 : f32
    %div3A_33 = vector.broadcast %div3A_32 : f32 to vector<10000x1xf32>
    %div3A_34 = arith.divf %broadcast_in_dim3A_31, %div3A_33 : vector<10000x1xf32>
    %sub3A_35 = vector.broadcast %div3A_26 : vector<10000x1xf32> to vector<10000x64xf32>
    %sub3A_36 = arith.subf %max3A_23, %sub3A_35 : vector<10000x64xf32>
    %add3A_37 = arith.constant 9.99999974E-6 : f32
    %add3A_38 = vector.broadcast %add3A_37 : f32 to vector<10000x1xf32>
    %add3A_39 = arith.addf %div3A_34, %add3A_38 : vector<10000x1xf32>
    %rsqrt3A_40 = math.rsqrt %add3A_39 : vector<10000x1xf32>
    %mul3A_41 = vector.broadcast %rsqrt3A_40 : vector<10000x1xf32> to vector<10000x64xf32>
    %mul3A_42 = arith.mulf %sub3A_36, %mul3A_41 : vector<10000x64xf32>
    %get3A_43 = arith.constant 0 : index
    %get3A_44 = arith.constant 0 : index
    %get3A_45 = vector.load %arg5[%get3A_43, %get3A_44] : memref<1x64xf32, #tpu.memory_space<vmem>>, vector<1x64xf32>
    %mul3A_46 = vector.broadcast %get3A_45 : vector<1x64xf32> to vector<10000x64xf32>
    %mul3A_47 = arith.mulf %mul3A_42, %mul3A_46 : vector<10000x64xf32>
    %get3A_48 = arith.constant 0 : index
    %get3A_49 = arith.constant 0 : index
    %get3A_50 = vector.load %arg6[%get3A_48, %get3A_49] : memref<1x64xf32, #tpu.memory_space<vmem>>, vector<1x64xf32>
    %add3A_51 = vector.broadcast %get3A_50 : vector<1x64xf32> to vector<10000x64xf32>
    %add3A_52 = arith.addf %mul3A_47, %add3A_51 : vector<10000x64xf32>
    %get3A_53 = arith.constant 0 : index
    %get3A_54 = arith.constant 0 : index
    %get3A_55 = vector.load %arg7[%get3A_53, %get3A_54] : memref<64x1xf32, #tpu.memory_space<vmem>>, vector<64x1xf32>
    %dot_general3A = arith.constant dense<0.000000e+00> : vector<10000x1xf32>
    %dot_general3A_56 = tpu.matmul %add3A_52, %get3A_55, %dot_general3A {dimension_numbers = #tpu.dot_dimension_numbers<[1], [0], [0], [1], [0, 0, 1, 1], [], []>, transpose_lhs_hint = false} : vector<10000x64xf32>, vector<64x1xf32>, vector<10000x1xf32> -> vector<10000x1xf32>
    %tanh3A = math.tanh %dot_general3A_56 : vector<10000x1xf32>
    %reduce_max3A = arith.constant dense<0xFF800000> : vector<1xf32>
    %reduce_max3A_57 = vector.multi_reduction <maximumf>, %tanh3A, %reduce_max3A [0] : vector<10000x1xf32> to vector<1xf32>
    %broadcast_in_dim3A_58 = vector.shape_cast %reduce_max3A_57 : vector<1xf32> to vector<1x1xf32>
    %sub3A_59 = vector.broadcast %broadcast_in_dim3A_58 : vector<1x1xf32> to vector<10000x1xf32>
    %sub3A_60 = arith.subf %tanh3A, %sub3A_59 : vector<10000x1xf32>
    %exp3A = math.exp %sub3A_60 : vector<10000x1xf32>
    %reduce_sum3A_61 = arith.constant dense<0.000000e+00> : vector<1xf32>
    %reduce_sum3A_62 = vector.multi_reduction <add>, %exp3A, %reduce_sum3A_61 [0] : vector<10000x1xf32> to vector<1xf32>
    %broadcast_in_dim3A_63 = vector.shape_cast %reduce_sum3A_62 : vector<1xf32> to vector<1x1xf32>
    %div3A_64 = vector.broadcast %broadcast_in_dim3A_63 : vector<1x1xf32> to vector<10000x1xf32>
    %div3A_65 = arith.divf %exp3A, %div3A_64 : vector<10000x1xf32>
    %mul3A_66 = vector.broadcast %div3A_65 : vector<10000x1xf32> to vector<10000x64xf32>
    %mul3A_67 = arith.mulf %add3A_52, %mul3A_66 : vector<10000x64xf32>
    %iota3A = tpu.iota {dimensions = array<i32: 0>} : vector<64x1xi32>
    %get3A_68 = arith.constant 0 : index
    %get3A_69 = arith.constant 0 : index
    %get3A_70 = vector.load %arg8[%get3A_68, %get3A_69] : memref<1x10000xi32, #tpu.memory_space<vmem>>, vector<1x10000xi32>
    %eq3A = vector.broadcast %get3A_70 : vector<1x10000xi32> to vector<64x10000xi32>
    %eq3A_71 = vector.broadcast %iota3A : vector<64x1xi32> to vector<64x10000xi32>
    %eq3A_72 = arith.cmpi eq, %eq3A, %eq3A_71 : vector<64x10000xi32>
    %convert_element_type3A = arith.extui %eq3A_72 : vector<64x10000xi1> to vector<64x10000xi32>
    %convert_element_type3A_73 = arith.sitofp %convert_element_type3A : vector<64x10000xi32> to vector<64x10000xf32>
    %dot_general3A_74 = arith.constant dense<0.000000e+00> : vector<64x64xf32>
    %dot_general3A_75 = tpu.matmul %convert_element_type3A_73, %mul3A_67, %dot_general3A_74 {dimension_numbers = #tpu.dot_dimension_numbers<[1], [0], [0], [1], [0, 0, 1, 1], [], []>, precision = #tpu.contract_precision<fp32>, transpose_lhs_hint = false} : vector<64x10000xf32>, vector<10000x64xf32>, vector<64x64xf32> -> vector<64x64xf32>
    %reduce_sum3A_76 = arith.constant dense<0.000000e+00> : vector<64xf32>
    %reduce_sum3A_77 = vector.multi_reduction <add>, %convert_element_type3A_73, %reduce_sum3A_76 [1] : vector<64x10000xf32> to vector<64xf32>
    %broadcast_in_dim3A_78 = vector.shape_cast %reduce_sum3A_77 : vector<64xf32> to vector<64x1xf32>
    %max3A_79 = arith.constant 1.000000e+00 : f32
    %max3A_80 = vector.broadcast %max3A_79 : f32 to vector<64x1xf32>
    %max3A_81 = arith.maximumf %broadcast_in_dim3A_78, %max3A_80 : vector<64x1xf32>
    %div3A_82 = vector.broadcast %max3A_81 : vector<64x1xf32> to vector<64x64xf32>
    %div3A_83 = arith.divf %dot_general3A_75, %div3A_82 : vector<64x64xf32>
    %get3A_84 = arith.constant 0 : index
    %get3A_85 = arith.constant 0 : index
    %get3A_86 = vector.load %arg9[%get3A_84, %get3A_85] : memref<64x32xf32, #tpu.memory_space<vmem>>, vector<64x32xf32>
    %dot_general3A_87 = arith.constant dense<0.000000e+00> : vector<64x32xf32>
    %dot_general3A_88 = tpu.matmul %div3A_83, %get3A_86, %dot_general3A_87 {dimension_numbers = #tpu.dot_dimension_numbers<[1], [0], [0], [1], [0, 0, 1, 1], [], []>, transpose_lhs_hint = false} : vector<64x64xf32>, vector<64x32xf32>, vector<64x32xf32> -> vector<64x32xf32>
    %get3A_89 = arith.constant 0 : index
    %get3A_90 = arith.constant 0 : index
    %get3A_91 = vector.load %arg10[%get3A_89, %get3A_90] : memref<1x32xf32, #tpu.memory_space<vmem>>, vector<1x32xf32>
    %add3A_92 = vector.broadcast %get3A_91 : vector<1x32xf32> to vector<64x32xf32>
    %add3A_93 = arith.addf %dot_general3A_88, %add3A_92 : vector<64x32xf32>
    %max3A_94 = arith.constant 0.000000e+00 : f32
    %max3A_95 = vector.broadcast %max3A_94 : f32 to vector<64x32xf32>
    %max3A_96 = arith.maximumf %add3A_93, %max3A_95 : vector<64x32xf32>
    %get3A_97 = arith.constant 0 : index
    %get3A_98 = arith.constant 0 : index
    %get3A_99 = vector.load %arg11[%get3A_97, %get3A_98] : memref<32x16xf32, #tpu.memory_space<vmem>>, vector<32x16xf32>
    %dot_general3A_100 = arith.constant dense<0.000000e+00> : vector<64x16xf32>
    %dot_general3A_101 = tpu.matmul %max3A_96, %get3A_99, %dot_general3A_100 {dimension_numbers = #tpu.dot_dimension_numbers<[1], [0], [0], [1], [0, 0, 1, 1], [], []>, transpose_lhs_hint = false} : vector<64x32xf32>, vector<32x16xf32>, vector<64x16xf32> -> vector<64x16xf32>
    %get3A_102 = arith.constant 0 : index
    %get3A_103 = arith.constant 0 : index
    %get3A_104 = vector.load %arg12[%get3A_102, %get3A_103] : memref<1x16xf32, #tpu.memory_space<vmem>>, vector<1x16xf32>
    %add3A_105 = vector.broadcast %get3A_104 : vector<1x16xf32> to vector<64x16xf32>
    %add3A_106 = arith.addf %dot_general3A_101, %add3A_105 : vector<64x16xf32>
    %max3A_107 = arith.constant 0.000000e+00 : f32
    %max3A_108 = vector.broadcast %max3A_107 : f32 to vector<64x16xf32>
    %max3A_109 = arith.maximumf %add3A_106, %max3A_108 : vector<64x16xf32>
    %get3A_110 = arith.constant 0 : index
    %get3A_111 = arith.constant 0 : index
    %get3A_112 = vector.load %arg13[%get3A_110, %get3A_111] : memref<16x2xf32, #tpu.memory_space<vmem>>, vector<16x2xf32>
    %dot_general3A_113 = arith.constant dense<0.000000e+00> : vector<64x2xf32>
    %dot_general3A_114 = tpu.matmul %max3A_109, %get3A_112, %dot_general3A_113 {dimension_numbers = #tpu.dot_dimension_numbers<[1], [0], [0], [1], [0, 0, 1, 1], [], []>, transpose_lhs_hint = false} : vector<64x16xf32>, vector<16x2xf32>, vector<64x2xf32> -> vector<64x2xf32>
    %get3A_115 = arith.constant 0 : index
    %get3A_116 = arith.constant 0 : index
    %get3A_117 = vector.load %arg14[%get3A_115, %get3A_116] : memref<1x2xf32, #tpu.memory_space<vmem>>, vector<1x2xf32>
    %add3A_118 = vector.broadcast %get3A_117 : vector<1x2xf32> to vector<64x2xf32>
    %add3A_119 = arith.addf %dot_general3A_114, %add3A_118 : vector<64x2xf32>
    %swap3A = arith.constant 0 : index
    %swap3A_120 = arith.constant 0 : index
    %swap3A_121 = vector.load %arg15[%swap3A, %swap3A_120] : memref<64x2xf32, #tpu.memory_space<vmem>>, vector<64x2xf32>
    tpu.vector_store %arg15[%swap3A, %swap3A_120], %add3A_119 {strides = array<i32>} : memref<64x2xf32, #tpu.memory_space<vmem>>, vector<64x2xf32>,
    return
  }
}

</mosaic_0001>

<sc_bundles>
// kernel: kernel.11.cloned.1.call-start
scs
__scs_entry_jumppad:
0x0: {  	(pc) =	sbr.rel $0x88, $3  }
0x1: {  	(tag) =	ssettag $0x0;
	lr =	simm.s32 $0x1  }
0x2: {  	[smem:$0x3F89] =	sst lr;
	_ =	strace $0xD0000000  }
0x3: {  	_ = 	snop  }
0x4: {  	_ = 	snop  }
0x5: {  	_ = 	snop  }
0x6: {  	_ = 	snop  }
0x7: {  	_ = 	snop  }
__scs_overlays_trampoline_lowered:
0x8: {  	[smem:$0x3F98] =	sst s0  }
0x9: {  	[smem:$0x3F99] =	sst s1  }
0xa: {  	[smem:$0x3F9A] =	sst s2  }
0xb: {  	[smem:$0x3F9B] =	sst s3  }
0xc: {  	[smem:$0x3F9C] =	sst s4  }
0xd: {  	[smem:$0x3F9D] =	sst s5  }
0xe: {  	[smem:$0x3F9E] =	sst s6  }
0xf: {  	[smem:$0x3F9F] =	sst s7  }
0x10: {  	[smem:$0x3FA0] =	sst s8  }
0x11: {  	[smem:$0x3FA1] =	sst s9;
	s0 =	simm.s32 @!p0 $0x0  }
0x12: {  	s1 =	sld [smem:$0x3F87];
	s0 =	simm.s32 @p0 $0x1  }
0x13: {  	[smem:$0x3FA2] =	sst s0;
	s0 =	simm.s32 @!p1 $0x0  }
0x14: {  	s2 =	sld [smem:$0x3F86];
	s0 =	simm.s32 @p1 $0x1  }
0x15: {  	[smem:$0x3FA3] =	sst s0;
	s0 =	simm.s32 @!p2 $0x0  }
0x16: {  	s3 =	sld [smem:$0x3FDB];
	s0 =	simm.s32 @p2 $0x1  }
0x17: {  	s4 =	simm.s32 $0x1BF5;
	[smem:$0x3FA5] =	sst s0  }
0x18: {  	s0 =	sld [smem:$0x3F88];
	_ =	swait.ge [sflag:s4], $0x0  }
0x19: {  	s7 =	sld [smem:$0x3F89]  }
0x1a: {  	s8 =	sadd.s32 $0xFFFFE003, lr  }
0x1b: {  	s9 =	sadd.s32 $0xFFFFFEF7, lr;
	s5 =	simm.s32 $0xFFFFFFFF;
	p2 =	slt.u32 s8, $0xFFFFF086  }
0x1c: {  	p1 =	slt.u32 s9, $0xF7A;
	s5 =	simm.s32 @!p2 $0x0  }
0x1d: {  	s5 =	simm.s32 @p1 $0x1;
	p0 =	seq.s32 s7, s2  }
0x1e: {  	s7 =	smul.u32 @!p0 $0xF7A, s2;
	p2 =	seq.s32 @!p0 s5, $0x0  }
0x1f: {  	s9 =	smul.u32 $0xF7A, s1;
	s8 =	simm.s32 @!p0 $0x1BF5;
	p2 =	por !p2, p0  }
0x20: {  	[sflag:s8] =	ssyncset.s32 @!p0 $0xFFFFF086;
	s6 =	sadd.s32 @!p0 s3, s7;
	s7 =	simm.s32 @!p0 $0x108  }
0x21: {  	s3 =	sadd.s32 s3, s9;
	s6 =	sadd.s32 @!p0 $0x88, s6;
	s7 =	simm.s32 @p2 $0x1082  }
0x22: {  	[simem:s7], [sflag:s8] =	dma.local @!p0 [hbm:s6], $0xF7A  }
0x23: {  	s9 =	sor.u32 $0xD0000000, s2;
	s6 =	simm.s32 $0x108;
	_ =	swait.ge @!p0 [sflag:s8], $0x0  }
0x24: {  	s3 =	sadd.s32 $0x88, s3;
	s6 =	simm.s32 @!p1 $0x1082;
	[sflag:s4] =	ssyncset.s32 $0xFFFFF086  }
0x25: {  	[simem:s6], [sflag:s4] =	dma.local [hbm:s3], $0xF7A  }
0x26: {  	[smem:$0x3F89] =	sst s1;
	(tag) =	ssettag s2;
	_ =	strace s9  }
0x27: {  	s1 =	sld [smem:$0x3F99]  }
0x28: {  	s2 =	sld [smem:$0x3F9A]  }
0x29: {  	s4 =	sld [smem:$0x3F9C]  }
0x2a: {  	p0 =	seq.s32 s5, $0x0;
	s5 =	sld [smem:$0x3F9D]  }
0x2b: {  	s6 =	sld [smem:$0x3F9E]  }
0x2c: {  	s7 =	sld [smem:$0x3F9F]  }
0x2d: {  	s3 =	simm.s32 $0x108;
	s8 =	sld [smem:$0x3FA0]  }
0x2e: {  	s3 =	simm.s32 @!p0 $0x1082;
	s9 =	sld [smem:$0x3FA1]  }
0x2f: {  	lr =	sadd.s32 s0, s3;
	s0 =	sld [smem:$0x3F98]  }
0x30: {  	s3 =	sld [smem:$0x3F9B]  }
0x31: {  	[smem:$0x3FA4] =	sst s10  }
0x32: {  	s10 =	sld [smem:$0x3FA2];
	_ =	sdelay $0x3  }
0x33: {  	p0 =	seq.s32 s10, $0x1;
	s10 =	sld [smem:$0x3FA4];
	_ =	sdelay $0x3  }
0x34: {  	[smem:$0x3FA4] =	sst s10  }
0x35: {  	s10 =	sld [smem:$0x3FA3];
	_ =	sdelay $0x3  }
0x36: {  	p1 =	seq.s32 s10, $0x1;
	s10 =	sld [smem:$0x3FA4];
	_ =	sdelay $0x3  }
0x37: {  	[smem:$0x3FA4] =	sst s10  }
0x38: {  	s10 =	sld [smem:$0x3FA5]  }
0x39: {  	_ = 	snop;
	(pc) =	sbr.ind lr, $3  }
0x3a: {  	_ = 	snop  }
0x3b: {  	_ = 	snop  }
0x3c: {  	p2 =	seq.s32 s10, $0x1;
	s10 =	sld [smem:$0x3FA4]  }
0x3d: {  	_ =	shalt  }
0x3e: {  	_ =	shalt  }
0x3f: {  	_ =	shalt  }
0x40: {  	_ =	shalt  }
0x41: {  	_ =	shalt  }
0x42: {  	_ =	shalt  }
0x43: {  	_ =	shalt  }
0x44: {  	_ =	shalt  }
0x45: {  	_ =	shalt  }
0x46: {  	_ =	shalt  }
0x47: {  	_ =	shalt  }
0x48: {  	_ =	shalt  }
0x49: {  	_ =	shalt  }
0x4a: {  	_ =	shalt  }
0x4b: {  	_ =	shalt  }
0x4c: {  	_ =	shalt  }
0x4d: {  	_ =	shalt  }
0x4e: {  	_ =	shalt  }
0x4f: {  	_ =	shalt  }
0x50: {  	_ =	shalt  }
0x51: {  	_ =	shalt  }
0x52: {  	_ =	shalt  }
0x53: {  	_ =	shalt  }
0x54: {  	_ =	shalt  }
0x55: {  	_ =	shalt  }
0x56: {  	_ =	shalt  }
0x57: {  	_ =	shalt  }
0x58: {  	_ =	shalt  }
0x59: {  	_ =	shalt  }
0x5a: {  	_ =	shalt  }
0x5b: {  	_ =	shalt  }
0x5c: {  	_ =	shalt  }
0x5d: {  	_ =	shalt  }
0x5e: {  	_ =	shalt  }
0x5f: {  	_ =	shalt  }
0x60: {  	_ =	shalt  }
0x61: {  	_ =	shalt  }
0x62: {  	_ =	shalt  }
0x63: {  	_ =	shalt  }
0x64: {  	_ =	shalt  }
0x65: {  	_ =	shalt  }
0x66: {  	_ =	shalt  }
0x67: {  	_ =	shalt  }
0x68: {  	_ =	shalt  }
0x69: {  	_ =	shalt  }
0x6a: {  	_ =	shalt  }
0x6b: {  	_ =	shalt  }
0x6c: {  	_ =	shalt  }
0x6d: {  	_ =	shalt  }
0x6e: {  	_ =	shalt  }
0x6f: {  	_ =	shalt  }
0x70: {  	_ =	shalt  }
0x71: {  	_ =	shalt  }
0x72: {  	_ =	shalt  }
0x73: {  	_ =	shalt  }
0x74: {  	_ =	shalt  }
0x75: {  	_ =	shalt  }
0x76: {  	_ =	shalt  }
0x77: {  	_ =	shalt  }
0x78: {  	_ =	shalt  }
0x79: {  	_ =	shalt  }
0x7a: {  	_ =	shalt  }
0x7b: {  	_ =	shalt  }
0x7c: {  	_ =	shalt  }
0x7d: {  	_ =	shalt  }
0x7e: {  	_ =	shalt  }
0x7f: {  	_ =	shalt  }
0x80: {  	_ =	shalt  }
0x81: {  	_ =	shalt  }
0x82: {  	_ =	shalt  }
0x83: {  	_ =	shalt  }
0x84: {  	_ =	shalt  }
0x85: {  	_ =	shalt  }
0x86: {  	_ =	shalt  }
0x87: {  	_ =	shalt  }
.Lfunc_end0:
.L_simem_size_0:
called_computation_lowered:
.L_overlay_start_0:
0x88: {  	s2 =	sld [smem:$0x3FD9]  }
0x89: {  	s3 =	sld [smem:$0x3FFE];
	_ =	sdelay $0x1  }
0x8a: {  	s1 =	srdreg.scid  }
0x8b: {  	s0 =	sand.u32 $0x1, s1  }
0x8c: {  	s16 =	sshll.u32 s0, $0xA;
	s2 =	sadd.s32 s3, s2  }
0x8d: {  	s2 =	sadd.s32 s2, s16  }
0x8e: {  	[smem:$0x3FB0] =	sst s2  }
0x8f: {  	_ = 	snop  }
0x90: {  	(tm) =	ssettm $0x1  }
0x91: {  	s17 =	sld [smem:$0x3FFB];
	_ =	sdelay $0x3  }
0x92: {  	_ =	strace s17  }
0x93: {  	s2 =	sld [smem:$0x3FFC];
	_ =	sdelay $0x3  }
0x94: {  	_ =	strace s2  }
0x95: {  	s2 =	sld [smem:$0x3FFD];
	_ =	sdelay $0x3  }
0x96: {  	_ =	strace s2  }
0x97: {  	_ =	strace $0x8FFFFFFF  }
0x98: {  	s18 =	sld [smem:$0x3FDB];
	_ =	sdelay $0x1  }
0x99: {  	s19 =	simm.s32 $_scs_section_size  }
0x9a: {  	s4 =	simm.s32 $_size__tile_overlayer_lowered;
	s5 =	simm.s32 $_tile_overlayer_lowered  }
0x9b: {  	s22 =	simm.s32 $0x1BFF;
	s21 =	sshll.u32 s5, $0x1;
	s2 =	sadd.s32 s19, s18  }
0x9c: {  	s6 =	simm.s32 $0x0;
	s20 =	sshll.u32 s4, $0x1;
	s4 =	sadd.s32 s21, s2  }
0x9d: {  	[timem:s6], [sflag:s22] =	dma.local [hbm:s4], s20  }
0x9e: {  	_ =	swait.ge [sflag:s22], s20  }
0x9f: {  	s3 =	ssub.s32 $0x0, s20;
	[sflag:s22] =	ssyncset.done $0x0  }
0xa0: {  	[sflag:s22] =	ssyncadd.s32 s3;
	_ =	sdelay $0x1  }
0xa1: {  	s23 =	simm.s32 $0x1B8B  }
0xa2: {  	_ =	swait.ge [sflag:s23], $0x1  }
0xa3: {  	[sflag:s23] =	ssyncset.done $0x0  }
0xa4: {  	s25 =	simm.s32 $0x1B8E;
	s24 =	sld [smem:$0x3FFE];
	[sflag:s23] =	ssyncadd.s32 $0xFFFFFFFF  }
0xa5: {  	s26 =	simm.s32 $execute0_lowered;
	[smem:$0x3FD2] =	sst s25  }
0xa6: {  	s4 =	sshll.u32 s26, $0x1;
	_ =	strace $0x80000046;
	[dreg:$0x1] =	wrdreg $0xFFFFFFFF  }
0xa7: {  	s28 =	simm.s32 $_size_execute0_lowered;
	s2 =	sadd.s32 s2, s4;
	[dreg:$0x0] =	wrdreg $0x0  }
0xa8: {  	s4 =	sshll.u32 s28, $0x1;
	[dreg:$0x2] =	wrdreg s2  }
0xa9: {  	[dreg:$0x3] =	wrdreg s4  }
0xaa: {  	[dreg:$0x4] =	wrdreg $0xC0  }
0xab: {  	_ =	task [dreg:s6], $0x5FFFF  }
0xac: {  	[dreg:$0x1] =	wrdreg $0xFFFFFFFF  }
0xad: {  	[dreg:$0x0] =	wrdreg $0x60  }
0xae: {  	[dreg:$0x2] =	wrdreg s24  }
0xaf: {  	[dreg:$0x3] =	wrdreg $0x68000  }
0xb0: {  	[dreg:$0x4] =	wrdreg $0x9  }
0xb1: {  	_ =	task.clear_ibuf [dreg:s6], $0x5FFFF;
	_ =	strace $0x90000046  }
0xb2: {  	s29 =	simm.s32 $0x9;
	_ =	strace $0x80000048  }
0xb3: {  	_ =	swait.ge [sflag:s29], $0x1  }
0xb4: {  	[sflag:s29] =	ssyncadd.s32 $0xFFFFFFFF  }
0xb5: {  	_ =	strace $0x90000048  }
0xb6: {  	_ =	sfence  }
0xb7: {  	s30 =	sld [smem:$0x0];
	_ =	sdelay $0x2  }
0xb8: {  	s31 =	sshll.u32 s1, $0xD;
	s1 =	sshrl.u32 s1, $0x2  }
0xb9: {  	s3 =	sand.u32 $0x4000, s31;
	s1 =	sadd.s32 s1, s30  }
0xba: {  	s0 =	sor.u32 s3, s0;
	s1 =	sshll.u32 s1, $0x11  }
0xbb: {  	s0 =	sor.u32 s1, s0  }
0xbc: {  	s0 =	sadd.s32 $0x8F2B, s0  }
0xbd: {  	[sflag:s0] =	ssyncadd.remote.s32 $0x1  }
0xbe: {  	_ =	sfence.sel $0xFFFF  }
0xbf: {  	[dreg:$0x0] =	wrdreg $0xFFFFFFFF;
	(pc) =	sbr.abs _section_cstart, $3  }
0xc0: {  	[dreg:$0x1] =	wrdreg $0xFFFFFFFF  }
0xc1: {  	_ =	task.clear_ibuf [dreg:s6], $0x2FFFF;
	_ =	strace $0x9FFFFFFF  }
0xc2: {  	(tm) =	ssettm $0x7FFFFFFF  }
0xc3: {  	_ =	shalt  }
tec
execute0_lowered:
.L_overlay_start_1:
0x0: {  	(tag) =	ssettag $0x1  }
0x1: {  	s1 =	srdreg.scid;
	s6 =	rddreg [dreg:$0x0]  }
0x2: {  	s0 =	stileid.u32;
	s2 =	rddreg [dreg:$0x1]  }
0x3: {  	s3 =	simm.s32 $0x0;
	s12 =	simm.s32 $0x2800;
	s13 =	simm.s32 $0x7D  }
0x4: {  	s14 =	simm.s32 $0x1;
	s15 =	simm.s32 $0x0;
	s5 =	sand.u32 $0x1, s1  }
0x5: {  	s28 =	sshll.u32 s0, $0x1;
	[smem:$0x7FF] =	sst s3;
	s8 =	smul.u32 $0x14000, s0  }
0x6: {  	s10 =	smul.u32 $0x50000, s0;
	s31 =	sshll.u32 s0, $0x6;
	s1 =	sor.u32 s5, s28  }
0x7: {  	s7 =	smul.u32 $0x140000, s5;
	s29 =	ssub.s32 $0x2, s5;
	s5 =	sadd.s32 $0x22E00, s6  }
0x8: {  	s4 =	smul.u32 $0x500, s1;
	s1 =	rddreg [dreg:$0x2];
	_ =	strace $0x80000047  }
0x9: {  	s11 =	sshrl.u32 s29, $0x1;
	s10 =	sshrl.u32 s10, $0x2;
	s7 =	sadd.s32 s8, s7  }
0xa: {  	s8 =	ssub.s32 s29, s11;
	s30 =	sadd.s32 s10, s2;
	s10 =	sor.u32 $0x1C02, s31  }
0xb: {  	s9 =	sadd.s32 s4, s6;
	s4 =	sadd.s32 $0x25600, s6;
	s7 =	sshrl.u32 s7, $0x3  }
0xc: {  	s8 =	smax.u32 s8, $0x1;
	s11 =	sshrl.u32 s30, $0x3;
	s7 =	sadd.s32 s7, s6  }
0xd: {  	s6 =	sadd.s32 $0x18E00, s9;
	s9 =	simm.s32 $0x2;
	s7 =	sadd.s32 $0x25E00, s7  }
.LBB2_1:
0xe: {  	[tilespmem:s3], [sflag:$0x2] =	stream.linear.gather [hbm4b:s6+s3], $0x2800, $0x38;
	[tilespmem:$0xB800] =	vst v63  }
0xf: {  	_ =	swait.ge [sflag:s9], $0x2800  }
0x10: {  	[sflag:s9] =	ssyncset.done $0x0  }
0x11: {  	[sflag:s9] =	ssyncadd.s32 $0xFFFFD800  }
0x12: {  	[spmem:s11], [sflag:s10] =	dma.local [hbm:s5], $0x2800  }
0x13: {  	_ =	swait.ge [sflag:s9], $0x2800  }
0x14: {  	[sflag:s9] =	ssyncset.done $0x0  }
0x15: {  	[sflag:s9] =	ssyncadd.s32 $0xFFFFD800  }
0x16: {  	[tilespmem:s12], [sflag:$0x2] =	stream.linear.gather [hbm4b:s4+s3], $0x3E80, $0x38;
	[tilespmem:$0xB800] =	vst v63  }
0x17: {  	_ =	swait.ge [sflag:s9], $0x3E80  }
0x18: {  	[sflag:s9] =	ssyncset.done $0x0  }
0x19: {  	[sflag:s9] =	ssyncadd.s32 $0xFFFFC180  }
0x1a: {  	[bflag:$0x0] =	sbarrier.arrive $0xFFFF  }
0x1b: {  	[spmem:s2] =	stream.indirect.scatter.add.f32 [tilespmem:s12], [sflag:$0x1], $0x20, s3, s13, $0xb8;
	[tilespmem:$0xB800] =	vst v63  }
0x1c: {  	s16 =	simm.s32 $0x80  }
0x1d: {  	[spmem:s2] =	stream.indirect.scatter.add.f32 [tilespmem:s12], [sflag:$0x1], $0x20, s16, s13, $0xb8;
	[tilespmem:$0xB800] =	vst v63  }
0x1e: {  	_ =	swait.ge [sflag:s14], $0xFA0  }
0x1f: {  	s16 =	simm.s32 $0x400;
	[sflag:s14] =	ssyncset.done $0x0  }
.LBB2_2:
0x20: {  	s17 =	sshra.s32 s16, $0x2;
	[sflag:s14] =	ssyncadd.s32 $0xFFFFF060;
	p0 =	sne.s32 s16, $0x9E00  }
0x21: {  	[spmem:s2] =	stream.indirect.scatter.add.f32 [tilespmem:s12], [sflag:$0x1], $0x20, s17, s13, $0xb8;
	[tilespmem:$0xB800] =	vst v63  }
.Ltmp0:
0x22: {  	_ = 	snop;
	(pc) =	sbr.rel @p0 .LBB2_2-.Ltmp0, $4  }
0x23: {  	_ = 	snop  }
0x24: {  	s16 =	sadd.s32 $0x200, s16  }
0x25: {  	_ =	swait.ge [sflag:s14], $0xFA0  }
0x26: {  	[sflag:s14] =	ssyncset.done $0x0  }
0x27: {  	[sflag:s14] =	ssyncadd.s32 $0xFFFFF060  }
0x28: {  	_ =	swait.ge [sflag:s14], $0xFA0  }
0x29: {  	s15 =	sadd.s32 $0x1, s15;
	[sflag:s14] =	ssyncset.done $0x0  }
0x2a: {  	p0 =	sne.s32 s15, s8;
	[sflag:s14] =	ssyncadd.s32 $0xFFFFF060  }
.Ltmp1:
0x2b: {  	[bflag:$0x0] =	sbarrier.arrive $0xFFFF;
	(pc) =	sbr.rel @p0 .LBB2_1-.Ltmp1, $4  }
0x2c: {  	[hbm:s7], [sflag:s10] =	dma.local [spmem:s11], $0x2800  }
0x2d: {  	_ =	swait.ge [sflag:s9], $0x2800  }
0x2e: {  	[sflag:s9] =	ssyncset.done $0x0  }
0x2f: {  	[sflag:s9] =	ssyncadd.s32 $0xFFFFD800  }
0x30: {  	_ =	sfence.sel $0x180000  }
0x31: {  	[bflag:$0x0] =	sbarrier.arrive $0xFFFF  }
0x32: {  	p0 =	sne.s32 s0, $0x0;
	_ =	strace $0x90000047  }
0x33: {  	s0 =	sadd.s32 @!p0 $0x100000, s1;
	[bflag:$0x2] =	sbarrier.arrive $0xFFFF  }
0x34: {  	[sflag:s0] =	ssyncadd.tile.s32 @!p0 $0x1;
	_ =	shalt  }
.Lfunc_end2:
_tile_overlayer_lowered:
.L_overlay_start_2:
0x35: {  	(tag) =	ssettag $0x2  }
0x36: {  	s0 =	rddreg [dreg:$0x0];
	s2 =	stileid.u32  }
0x37: {  	s1 =	rddreg [dreg:$0x1];
	p0 =	sne.s32 s2, $0x0  }
0x38: {  	s3 =	rddreg [dreg:$0x2];
	[bflag:$0x3] =	sbarrier.arrive $0xFFFF;
	s2 =	simm.s32 @!p0 $0x1C02  }
0x39: {  	[timem:s3], [sflag:s2] =	dma.local @!p0 [hbm:s0], s1  }
0x3a: {  	s0 =	simm.s32 @!p0 $0x2  }
0x3b: {  	_ =	swait.ge @!p0 [sflag:s0], s1  }
0x3c: {  	s1 =	ssub.s32 @!p0 $0x0, s1;
	[sflag:s0] =	ssyncset.done @!p0 $0x0  }
0x3d: {  	[sflag:s0] =	ssyncadd.s32 @!p0 s1  }
0x3e: {  	[bflag:$0x3] =	sbarrier.arrive $0xFFFF  }
0x3f: {  	_ =	shalt  }

// kernel: kernel.14.cloned.1.call-start
scs
__scs_entry_jumppad:
0x0: {  	(pc) =	sbr.rel $0x88, $3  }
0x1: {  	(tag) =	ssettag $0x0;
	lr =	simm.s32 $0x1  }
0x2: {  	[smem:$0x3F89] =	sst lr;
	_ =	strace $0xD0000000  }
0x3: {  	_ = 	snop  }
0x4: {  	_ = 	snop  }
0x5: {  	_ = 	snop  }
0x6: {  	_ = 	snop  }
0x7: {  	_ = 	snop  }
__scs_overlays_trampoline_lowered:
0x8: {  	[smem:$0x3F98] =	sst s0  }
0x9: {  	[smem:$0x3F99] =	sst s1  }
0xa: {  	[smem:$0x3F9A] =	sst s2  }
0xb: {  	[smem:$0x3F9B] =	sst s3  }
0xc: {  	[smem:$0x3F9C] =	sst s4  }
0xd: {  	[smem:$0x3F9D] =	sst s5  }
0xe: {  	[smem:$0x3F9E] =	sst s6  }
0xf: {  	[smem:$0x3F9F] =	sst s7  }
0x10: {  	[smem:$0x3FA0] =	sst s8  }
0x11: {  	[smem:$0x3FA1] =	sst s9;
	s0 =	simm.s32 @!p0 $0x0  }
0x12: {  	s1 =	sld [smem:$0x3F87];
	s0 =	simm.s32 @p0 $0x1  }
0x13: {  	[smem:$0x3FA2] =	sst s0;
	s0 =	simm.s32 @!p1 $0x0  }
0x14: {  	s2 =	sld [smem:$0x3F86];
	s0 =	simm.s32 @p1 $0x1  }
0x15: {  	[smem:$0x3FA3] =	sst s0;
	s0 =	simm.s32 @!p2 $0x0  }
0x16: {  	s3 =	sld [smem:$0x3FDB];
	s0 =	simm.s32 @p2 $0x1  }
0x17: {  	s4 =	simm.s32 $0x1BF5;
	[smem:$0x3FA5] =	sst s0  }
0x18: {  	s0 =	sld [smem:$0x3F88];
	_ =	swait.ge [sflag:s4], $0x0  }
0x19: {  	s7 =	sld [smem:$0x3F89]  }
0x1a: {  	s8 =	sadd.s32 $0xFFFFE003, lr  }
0x1b: {  	s9 =	sadd.s32 $0xFFFFFEF7, lr;
	s5 =	simm.s32 $0xFFFFFFFF;
	p2 =	slt.u32 s8, $0xFFFFF086  }
0x1c: {  	p1 =	slt.u32 s9, $0xF7A;
	s5 =	simm.s32 @!p2 $0x0  }
0x1d: {  	s5 =	simm.s32 @p1 $0x1;
	p0 =	seq.s32 s7, s2  }
0x1e: {  	s7 =	smul.u32 @!p0 $0xF7A, s2;
	p2 =	seq.s32 @!p0 s5, $0x0  }
0x1f: {  	s9 =	smul.u32 $0xF7A, s1;
	s8 =	simm.s32 @!p0 $0x1BF5;
	p2 =	por !p2, p0  }
0x20: {  	[sflag:s8] =	ssyncset.s32 @!p0 $0xFFFFF086;
	s6 =	sadd.s32 @!p0 s3, s7;
	s7 =	simm.s32 @!p0 $0x108  }
0x21: {  	s3 =	sadd.s32 s3, s9;
	s6 =	sadd.s32 @!p0 $0x88, s6;
	s7 =	simm.s32 @p2 $0x1082  }
0x22: {  	[simem:s7], [sflag:s8] =	dma.local @!p0 [hbm:s6], $0xF7A  }
0x23: {  	s9 =	sor.u32 $0xD0000000, s2;
	s6 =	simm.s32 $0x108;
	_ =	swait.ge @!p0 [sflag:s8], $0x0  }
0x24: {  	s3 =	sadd.s32 $0x88, s3;
	s6 =	simm.s32 @!p1 $0x1082;
	[sflag:s4] =	ssyncset.s32 $0xFFFFF086  }
0x25: {  	[simem:s6], [sflag:s4] =	dma.local [hbm:s3], $0xF7A  }
0x26: {  	[smem:$0x3F89] =	sst s1;
	(tag) =	ssettag s2;
	_ =	strace s9  }
0x27: {  	s1 =	sld [smem:$0x3F99]  }
0x28: {  	s2 =	sld [smem:$0x3F9A]  }
0x29: {  	s4 =	sld [smem:$0x3F9C]  }
0x2a: {  	p0 =	seq.s32 s5, $0x0;
	s5 =	sld [smem:$0x3F9D]  }
0x2b: {  	s6 =	sld [smem:$0x3F9E]  }
0x2c: {  	s7 =	sld [smem:$0x3F9F]  }
0x2d: {  	s3 =	simm.s32 $0x108;
	s8 =	sld [smem:$0x3FA0]  }
0x2e: {  	s3 =	simm.s32 @!p0 $0x1082;
	s9 =	sld [smem:$0x3FA1]  }
0x2f: {  	lr =	sadd.s32 s0, s3;
	s0 =	sld [smem:$0x3F98]  }
0x30: {  	s3 =	sld [smem:$0x3F9B]  }
0x31: {  	[smem:$0x3FA4] =	sst s10  }
0x32: {  	s10 =	sld [smem:$0x3FA2];
	_ =	sdelay $0x3  }
0x33: {  	p0 =	seq.s32 s10, $0x1;
	s10 =	sld [smem:$0x3FA4];
	_ =	sdelay $0x3  }
0x34: {  	[smem:$0x3FA4] =	sst s10  }
0x35: {  	s10 =	sld [smem:$0x3FA3];
	_ =	sdelay $0x3  }
0x36: {  	p1 =	seq.s32 s10, $0x1;
	s10 =	sld [smem:$0x3FA4];
	_ =	sdelay $0x3  }
0x37: {  	[smem:$0x3FA4] =	sst s10  }
0x38: {  	s10 =	sld [smem:$0x3FA5]  }
0x39: {  	_ = 	snop;
	(pc) =	sbr.ind lr, $3  }
0x3a: {  	_ = 	snop  }
0x3b: {  	_ = 	snop  }
0x3c: {  	p2 =	seq.s32 s10, $0x1;
	s10 =	sld [smem:$0x3FA4]  }
0x3d: {  	_ =	shalt  }
0x3e: {  	_ =	shalt  }
0x3f: {  	_ =	shalt  }
0x40: {  	_ =	shalt  }
0x41: {  	_ =	shalt  }
0x42: {  	_ =	shalt  }
0x43: {  	_ =	shalt  }
0x44: {  	_ =	shalt  }
0x45: {  	_ =	shalt  }
0x46: {  	_ =	shalt  }
0x47: {  	_ =	shalt  }
0x48: {  	_ =	shalt  }
0x49: {  	_ =	shalt  }
0x4a: {  	_ =	shalt  }
0x4b: {  	_ =	shalt  }
0x4c: {  	_ =	shalt  }
0x4d: {  	_ =	shalt  }
0x4e: {  	_ =	shalt  }
0x4f: {  	_ =	shalt  }
0x50: {  	_ =	shalt  }
0x51: {  	_ =	shalt  }
0x52: {  	_ =	shalt  }
0x53: {  	_ =	shalt  }
0x54: {  	_ =	shalt  }
0x55: {  	_ =	shalt  }
0x56: {  	_ =	shalt  }
0x57: {  	_ =	shalt  }
0x58: {  	_ =	shalt  }
0x59: {  	_ =	shalt  }
0x5a: {  	_ =	shalt  }
0x5b: {  	_ =	shalt  }
0x5c: {  	_ =	shalt  }
0x5d: {  	_ =	shalt  }
0x5e: {  	_ =	shalt  }
0x5f: {  	_ =	shalt  }
0x60: {  	_ =	shalt  }
0x61: {  	_ =	shalt  }
0x62: {  	_ =	shalt  }
0x63: {  	_ =	shalt  }
0x64: {  	_ =	shalt  }
0x65: {  	_ =	shalt  }
0x66: {  	_ =	shalt  }
0x67: {  	_ =	shalt  }
0x68: {  	_ =	shalt  }
0x69: {  	_ =	shalt  }
0x6a: {  	_ =	shalt  }
0x6b: {  	_ =	shalt  }
0x6c: {  	_ =	shalt  }
0x6d: {  	_ =	shalt  }
0x6e: {  	_ =	shalt  }
0x6f: {  	_ =	shalt  }
0x70: {  	_ =	shalt  }
0x71: {  	_ =	shalt  }
0x72: {  	_ =	shalt  }
0x73: {  	_ =	shalt  }
0x74: {  	_ =	shalt  }
0x75: {  	_ =	shalt  }
0x76: {  	_ =	shalt  }
0x77: {  	_ =	shalt  }
0x78: {  	_ =	shalt  }
0x79: {  	_ =	shalt  }
0x7a: {  	_ =	shalt  }
0x7b: {  	_ =	shalt  }
0x7c: {  	_ =	shalt  }
0x7d: {  	_ =	shalt  }
0x7e: {  	_ =	shalt  }
0x7f: {  	_ =	shalt  }
0x80: {  	_ =	shalt  }
0x81: {  	_ =	shalt  }
0x82: {  	_ =	shalt  }
0x83: {  	_ =	shalt  }
0x84: {  	_ =	shalt  }
0x85: {  	_ =	shalt  }
0x86: {  	_ =	shalt  }
0x87: {  	_ =	shalt  }
.Lfunc_end0:
.L_simem_size_0:
called_computation.1_lowered:
.L_overlay_start_0:
0x88: {  	s2 =	sld [smem:$0x3FD9]  }
0x89: {  	s3 =	sld [smem:$0x3FFE];
	_ =	sdelay $0x1  }
0x8a: {  	s1 =	srdreg.scid  }
0x8b: {  	s0 =	sand.u32 $0x1, s1  }
0x8c: {  	s16 =	sshll.u32 s0, $0xA;
	s2 =	sadd.s32 s3, s2  }
0x8d: {  	s2 =	sadd.s32 s2, s16  }
0x8e: {  	[smem:$0x3FB0] =	sst s2  }
0x8f: {  	_ = 	snop  }
0x90: {  	(tm) =	ssettm $0x1  }
0x91: {  	s17 =	sld [smem:$0x3FFB];
	_ =	sdelay $0x3  }
0x92: {  	_ =	strace s17  }
0x93: {  	s2 =	sld [smem:$0x3FFC];
	_ =	sdelay $0x3  }
0x94: {  	_ =	strace s2  }
0x95: {  	s2 =	sld [smem:$0x3FFD];
	_ =	sdelay $0x3  }
0x96: {  	_ =	strace s2  }
0x97: {  	_ =	strace $0x8FFFFFFF  }
0x98: {  	s18 =	sld [smem:$0x3FDB];
	_ =	sdelay $0x1  }
0x99: {  	s19 =	simm.s32 $_scs_section_size  }
0x9a: {  	s4 =	simm.s32 $_size__tile_overlayer_lowered;
	s5 =	simm.s32 $_tile_overlayer_lowered  }
0x9b: {  	s22 =	simm.s32 $0x1BFF;
	s21 =	sshll.u32 s5, $0x1;
	s2 =	sadd.s32 s19, s18  }
0x9c: {  	s6 =	simm.s32 $0x0;
	s20 =	sshll.u32 s4, $0x1;
	s4 =	sadd.s32 s21, s2  }
0x9d: {  	[timem:s6], [sflag:s22] =	dma.local [hbm:s4], s20  }
0x9e: {  	_ =	swait.ge [sflag:s22], s20  }
0x9f: {  	s3 =	ssub.s32 $0x0, s20;
	[sflag:s22] =	ssyncset.done $0x0  }
0xa0: {  	[sflag:s22] =	ssyncadd.s32 s3;
	_ =	sdelay $0x1  }
0xa1: {  	s23 =	simm.s32 $0x1B8B  }
0xa2: {  	_ =	swait.ge [sflag:s23], $0x1  }
0xa3: {  	[sflag:s23] =	ssyncset.done $0x0  }
0xa4: {  	s25 =	simm.s32 $0x1B8E;
	s24 =	sld [smem:$0x3FFE];
	[sflag:s23] =	ssyncadd.s32 $0xFFFFFFFF  }
0xa5: {  	s26 =	simm.s32 $execute0_lowered;
	[smem:$0x3FD2] =	sst s25  }
0xa6: {  	s4 =	sshll.u32 s26, $0x1;
	_ =	strace $0x80000049;
	[dreg:$0x1] =	wrdreg $0xFFFFFFFF  }
0xa7: {  	s28 =	simm.s32 $_size_execute0_lowered;
	s2 =	sadd.s32 s2, s4;
	[dreg:$0x0] =	wrdreg $0x0  }
0xa8: {  	s4 =	sshll.u32 s28, $0x1;
	[dreg:$0x2] =	wrdreg s2  }
0xa9: {  	[dreg:$0x3] =	wrdreg s4  }
0xaa: {  	[dreg:$0x4] =	wrdreg $0xC0  }
0xab: {  	_ =	task [dreg:s6], $0x5FFFF  }
0xac: {  	[dreg:$0x1] =	wrdreg $0xFFFFFFFF  }
0xad: {  	[dreg:$0x0] =	wrdreg $0x60  }
0xae: {  	[dreg:$0x2] =	wrdreg s24  }
0xaf: {  	[dreg:$0x3] =	wrdreg $0x52000  }
0xb0: {  	[dreg:$0x4] =	wrdreg $0x9  }
0xb1: {  	_ =	task.clear_ibuf [dreg:s6], $0x5FFFF;
	_ =	strace $0x90000049  }
0xb2: {  	s29 =	simm.s32 $0x9;
	_ =	strace $0x8000004B  }
0xb3: {  	_ =	swait.ge [sflag:s29], $0x1  }
0xb4: {  	[sflag:s29] =	ssyncadd.s32 $0xFFFFFFFF  }
0xb5: {  	_ =	strace $0x9000004B  }
0xb6: {  	_ =	sfence  }
0xb7: {  	s30 =	sld [smem:$0x0];
	_ =	sdelay $0x2  }
0xb8: {  	s31 =	sshll.u32 s1, $0xD;
	s1 =	sshrl.u32 s1, $0x2  }
0xb9: {  	s3 =	sand.u32 $0x4000, s31;
	s1 =	sadd.s32 s1, s30  }
0xba: {  	s0 =	sor.u32 s3, s0;
	s1 =	sshll.u32 s1, $0x11  }
0xbb: {  	s0 =	sor.u32 s1, s0  }
0xbc: {  	s0 =	sadd.s32 $0x8F2B, s0  }
0xbd: {  	[sflag:s0] =	ssyncadd.remote.s32 $0x1  }
0xbe: {  	_ =	sfence.sel $0xFFFF  }
0xbf: {  	[dreg:$0x0] =	wrdreg $0xFFFFFFFF;
	(pc) =	sbr.abs _section_cstart, $3  }
0xc0: {  	[dreg:$0x1] =	wrdreg $0xFFFFFFFF  }
0xc1: {  	_ =	task.clear_ibuf [dreg:s6], $0x2FFFF;
	_ =	strace $0x9FFFFFFF  }
0xc2: {  	(tm) =	ssettm $0x7FFFFFFF  }
0xc3: {  	_ =	shalt  }
tec
execute0_lowered:
.L_overlay_start_1:
0x0: {  	(tag) =	ssettag $0x1  }
0x1: {  	s0 =	rddreg [dreg:$0x0]  }
0x2: {  	s1 =	rddreg [dreg:$0x1];
	s3 =	simm.s32 $0x0  }
0x3: {  	s2 =	srdreg.scid;
	s13 =	stileid.u32;
	s28 =	simm.s32 $0x200  }
0x4: {  	s29 =	simm.s32 $0x1;
	s30 =	simm.s32 $0x100;
	s31 =	simm.s32 $0x180  }
0x5: {  	[smem:$0x7FF] =	sst s3;
	s2 =	sand.u32 $0x1, s2;
	s8 =	smul.u32 $0x14000, s13  }
0x6: {  	s4 =	sadd.s32 $0x18E00, s0;
	s5 =	sadd.s32 $0x40000, s0;
	s6 =	sadd.s32 $0x5200, s0  }
0x7: {  	s7 =	sadd.s32 $0xF000, s0;
	s18 =	sadd.s32 $0x67200, s0;
	s10 =	smul.u32 $0x50000, s13  }
0x8: {  	s25 =	sshll.u32 s13, $0x1;
	s9 =	smul.u32 $0x140000, s2;
	s11 =	ssub.s32 $0x2, s2  }
0x9: {  	_ =	strace $0x8000004A;
	[dreg:$0x3] =	wrdreg s18;
	s12 =	sshrl.u32 s11, $0x1  }
0xa: {  	s10 =	sshrl.u32 s10, $0x2;
	s8 =	sadd.s32 s8, s9;
	s9 =	sor.u32 s2, s25  }
0xb: {  	s26 =	ssub.s32 s11, s12;
	s12 =	sshll.u32 s13, $0x6;
	s13 =	smul.u32 $0x4E20, s13  }
0xc: {  	s10 =	sadd.s32 s10, s1;
	s2 =	smul.u32 $0x2710, s2;
	s8 =	sshrl.u32 s8, $0x3  }
0xd: {  	s9 =	smul.u32 $0x2710, s9;
	[dreg:$0x4] =	wrdreg s10;
	s20 =	sor.u32 $0x1C07, s12  }
0xe: {  	s0 =	sadd.s32 s8, s0;
	s2 =	sadd.s32 s2, s13;
	s8 =	smax.u32 s26, $0x1  }
0xf: {  	s9 =	sshrl.u32 s9, $0x3;
	s21 =	sadd.s32 $0x69A00, s0;
	s0 =	sadd.s32 $0xB9A00, s0  }
0x10: {  	s23 =	sadd.s32 $0xF0, s2;
	[dreg:$0xb] =	wrdreg s8;
	s26 =	sadd.s32 $0xA0, s2  }
0x11: {  	s2 =	simm.s32 $0x2A00;
	s14 =	sadd.s32 $0xA, s9;
	[dreg:$0x9] =	wrdreg s21  }
0x12: {  	s15 =	sadd.s32 s6, s9;
	s16 =	sadd.s32 s7, s9;
	[dreg:$0xa] =	wrdreg s0  }
0x13: {  	s22 =	sadd.s32 $0x4D8, s9;
	s25 =	sshrl.u32 s23, $0x3;
	[dreg:$0xe] =	wrdreg s26  }
0x14: {  	s23 =	simm.s32 $0x7;
	s26 =	simm.s32 $0x50;
	[dreg:$0x5] =	wrdreg s15  }
0x15: {  	s9 =	simm.s32 $0x3;
	[dreg:$0x6] =	wrdreg s16;
	s17 =	sadd.s32 s6, s14  }
0x16: {  	s19 =	sadd.s32 s7, s14;
	s24 =	sadd.s32 s6, s22;
	[dreg:$0x7] =	wrdreg s17  }
0x17: {  	s0 =	sadd.s32 s7, s22;
	s21 =	sadd.s32 s25, s7;
	[dreg:$0x8] =	wrdreg s19  }
0x18: {  	s22 =	sadd.s32 s25, s6;
	s25 =	simm.s32 $0x5;
	[dreg:$0xc] =	wrdreg s24  }
0x19: {  	s15 =	simm.s32 $0x2;
	s16 =	simm.s32 $0x4;
	[dreg:$0xd] =	wrdreg s0  }
0x1a: {  	s24 =	simm.s32 $0x80;
	s0 =	simm.s32 $0x6;
	s17 =	simm.s32 $0x0  }
.LBB2_1:
0x1b: {  	s8 =	rddreg [dreg:$0x4]  }
0x1c: {  	s8 =	sshrl.u32 s8, $0x3  }
0x1d: {  	[spmem:s8], [sflag:s20] =	dma.local [hbm:s18], $0x2800  }
0x1e: {  	_ =	swait.ge [sflag:s23], $0x2800  }
0x1f: {  	[sflag:s23] =	ssyncset.done $0x0  }
0x20: {  	[sflag:s23] =	ssyncadd.s32 $0xFFFFD800  }
0x21: {  	[bflag:$0x0] =	sbarrier.arrive $0xFFFF  }
0x22: {  	s10 =	rddreg [dreg:$0x5]  }
0x23: {  	[tilespmem:s3], [sflag:$0x5] =	stream.linear.gather [hbm4b:s10+s3], $0x50, $0x38;
	[tilespmem:$0x19200] =	vst v63  }
0x24: {  	s12 =	rddreg [dreg:$0x6]  }
0x25: {  	[tilespmem:s24], [sflag:$0x5] =	stream.linear.gather [hbm4b:s12+s3], $0x50, $0x38;
	[tilespmem:$0x19200] =	vst v63  }
0x26: {  	_ =	swait.ge [sflag:s25], $0x50  }
0x27: {  	[sflag:s25] =	ssyncset.done $0x0  }
0x28: {  	[sflag:s25] =	ssyncadd.s32 $0xFFFFFFB0  }
0x29: {  	_ =	swait.ge [sflag:s25], $0x50  }
0x2a: {  	[sflag:s25] =	ssyncset.done $0x0  }
0x2b: {  	[sflag:s25] =	ssyncadd.s32 $0xFFFFFFB0  }
0x2c: {  	[tilespmem:s28], [sflag:$0x1] =	stream.indirect.gather [hbm4b:s4+s26], $0x80, s3, s26, $0xb8;
	[tilespmem:$0x19200] =	vst v63  }
0x2d: {  	_ =	swait.ge [sflag:s29], $0x2800  }
0x2e: {  	[sflag:s29] =	ssyncset.done $0x0  }
0x2f: {  	[sflag:s29] =	ssyncadd.s32 $0xFFFFD800  }
0x30: {  	[spmem:s1] =	stream.indirect.scatter.add.f32 [tilespmem:s28], [sflag:$0x3], $0x80, s24, s26, $0xb8;
	[tilespmem:$0x19200] =	vst v63  }
0x31: {  	s13 =	rddreg [dreg:$0x7]  }
0x32: {  	[tilespmem:s30], [sflag:$0x6] =	stream.linear.gather [hbm4b:s13+s3], $0x50, $0x38;
	[tilespmem:$0x19200] =	vst v63  }
0x33: {  	s14 =	rddreg [dreg:$0x8]  }
0x34: {  	[tilespmem:s31], [sflag:$0x6] =	stream.linear.gather [hbm4b:s14+s3], $0x50, $0x38;
	[tilespmem:$0x19200] =	vst v63  }
0x35: {  	_ =	swait.ge [sflag:s0], $0x50  }
0x36: {  	[sflag:s0] =	ssyncset.done $0x0  }
0x37: {  	[sflag:s0] =	ssyncadd.s32 $0xFFFFFFB0  }
0x38: {  	_ =	swait.ge [sflag:s0], $0x50  }
0x39: {  	[sflag:s0] =	ssyncset.done $0x0  }
0x3a: {  	[sflag:s0] =	ssyncadd.s32 $0xFFFFFFB0  }
0x3b: {  	[tilespmem:s2], [sflag:$0x2] =	stream.indirect.gather [hbm4b:s4+s26], $0x80, s30, s26, $0xb8;
	[tilespmem:$0x19200] =	vst v63  }
0x3c: {  	_ =	swait.ge [sflag:s9], $0x2800  }
0x3d: {  	s18 =	rddreg [dreg:$0xe]  }
0x3e: {  	[sflag:s9] =	ssyncset.done $0x0;
	s12 =	sshrl.u32 s18, $0x3  }
0x3f: {  	[sflag:s9] =	ssyncadd.s32 $0xFFFFD800;
	s11 =	sadd.s32 s6, s12  }
0x40: {  	[tilespmem:s3], [sflag:$0x5] =	stream.linear.gather [hbm4b:s11+s3], $0x50, $0x38;
	[tilespmem:$0x19200] =	vst v63  }
0x41: {  	s12 =	sadd.s32 s7, s12  }
0x42: {  	[tilespmem:s24], [sflag:$0x5] =	stream.linear.gather [hbm4b:s12+s3], $0x50, $0x38;
	[tilespmem:$0x19200] =	vst v63  }
0x43: {  	_ =	swait.ge [sflag:s15], $0x2800  }
0x44: {  	[sflag:s15] =	ssyncset.done $0x0  }
0x45: {  	[sflag:s15] =	ssyncadd.s32 $0xFFFFD800  }
0x46: {  	[spmem:s1] =	stream.indirect.scatter.add.f32 [tilespmem:s2], [sflag:$0x4], $0x80, s31, s26, $0xb8;
	[tilespmem:$0x19200] =	vst v63  }
0x47: {  	_ =	swait.ge [sflag:s25], $0x50  }
0x48: {  	[sflag:s25] =	ssyncset.done $0x0  }
0x49: {  	[sflag:s25] =	ssyncadd.s32 $0xFFFFFFB0  }
0x4a: {  	_ =	swait.ge [sflag:s25], $0x50  }
0x4b: {  	[sflag:s25] =	ssyncset.done $0x0  }
0x4c: {  	[sflag:s25] =	ssyncadd.s32 $0xFFFFFFB0  }
0x4d: {  	[tilespmem:s28], [sflag:$0x1] =	stream.indirect.gather [hbm4b:s4+s26], $0x80, s3, s26, $0xb8;
	[tilespmem:$0x19200] =	vst v63  }
0x4e: {  	_ =	swait.ge [sflag:s29], $0x2800  }
0x4f: {  	[sflag:s29] =	ssyncset.done $0x0  }
0x50: {  	[sflag:s29] =	ssyncadd.s32 $0xFFFFD800  }
0x51: {  	_ =	swait.ge [sflag:s16], $0x2800  }
0x52: {  	[sflag:s16] =	ssyncset.done $0x0  }
0x53: {  	s19 =	smov.u32 s20;
	s13 =	sadd.s32 $0x0, s22;
	[sflag:s16] =	ssyncadd.s32 $0xFFFFD800  }
0x54: {  	[tilespmem:s30], [sflag:$0x6] =	stream.linear.gather [hbm4b:s13+s3], $0x50, $0x38;
	[tilespmem:$0x19200] =	vst v63  }
0x55: {  	s20 =	sadd.s32 $0x0, s21;
	s14 =	sadd.s32 $0xA0, s18;
	s13 =	simm.s32 $0x14  }
0x56: {  	[tilespmem:s31], [sflag:$0x6] =	stream.linear.gather [hbm4b:s20+s3], $0x50, $0x38;
	[tilespmem:$0x19200] =	vst v63  }
.LBB2_2:
0x57: {  	[spmem:s1] =	stream.indirect.scatter.add.f32 [tilespmem:s28], [sflag:$0x3], $0x80, s24, s26, $0xb8;
	[tilespmem:$0x19200] =	vst v63  }
0x58: {  	s20 =	smov.u32 s13  }
0x59: {  	p0 =	sne.s32 s13, $0x4B0;
	s13 =	sadd.s32 $0x14, s13;
	_ =	swait.ge [sflag:s0], $0x50  }
0x5a: {  	[sflag:s0] =	ssyncset.done $0x0  }
0x5b: {  	[sflag:s0] =	ssyncadd.s32 $0xFFFFFFB0  }
0x5c: {  	_ =	swait.ge [sflag:s0], $0x50  }
0x5d: {  	[sflag:s0] =	ssyncset.done $0x0  }
0x5e: {  	[sflag:s0] =	ssyncadd.s32 $0xFFFFFFB0  }
0x5f: {  	[tilespmem:s2], [sflag:$0x2] =	stream.indirect.gather [hbm4b:s4+s26], $0x80, s30, s26, $0xb8;
	[tilespmem:$0x19200] =	vst v63  }
0x60: {  	_ =	swait.ge [sflag:s9], $0x2800  }
0x61: {  	s10 =	sshrl.u32 s14, $0x3;
	[sflag:s9] =	ssyncset.done $0x0  }
0x62: {  	s18 =	sadd.s32 s6, s10;
	[sflag:s9] =	ssyncadd.s32 $0xFFFFD800  }
0x63: {  	[tilespmem:s3], [sflag:$0x5] =	stream.linear.gather [hbm4b:s18+s3], $0x50, $0x38;
	[tilespmem:$0x19200] =	vst v63  }
0x64: {  	s10 =	sadd.s32 s7, s10  }
0x65: {  	[tilespmem:s24], [sflag:$0x5] =	stream.linear.gather [hbm4b:s10+s3], $0x50, $0x38;
	[tilespmem:$0x19200] =	vst v63  }
0x66: {  	_ =	swait.ge [sflag:s15], $0x2800  }
0x67: {  	[sflag:s15] =	ssyncset.done $0x0  }
0x68: {  	[sflag:s15] =	ssyncadd.s32 $0xFFFFD800  }
0x69: {  	[spmem:s1] =	stream.indirect.scatter.add.f32 [tilespmem:s2], [sflag:$0x4], $0x80, s31, s26, $0xb8;
	[tilespmem:$0x19200] =	vst v63  }
0x6a: {  	_ =	swait.ge [sflag:s25], $0x50  }
0x6b: {  	[sflag:s25] =	ssyncset.done $0x0  }
0x6c: {  	[sflag:s25] =	ssyncadd.s32 $0xFFFFFFB0  }
0x6d: {  	_ =	swait.ge [sflag:s25], $0x50  }
0x6e: {  	[sflag:s25] =	ssyncset.done $0x0  }
0x6f: {  	[sflag:s25] =	ssyncadd.s32 $0xFFFFFFB0  }
0x70: {  	[tilespmem:s28], [sflag:$0x1] =	stream.indirect.gather [hbm4b:s4+s26], $0x80, s3, s26, $0xb8;
	[tilespmem:$0x19200] =	vst v63  }
0x71: {  	_ =	swait.ge [sflag:s29], $0x2800  }
0x72: {  	[sflag:s29] =	ssyncset.done $0x0  }
0x73: {  	[sflag:s29] =	ssyncadd.s32 $0xFFFFD800  }
0x74: {  	_ =	swait.ge [sflag:s16], $0x2800  }
0x75: {  	[sflag:s16] =	ssyncset.done $0x0  }
.Ltmp0:
0x76: {  	s10 =	sadd.s32 s20, s22;
	[sflag:s16] =	ssyncadd.s32 $0xFFFFD800;
	(pc) =	sbr.rel @p0 .LBB2_2-.Ltmp0, $4  }
0x77: {  	[tilespmem:s30], [sflag:$0x6] =	stream.linear.gather [hbm4b:s10+s3], $0x50, $0x38;
	[tilespmem:$0x19200] =	vst v63  }
0x78: {  	s10 =	sadd.s32 s20, s21  }
0x79: {  	[tilespmem:s31], [sflag:$0x6] =	stream.linear.gather [hbm4b:s10+s3], $0x50, $0x38;
	[tilespmem:$0x19200] =	vst v63  }
0x7a: {  	s14 =	sadd.s32 $0xA0, s14  }
0x7b: {  	[spmem:s1] =	stream.indirect.scatter.add.f32 [tilespmem:s28], [sflag:$0x3], $0x80, s24, s26, $0xb8;
	[tilespmem:$0x19200] =	vst v63  }
0x7c: {  	_ =	swait.ge [sflag:s0], $0x50  }
0x7d: {  	[sflag:s0] =	ssyncset.done $0x0  }
0x7e: {  	[sflag:s0] =	ssyncadd.s32 $0xFFFFFFB0  }
0x7f: {  	_ =	swait.ge [sflag:s0], $0x50  }
0x80: {  	[sflag:s0] =	ssyncset.done $0x0  }
0x81: {  	[sflag:s0] =	ssyncadd.s32 $0xFFFFFFB0  }
0x82: {  	[tilespmem:s2], [sflag:$0x2] =	stream.indirect.gather [hbm4b:s4+s26], $0x80, s30, s26, $0xb8;
	[tilespmem:$0x19200] =	vst v63  }
0x83: {  	_ =	swait.ge [sflag:s9], $0x2800  }
0x84: {  	[sflag:s9] =	ssyncset.done $0x0  }
0x85: {  	s10 =	simm.s32 $0x0;
	s13 =	rddreg [dreg:$0xc];
	[sflag:s9] =	ssyncadd.s32 $0xFFFFD800  }
0x86: {  	[tilespmem:s10], [sflag:$0x5] =	stream.linear.gather [hbm4b:s13+s10], $0x50, $0x38;
	[tilespmem:$0x19200] =	vst v63  }
0x87: {  	s14 =	rddreg [dreg:$0xd]  }
0x88: {  	[tilespmem:s24], [sflag:$0x5] =	stream.linear.gather [hbm4b:s14+s10], $0x50, $0x38;
	[tilespmem:$0x19200] =	vst v63  }
0x89: {  	_ =	swait.ge [sflag:s15], $0x2800  }
0x8a: {  	[sflag:s15] =	ssyncset.done $0x0  }
0x8b: {  	[sflag:s15] =	ssyncadd.s32 $0xFFFFD800  }
0x8c: {  	[spmem:s1] =	stream.indirect.scatter.add.f32 [tilespmem:s2], [sflag:$0x4], $0x80, s31, s26, $0xb8;
	[tilespmem:$0x19200] =	vst v63  }
0x8d: {  	_ =	swait.ge [sflag:s25], $0x50  }
0x8e: {  	[sflag:s25] =	ssyncset.done $0x0  }
0x8f: {  	[sflag:s25] =	ssyncadd.s32 $0xFFFFFFB0  }
0x90: {  	_ =	swait.ge [sflag:s25], $0x50  }
0x91: {  	[sflag:s25] =	ssyncset.done $0x0  }
0x92: {  	[sflag:s25] =	ssyncadd.s32 $0xFFFFFFB0  }
0x93: {  	[tilespmem:s28], [sflag:$0x1] =	stream.indirect.gather [hbm4b:s4+s26], $0x80, s10, s26, $0xb8;
	[tilespmem:$0x19200] =	vst v63  }
0x94: {  	_ =	swait.ge [sflag:s29], $0x2800  }
0x95: {  	[sflag:s29] =	ssyncset.done $0x0  }
0x96: {  	[sflag:s29] =	ssyncadd.s32 $0xFFFFD800  }
0x97: {  	_ =	swait.ge [sflag:s16], $0x2800  }
0x98: {  	[sflag:s16] =	ssyncset.done $0x0  }
0x99: {  	[sflag:s16] =	ssyncadd.s32 $0xFFFFD800  }
0x9a: {  	[tilespmem:s30], [sflag:$0x6] =	stream.linear.gather [hbm4b:s13+s10], $0x50, $0x38;
	[tilespmem:$0x19200] =	vst v63  }
0x9b: {  	_ = 	snop  }
0x9c: {  	[tilespmem:s31], [sflag:$0x6] =	stream.linear.gather [hbm4b:s14+s10], $0x50, $0x38;
	[tilespmem:$0x19200] =	vst v63  }
0x9d: {  	_ = 	snop  }
0x9e: {  	[spmem:s1] =	stream.indirect.scatter.add.f32 [tilespmem:s28], [sflag:$0x3], $0x80, s24, s26, $0xb8;
	[tilespmem:$0x19200] =	vst v63  }
0x9f: {  	_ =	swait.ge [sflag:s0], $0x50  }
0xa0: {  	[sflag:s0] =	ssyncset.done $0x0  }
0xa1: {  	[sflag:s0] =	ssyncadd.s32 $0xFFFFFFB0  }
0xa2: {  	_ =	swait.ge [sflag:s0], $0x50  }
0xa3: {  	[sflag:s0] =	ssyncset.done $0x0  }
0xa4: {  	[sflag:s0] =	ssyncadd.s32 $0xFFFFFFB0  }
0xa5: {  	_ =	swait.ge [sflag:s9], $0x2800  }
0xa6: {  	[sflag:s9] =	ssyncset.done $0x0  }
0xa7: {  	[sflag:s9] =	ssyncadd.s32 $0xFFFFD800  }
0xa8: {  	[bflag:$0x0] =	sbarrier.arrive $0xFFFF  }
0xa9: {  	s18 =	rddreg [dreg:$0x9]  }
0xaa: {  	[hbm:s18], [sflag:s19] =	dma.local [spmem:s8], $0x2800  }
0xab: {  	_ =	swait.ge [sflag:s23], $0x2800  }
0xac: {  	[sflag:s23] =	ssyncset.done $0x0  }
0xad: {  	[sflag:s23] =	ssyncadd.s32 $0xFFFFD800  }
0xae: {  	[bflag:$0x0] =	sbarrier.arrive $0xFFFF  }
0xaf: {  	s18 =	rddreg [dreg:$0x3]  }
0xb0: {  	[spmem:s8], [sflag:s19] =	dma.local [hbm:s18], $0x2800  }
0xb1: {  	_ =	swait.ge [sflag:s23], $0x2800  }
0xb2: {  	[sflag:s23] =	ssyncset.done $0x0  }
0xb3: {  	[sflag:s23] =	ssyncadd.s32 $0xFFFFD800  }
0xb4: {  	[bflag:$0x0] =	sbarrier.arrive $0xFFFF  }
0xb5: {  	s14 =	rddreg [dreg:$0x5]  }
0xb6: {  	[tilespmem:s10], [sflag:$0x5] =	stream.linear.gather [hbm4b:s14+s10], $0x50, $0x38;
	[tilespmem:$0x19200] =	vst v63  }
0xb7: {  	s20 =	smov.u32 s19;
	s19 =	rddreg [dreg:$0x6]  }
0xb8: {  	[tilespmem:s24], [sflag:$0x5] =	stream.linear.gather [hbm4b:s19+s10], $0x50, $0x38;
	[tilespmem:$0x19200] =	vst v63  }
0xb9: {  	_ =	swait.ge [sflag:s25], $0x50  }
0xba: {  	[sflag:s25] =	ssyncset.done $0x0  }
0xbb: {  	[sflag:s25] =	ssyncadd.s32 $0xFFFFFFB0  }
0xbc: {  	_ =	swait.ge [sflag:s25], $0x50  }
0xbd: {  	[sflag:s25] =	ssyncset.done $0x0  }
0xbe: {  	[sflag:s25] =	ssyncadd.s32 $0xFFFFFFB0  }
0xbf: {  	[tilespmem:s28], [sflag:$0x1] =	stream.indirect.gather [hbm4b:s5+s26], $0x80, s10, s26, $0xb8;
	[tilespmem:$0x19200] =	vst v63  }
0xc0: {  	_ =	swait.ge [sflag:s29], $0x2800  }
0xc1: {  	[sflag:s29] =	ssyncset.done $0x0  }
0xc2: {  	[sflag:s29] =	ssyncadd.s32 $0xFFFFD800  }
0xc3: {  	[spmem:s1] =	stream.indirect.scatter.add.f32 [tilespmem:s28], [sflag:$0x3], $0x80, s24, s26, $0xb8;
	[tilespmem:$0x19200] =	vst v63  }
0xc4: {  	s14 =	rddreg [dreg:$0x7]  }
0xc5: {  	[tilespmem:s30], [sflag:$0x6] =	stream.linear.gather [hbm4b:s14+s10], $0x50, $0x38;
	[tilespmem:$0x19200] =	vst v63  }
0xc6: {  	s19 =	rddreg [dreg:$0x8]  }
0xc7: {  	[tilespmem:s31], [sflag:$0x6] =	stream.linear.gather [hbm4b:s19+s10], $0x50, $0x38;
	[tilespmem:$0x19200] =	vst v63  }
0xc8: {  	_ =	swait.ge [sflag:s0], $0x50  }
0xc9: {  	[sflag:s0] =	ssyncset.done $0x0  }
0xca: {  	[sflag:s0] =	ssyncadd.s32 $0xFFFFFFB0  }
0xcb: {  	_ =	swait.ge [sflag:s0], $0x50  }
0xcc: {  	[sflag:s0] =	ssyncset.done $0x0  }
0xcd: {  	[sflag:s0] =	ssyncadd.s32 $0xFFFFFFB0  }
0xce: {  	[tilespmem:s2], [sflag:$0x2] =	stream.indirect.gather [hbm4b:s5+s26], $0x80, s30, s26, $0xb8;
	[tilespmem:$0x19200] =	vst v63  }
0xcf: {  	_ =	swait.ge [sflag:s9], $0x2800  }
0xd0: {  	[sflag:s9] =	ssyncset.done $0x0  }
0xd1: {  	[sflag:s9] =	ssyncadd.s32 $0xFFFFD800  }
0xd2: {  	[tilespmem:s3], [sflag:$0x5] =	stream.linear.gather [hbm4b:s11+s3], $0x50, $0x38;
	[tilespmem:$0x19200] =	vst v63  }
0xd3: {  	_ = 	snop  }
0xd4: {  	[tilespmem:s24], [sflag:$0x5] =	stream.linear.gather [hbm4b:s12+s3], $0x50, $0x38;
	[tilespmem:$0x19200] =	vst v63  }
0xd5: {  	_ =	swait.ge [sflag:s15], $0x2800  }
0xd6: {  	[sflag:s15] =	ssyncset.done $0x0  }
0xd7: {  	[sflag:s15] =	ssyncadd.s32 $0xFFFFD800  }
0xd8: {  	[spmem:s1] =	stream.indirect.scatter.add.f32 [tilespmem:s2], [sflag:$0x4], $0x80, s31, s26, $0xb8;
	[tilespmem:$0x19200] =	vst v63  }
0xd9: {  	_ =	swait.ge [sflag:s25], $0x50  }
0xda: {  	[sflag:s25] =	ssyncset.done $0x0  }
0xdb: {  	[sflag:s25] =	ssyncadd.s32 $0xFFFFFFB0  }
0xdc: {  	_ =	swait.ge [sflag:s25], $0x50  }
0xdd: {  	[sflag:s25] =	ssyncset.done $0x0  }
0xde: {  	[sflag:s25] =	ssyncadd.s32 $0xFFFFFFB0  }
0xdf: {  	[tilespmem:s28], [sflag:$0x1] =	stream.indirect.gather [hbm4b:s5+s26], $0x80, s3, s26, $0xb8;
	[tilespmem:$0x19200] =	vst v63  }
0xe0: {  	_ =	swait.ge [sflag:s29], $0x2800  }
0xe1: {  	[sflag:s29] =	ssyncset.done $0x0  }
0xe2: {  	[sflag:s29] =	ssyncadd.s32 $0xFFFFD800  }
0xe3: {  	_ =	swait.ge [sflag:s16], $0x2800  }
0xe4: {  	[sflag:s16] =	ssyncset.done $0x0  }
0xe5: {  	s13 =	sadd.s32 $0x0, s22;
	s19 =	rddreg [dreg:$0xe];
	[sflag:s16] =	ssyncadd.s32 $0xFFFFD800  }
0xe6: {  	[tilespmem:s30], [sflag:$0x6] =	stream.linear.gather [hbm4b:s13+s3], $0x50, $0x38;
	[tilespmem:$0x19200] =	vst v63  }
0xe7: {  	s14 =	sadd.s32 $0x0, s21;
	s11 =	simm.s32 $0x14;
	s12 =	sadd.s32 $0xA0, s19  }
0xe8: {  	[tilespmem:s31], [sflag:$0x6] =	stream.linear.gather [hbm4b:s14+s3], $0x50, $0x38;
	[tilespmem:$0x19200] =	vst v63  }
.LBB2_4:
0xe9: {  	[spmem:s1] =	stream.indirect.scatter.add.f32 [tilespmem:s28], [sflag:$0x3], $0x80, s24, s26, $0xb8;
	[tilespmem:$0x19200] =	vst v63  }
0xea: {  	s13 =	smov.u32 s11  }
0xeb: {  	p0 =	sne.s32 s11, $0x4B0;
	s11 =	sadd.s32 $0x14, s11;
	_ =	swait.ge [sflag:s0], $0x50  }
0xec: {  	[sflag:s0] =	ssyncset.done $0x0  }
0xed: {  	[sflag:s0] =	ssyncadd.s32 $0xFFFFFFB0  }
0xee: {  	_ =	swait.ge [sflag:s0], $0x50  }
0xef: {  	[sflag:s0] =	ssyncset.done $0x0  }
0xf0: {  	[sflag:s0] =	ssyncadd.s32 $0xFFFFFFB0  }
0xf1: {  	[tilespmem:s2], [sflag:$0x2] =	stream.indirect.gather [hbm4b:s5+s26], $0x80, s30, s26, $0xb8;
	[tilespmem:$0x19200] =	vst v63  }
0xf2: {  	_ =	swait.ge [sflag:s9], $0x2800  }
0xf3: {  	s10 =	sshrl.u32 s12, $0x3;
	[sflag:s9] =	ssyncset.done $0x0  }
0xf4: {  	s14 =	sadd.s32 s6, s10;
	[sflag:s9] =	ssyncadd.s32 $0xFFFFD800  }
0xf5: {  	[tilespmem:s3], [sflag:$0x5] =	stream.linear.gather [hbm4b:s14+s3], $0x50, $0x38;
	[tilespmem:$0x19200] =	vst v63  }
0xf6: {  	s10 =	sadd.s32 s7, s10  }
0xf7: {  	[tilespmem:s24], [sflag:$0x5] =	stream.linear.gather [hbm4b:s10+s3], $0x50, $0x38;
	[tilespmem:$0x19200] =	vst v63  }
0xf8: {  	_ =	swait.ge [sflag:s15], $0x2800  }
0xf9: {  	[sflag:s15] =	ssyncset.done $0x0  }
0xfa: {  	[sflag:s15] =	ssyncadd.s32 $0xFFFFD800  }
0xfb: {  	[spmem:s1] =	stream.indirect.scatter.add.f32 [tilespmem:s2], [sflag:$0x4], $0x80, s31, s26, $0xb8;
	[tilespmem:$0x19200] =	vst v63  }
0xfc: {  	_ =	swait.ge [sflag:s25], $0x50  }
0xfd: {  	[sflag:s25] =	ssyncset.done $0x0  }
0xfe: {  	[sflag:s25] =	ssyncadd.s32 $0xFFFFFFB0  }
0xff: {  	_ =	swait.ge [sflag:s25], $0x50  }
0x100: {  	[sflag:s25] =	ssyncset.done $0x0  }
0x101: {  	[sflag:s25] =	ssyncadd.s32 $0xFFFFFFB0  }
0x102: {  	[tilespmem:s28], [sflag:$0x1] =	stream.indirect.gather [hbm4b:s5+s26], $0x80, s3, s26, $0xb8;
	[tilespmem:$0x19200] =	vst v63  }
0x103: {  	_ =	swait.ge [sflag:s29], $0x2800  }
0x104: {  	[sflag:s29] =	ssyncset.done $0x0  }
0x105: {  	[sflag:s29] =	ssyncadd.s32 $0xFFFFD800  }
0x106: {  	_ =	swait.ge [sflag:s16], $0x2800  }
0x107: {  	[sflag:s16] =	ssyncset.done $0x0  }
.Ltmp1:
0x108: {  	s10 =	sadd.s32 s13, s22;
	[sflag:s16] =	ssyncadd.s32 $0xFFFFD800;
	(pc) =	sbr.rel @p0 .LBB2_4-.Ltmp1, $4  }
0x109: {  	[tilespmem:s30], [sflag:$0x6] =	stream.linear.gather [hbm4b:s10+s3], $0x50, $0x38;
	[tilespmem:$0x19200] =	vst v63  }
0x10a: {  	s10 =	sadd.s32 s13, s21  }
0x10b: {  	[tilespmem:s31], [sflag:$0x6] =	stream.linear.gather [hbm4b:s10+s3], $0x50, $0x38;
	[tilespmem:$0x19200] =	vst v63  }
0x10c: {  	s12 =	sadd.s32 $0xA0, s12  }
0x10d: {  	[spmem:s1] =	stream.indirect.scatter.add.f32 [tilespmem:s28], [sflag:$0x3], $0x80, s24, s26, $0xb8;
	[tilespmem:$0x19200] =	vst v63  }
0x10e: {  	_ =	swait.ge [sflag:s0], $0x50  }
0x10f: {  	[sflag:s0] =	ssyncset.done $0x0  }
0x110: {  	[sflag:s0] =	ssyncadd.s32 $0xFFFFFFB0  }
0x111: {  	_ =	swait.ge [sflag:s0], $0x50  }
0x112: {  	[sflag:s0] =	ssyncset.done $0x0  }
0x113: {  	[sflag:s0] =	ssyncadd.s32 $0xFFFFFFB0  }
0x114: {  	[tilespmem:s2], [sflag:$0x2] =	stream.indirect.gather [hbm4b:s5+s26], $0x80, s30, s26, $0xb8;
	[tilespmem:$0x19200] =	vst v63  }
0x115: {  	_ =	swait.ge [sflag:s9], $0x2800  }
0x116: {  	[sflag:s9] =	ssyncset.done $0x0  }
0x117: {  	s10 =	rddreg [dreg:$0xc];
	[sflag:s9] =	ssyncadd.s32 $0xFFFFD800  }
0x118: {  	[tilespmem:s3], [sflag:$0x5] =	stream.linear.gather [hbm4b:s10+s3], $0x50, $0x38;
	[tilespmem:$0x19200] =	vst v63  }
0x119: {  	s11 =	rddreg [dreg:$0xd]  }
0x11a: {  	[tilespmem:s24], [sflag:$0x5] =	stream.linear.gather [hbm4b:s11+s3], $0x50, $0x38;
	[tilespmem:$0x19200] =	vst v63  }
0x11b: {  	_ =	swait.ge [sflag:s15], $0x2800  }
0x11c: {  	[sflag:s15] =	ssyncset.done $0x0  }
0x11d: {  	[sflag:s15] =	ssyncadd.s32 $0xFFFFD800  }
0x11e: {  	[spmem:s1] =	stream.indirect.scatter.add.f32 [tilespmem:s2], [sflag:$0x4], $0x80, s31, s26, $0xb8;
	[tilespmem:$0x19200] =	vst v63  }
0x11f: {  	_ =	swait.ge [sflag:s25], $0x50  }
0x120: {  	[sflag:s25] =	ssyncset.done $0x0  }
0x121: {  	[sflag:s25] =	ssyncadd.s32 $0xFFFFFFB0  }
0x122: {  	_ =	swait.ge [sflag:s25], $0x50  }
0x123: {  	[sflag:s25] =	ssyncset.done $0x0  }
0x124: {  	[sflag:s25] =	ssyncadd.s32 $0xFFFFFFB0  }
0x125: {  	[tilespmem:s28], [sflag:$0x1] =	stream.indirect.gather [hbm4b:s5+s26], $0x80, s3, s26, $0xb8;
	[tilespmem:$0x19200] =	vst v63  }
0x126: {  	_ =	swait.ge [sflag:s29], $0x2800  }
0x127: {  	[sflag:s29] =	ssyncset.done $0x0  }
0x128: {  	[sflag:s29] =	ssyncadd.s32 $0xFFFFD800  }
0x129: {  	_ =	swait.ge [sflag:s16], $0x2800  }
0x12a: {  	[sflag:s16] =	ssyncset.done $0x0  }
0x12b: {  	[sflag:s16] =	ssyncadd.s32 $0xFFFFD800  }
0x12c: {  	[tilespmem:s30], [sflag:$0x6] =	stream.linear.gather [hbm4b:s10+s3], $0x50, $0x38;
	[tilespmem:$0x19200] =	vst v63  }
0x12d: {  	_ = 	snop  }
0x12e: {  	[tilespmem:s31], [sflag:$0x6] =	stream.linear.gather [hbm4b:s11+s3], $0x50, $0x38;
	[tilespmem:$0x19200] =	vst v63  }
0x12f: {  	_ = 	snop  }
0x130: {  	[spmem:s1] =	stream.indirect.scatter.add.f32 [tilespmem:s28], [sflag:$0x3], $0x80, s24, s26, $0xb8;
	[tilespmem:$0x19200] =	vst v63  }
0x131: {  	_ =	swait.ge [sflag:s0], $0x50  }
0x132: {  	[sflag:s0] =	ssyncset.done $0x0  }
0x133: {  	[sflag:s0] =	ssyncadd.s32 $0xFFFFFFB0  }
0x134: {  	_ =	swait.ge [sflag:s0], $0x50  }
0x135: {  	[sflag:s0] =	ssyncset.done $0x0  }
0x136: {  	[sflag:s0] =	ssyncadd.s32 $0xFFFFFFB0  }
0x137: {  	_ =	swait.ge [sflag:s9], $0x2800  }
0x138: {  	[sflag:s9] =	ssyncset.done $0x0  }
0x139: {  	[sflag:s9] =	ssyncadd.s32 $0xFFFFD800  }
0x13a: {  	[bflag:$0x0] =	sbarrier.arrive $0xFFFF  }
0x13b: {  	s14 =	rddreg [dreg:$0xa]  }
0x13c: {  	[hbm:s14], [sflag:s20] =	dma.local [spmem:s8], $0x2800  }
0x13d: {  	_ =	swait.ge [sflag:s23], $0x2800  }
0x13e: {  	s17 =	sadd.s32 $0x1, s17;
	s19 =	rddreg [dreg:$0xb]  }
0x13f: {  	p0 =	sne.s32 s17, s19  }
.Ltmp2:
0x140: {  	_ = 	snop;
	(pc) =	sbr.rel @p0 .LBB2_1-.Ltmp2, $3  }
0x141: {  	_ =	sdelay $0x1  }
0x142: {  	[sflag:s23] =	ssyncset.done $0x0  }
0x143: {  	[sflag:s23] =	ssyncadd.s32 $0xFFFFD800  }
0x144: {  	_ =	sfence.sel $0x180000  }
0x145: {  	[bflag:$0x0] =	sbarrier.arrive $0xFFFF  }
0x146: {  	_ =	strace $0x9000004A  }
0x147: {  	s0 =	stileid.u32;
	[bflag:$0x2] =	sbarrier.arrive $0xFFFF  }
0x148: {  	p0 =	sne.s32 s0, $0x0;
	s0 =	rddreg [dreg:$0x2]  }
0x149: {  	s0 =	sadd.s32 @!p0 $0x100000, s0  }
0x14a: {  	[sflag:s0] =	ssyncadd.tile.s32 @!p0 $0x1;
	_ =	shalt  }
.Lfunc_end2:
_tile_overlayer_lowered:
.L_overlay_start_2:
0x14b: {  	(tag) =	ssettag $0x2  }
0x14c: {  	s0 =	rddreg [dreg:$0x0];
	s2 =	stileid.u32  }
0x14d: {  	s1 =	rddreg [dreg:$0x1];
	p0 =	sne.s32 s2, $0x0  }
0x14e: {  	s3 =	rddreg [dreg:$0x2];
	[bflag:$0x3] =	sbarrier.arrive $0xFFFF;
	s2 =	simm.s32 @!p0 $0x1C07  }
0x14f: {  	[timem:s3], [sflag:s2] =	dma.local @!p0 [hbm:s0], s1  }
0x150: {  	s0 =	simm.s32 @!p0 $0x7  }
0x151: {  	_ =	swait.ge @!p0 [sflag:s0], s1  }
0x152: {  	s1 =	ssub.s32 @!p0 $0x0, s1;
	[sflag:s0] =	ssyncset.done @!p0 $0x0  }
0x153: {  	[sflag:s0] =	ssyncadd.s32 @!p0 s1  }
0x154: {  	[bflag:$0x3] =	sbarrier.arrive $0xFFFF  }
0x155: {  	_ =	shalt  }

// kernel: kernel.17.cloned.1.call-start
scs
__scs_entry_jumppad:
0x0: {  	(pc) =	sbr.rel $0x88, $3  }
0x1: {  	(tag) =	ssettag $0x0;
	lr =	simm.s32 $0x1  }
0x2: {  	[smem:$0x3F89] =	sst lr;
	_ =	strace $0xD0000000  }
0x3: {  	_ = 	snop  }
0x4: {  	_ = 	snop  }
0x5: {  	_ = 	snop  }
0x6: {  	_ = 	snop  }
0x7: {  	_ = 	snop  }
__scs_overlays_trampoline_lowered:
0x8: {  	[smem:$0x3F98] =	sst s0  }
0x9: {  	[smem:$0x3F99] =	sst s1  }
0xa: {  	[smem:$0x3F9A] =	sst s2  }
0xb: {  	[smem:$0x3F9B] =	sst s3  }
0xc: {  	[smem:$0x3F9C] =	sst s4  }
0xd: {  	[smem:$0x3F9D] =	sst s5  }
0xe: {  	[smem:$0x3F9E] =	sst s6  }
0xf: {  	[smem:$0x3F9F] =	sst s7  }
0x10: {  	[smem:$0x3FA0] =	sst s8  }
0x11: {  	[smem:$0x3FA1] =	sst s9;
	s0 =	simm.s32 @!p0 $0x0  }
0x12: {  	s1 =	sld [smem:$0x3F87];
	s0 =	simm.s32 @p0 $0x1  }
0x13: {  	[smem:$0x3FA2] =	sst s0;
	s0 =	simm.s32 @!p1 $0x0  }
0x14: {  	s2 =	sld [smem:$0x3F86];
	s0 =	simm.s32 @p1 $0x1  }
0x15: {  	[smem:$0x3FA3] =	sst s0;
	s0 =	simm.s32 @!p2 $0x0  }
0x16: {  	s3 =	sld [smem:$0x3FDB];
	s0 =	simm.s32 @p2 $0x1  }
0x17: {  	s4 =	simm.s32 $0x1BF5;
	[smem:$0x3FA5] =	sst s0  }
0x18: {  	s0 =	sld [smem:$0x3F88];
	_ =	swait.ge [sflag:s4], $0x0  }
0x19: {  	s7 =	sld [smem:$0x3F89]  }
0x1a: {  	s8 =	sadd.s32 $0xFFFFE003, lr  }
0x1b: {  	s9 =	sadd.s32 $0xFFFFFEF7, lr;
	s5 =	simm.s32 $0xFFFFFFFF;
	p2 =	slt.u32 s8, $0xFFFFF086  }
0x1c: {  	p1 =	slt.u32 s9, $0xF7A;
	s5 =	simm.s32 @!p2 $0x0  }
0x1d: {  	s5 =	simm.s32 @p1 $0x1;
	p0 =	seq.s32 s7, s2  }
0x1e: {  	s7 =	smul.u32 @!p0 $0xF7A, s2;
	p2 =	seq.s32 @!p0 s5, $0x0  }
0x1f: {  	s9 =	smul.u32 $0xF7A, s1;
	s8 =	simm.s32 @!p0 $0x1BF5;
	p2 =	por !p2, p0  }
0x20: {  	[sflag:s8] =	ssyncset.s32 @!p0 $0xFFFFF086;
	s6 =	sadd.s32 @!p0 s3, s7;
	s7 =	simm.s32 @!p0 $0x108  }
0x21: {  	s3 =	sadd.s32 s3, s9;
	s6 =	sadd.s32 @!p0 $0x88, s6;
	s7 =	simm.s32 @p2 $0x1082  }
0x22: {  	[simem:s7], [sflag:s8] =	dma.local @!p0 [hbm:s6], $0xF7A  }
0x23: {  	s9 =	sor.u32 $0xD0000000, s2;
	s6 =	simm.s32 $0x108;
	_ =	swait.ge @!p0 [sflag:s8], $0x0  }
0x24: {  	s3 =	sadd.s32 $0x88, s3;
	s6 =	simm.s32 @!p1 $0x1082;
	[sflag:s4] =	ssyncset.s32 $0xFFFFF086  }
0x25: {  	[simem:s6], [sflag:s4] =	dma.local [hbm:s3], $0xF7A  }
0x26: {  	[smem:$0x3F89] =	sst s1;
	(tag) =	ssettag s2;
	_ =	strace s9  }
0x27: {  	s1 =	sld [smem:$0x3F99]  }
0x28: {  	s2 =	sld [smem:$0x3F9A]  }
0x29: {  	s4 =	sld [smem:$0x3F9C]  }
0x2a: {  	p0 =	seq.s32 s5, $0x0;
	s5 =	sld [smem:$0x3F9D]  }
0x2b: {  	s6 =	sld [smem:$0x3F9E]  }
0x2c: {  	s7 =	sld [smem:$0x3F9F]  }
0x2d: {  	s3 =	simm.s32 $0x108;
	s8 =	sld [smem:$0x3FA0]  }
0x2e: {  	s3 =	simm.s32 @!p0 $0x1082;
	s9 =	sld [smem:$0x3FA1]  }
0x2f: {  	lr =	sadd.s32 s0, s3;
	s0 =	sld [smem:$0x3F98]  }
0x30: {  	s3 =	sld [smem:$0x3F9B]  }
0x31: {  	[smem:$0x3FA4] =	sst s10  }
0x32: {  	s10 =	sld [smem:$0x3FA2];
	_ =	sdelay $0x3  }
0x33: {  	p0 =	seq.s32 s10, $0x1;
	s10 =	sld [smem:$0x3FA4];
	_ =	sdelay $0x3  }
0x34: {  	[smem:$0x3FA4] =	sst s10  }
0x35: {  	s10 =	sld [smem:$0x3FA3];
	_ =	sdelay $0x3  }
0x36: {  	p1 =	seq.s32 s10, $0x1;
	s10 =	sld [smem:$0x3FA4];
	_ =	sdelay $0x3  }
0x37: {  	[smem:$0x3FA4] =	sst s10  }
0x38: {  	s10 =	sld [smem:$0x3FA5]  }
0x39: {  	_ = 	snop;
	(pc) =	sbr.ind lr, $3  }
0x3a: {  	_ = 	snop  }
0x3b: {  	_ = 	snop  }
0x3c: {  	p2 =	seq.s32 s10, $0x1;
	s10 =	sld [smem:$0x3FA4]  }
0x3d: {  	_ =	shalt  }
0x3e: {  	_ =	shalt  }
0x3f: {  	_ =	shalt  }
0x40: {  	_ =	shalt  }
0x41: {  	_ =	shalt  }
0x42: {  	_ =	shalt  }
0x43: {  	_ =	shalt  }
0x44: {  	_ =	shalt  }
0x45: {  	_ =	shalt  }
0x46: {  	_ =	shalt  }
0x47: {  	_ =	shalt  }
0x48: {  	_ =	shalt  }
0x49: {  	_ =	shalt  }
0x4a: {  	_ =	shalt  }
0x4b: {  	_ =	shalt  }
0x4c: {  	_ =	shalt  }
0x4d: {  	_ =	shalt  }
0x4e: {  	_ =	shalt  }
0x4f: {  	_ =	shalt  }
0x50: {  	_ =	shalt  }
0x51: {  	_ =	shalt  }
0x52: {  	_ =	shalt  }
0x53: {  	_ =	shalt  }
0x54: {  	_ =	shalt  }
0x55: {  	_ =	shalt  }
0x56: {  	_ =	shalt  }
0x57: {  	_ =	shalt  }
0x58: {  	_ =	shalt  }
0x59: {  	_ =	shalt  }
0x5a: {  	_ =	shalt  }
0x5b: {  	_ =	shalt  }
0x5c: {  	_ =	shalt  }
0x5d: {  	_ =	shalt  }
0x5e: {  	_ =	shalt  }
0x5f: {  	_ =	shalt  }
0x60: {  	_ =	shalt  }
0x61: {  	_ =	shalt  }
0x62: {  	_ =	shalt  }
0x63: {  	_ =	shalt  }
0x64: {  	_ =	shalt  }
0x65: {  	_ =	shalt  }
0x66: {  	_ =	shalt  }
0x67: {  	_ =	shalt  }
0x68: {  	_ =	shalt  }
0x69: {  	_ =	shalt  }
0x6a: {  	_ =	shalt  }
0x6b: {  	_ =	shalt  }
0x6c: {  	_ =	shalt  }
0x6d: {  	_ =	shalt  }
0x6e: {  	_ =	shalt  }
0x6f: {  	_ =	shalt  }
0x70: {  	_ =	shalt  }
0x71: {  	_ =	shalt  }
0x72: {  	_ =	shalt  }
0x73: {  	_ =	shalt  }
0x74: {  	_ =	shalt  }
0x75: {  	_ =	shalt  }
0x76: {  	_ =	shalt  }
0x77: {  	_ =	shalt  }
0x78: {  	_ =	shalt  }
0x79: {  	_ =	shalt  }
0x7a: {  	_ =	shalt  }
0x7b: {  	_ =	shalt  }
0x7c: {  	_ =	shalt  }
0x7d: {  	_ =	shalt  }
0x7e: {  	_ =	shalt  }
0x7f: {  	_ =	shalt  }
0x80: {  	_ =	shalt  }
0x81: {  	_ =	shalt  }
0x82: {  	_ =	shalt  }
0x83: {  	_ =	shalt  }
0x84: {  	_ =	shalt  }
0x85: {  	_ =	shalt  }
0x86: {  	_ =	shalt  }
0x87: {  	_ =	shalt  }
.Lfunc_end0:
.L_simem_size_0:
called_computation.2_lowered:
.L_overlay_start_0:
0x88: {  	s2 =	sld [smem:$0x3FD9]  }
0x89: {  	s3 =	sld [smem:$0x3FFE];
	_ =	sdelay $0x1  }
0x8a: {  	s1 =	srdreg.scid  }
0x8b: {  	s0 =	sand.u32 $0x1, s1  }
0x8c: {  	s16 =	sshll.u32 s0, $0xA;
	s2 =	sadd.s32 s3, s2  }
0x8d: {  	s2 =	sadd.s32 s2, s16  }
0x8e: {  	[smem:$0x3FB0] =	sst s2  }
0x8f: {  	_ = 	snop  }
0x90: {  	(tm) =	ssettm $0x1  }
0x91: {  	s17 =	sld [smem:$0x3FFB];
	_ =	sdelay $0x3  }
0x92: {  	_ =	strace s17  }
0x93: {  	s2 =	sld [smem:$0x3FFC];
	_ =	sdelay $0x3  }
0x94: {  	_ =	strace s2  }
0x95: {  	s2 =	sld [smem:$0x3FFD];
	_ =	sdelay $0x3  }
0x96: {  	_ =	strace s2  }
0x97: {  	_ =	strace $0x8FFFFFFF  }
0x98: {  	s18 =	sld [smem:$0x3FDB];
	_ =	sdelay $0x1  }
0x99: {  	s19 =	simm.s32 $_scs_section_size  }
0x9a: {  	s4 =	simm.s32 $_size__tile_overlayer_lowered;
	s5 =	simm.s32 $_tile_overlayer_lowered  }
0x9b: {  	s22 =	simm.s32 $0x1BFF;
	s21 =	sshll.u32 s5, $0x1;
	s2 =	sadd.s32 s19, s18  }
0x9c: {  	s6 =	simm.s32 $0x0;
	s20 =	sshll.u32 s4, $0x1;
	s4 =	sadd.s32 s21, s2  }
0x9d: {  	[timem:s6], [sflag:s22] =	dma.local [hbm:s4], s20  }
0x9e: {  	_ =	swait.ge [sflag:s22], s20  }
0x9f: {  	s3 =	ssub.s32 $0x0, s20;
	[sflag:s22] =	ssyncset.done $0x0  }
0xa0: {  	[sflag:s22] =	ssyncadd.s32 s3;
	_ =	sdelay $0x1  }
0xa1: {  	s23 =	simm.s32 $0x1B8B  }
0xa2: {  	_ =	swait.ge [sflag:s23], $0x1  }
0xa3: {  	[sflag:s23] =	ssyncset.done $0x0  }
0xa4: {  	s25 =	simm.s32 $0x1B8E;
	s24 =	sld [smem:$0x3FFE];
	[sflag:s23] =	ssyncadd.s32 $0xFFFFFFFF  }
0xa5: {  	s26 =	simm.s32 $execute0_lowered;
	[smem:$0x3FD2] =	sst s25  }
0xa6: {  	s4 =	sshll.u32 s26, $0x1;
	_ =	strace $0x8000004C;
	[dreg:$0x1] =	wrdreg $0xFFFFFFFF  }
0xa7: {  	s28 =	simm.s32 $_size_execute0_lowered;
	s2 =	sadd.s32 s2, s4;
	[dreg:$0x0] =	wrdreg $0x0  }
0xa8: {  	s4 =	sshll.u32 s28, $0x1;
	[dreg:$0x2] =	wrdreg s2  }
0xa9: {  	[dreg:$0x3] =	wrdreg s4  }
0xaa: {  	[dreg:$0x4] =	wrdreg $0xC0  }
0xab: {  	_ =	task [dreg:s6], $0x5FFFF  }
0xac: {  	[dreg:$0x1] =	wrdreg $0xFFFFFFFF  }
0xad: {  	[dreg:$0x0] =	wrdreg $0x60  }
0xae: {  	[dreg:$0x2] =	wrdreg s24  }
0xaf: {  	[dreg:$0x3] =	wrdreg $0x52000  }
0xb0: {  	[dreg:$0x4] =	wrdreg $0x9  }
0xb1: {  	_ =	task.clear_ibuf [dreg:s6], $0x5FFFF;
	_ =	strace $0x9000004C  }
0xb2: {  	s29 =	simm.s32 $0x9;
	_ =	strace $0x8000004E  }
0xb3: {  	_ =	swait.ge [sflag:s29], $0x1  }
0xb4: {  	[sflag:s29] =	ssyncadd.s32 $0xFFFFFFFF  }
0xb5: {  	_ =	strace $0x9000004E  }
0xb6: {  	_ =	sfence  }
0xb7: {  	s30 =	sld [smem:$0x0];
	_ =	sdelay $0x2  }
0xb8: {  	s31 =	sshll.u32 s1, $0xD;
	s1 =	sshrl.u32 s1, $0x2  }
0xb9: {  	s3 =	sand.u32 $0x4000, s31;
	s1 =	sadd.s32 s1, s30  }
0xba: {  	s0 =	sor.u32 s3, s0;
	s1 =	sshll.u32 s1, $0x11  }
0xbb: {  	s0 =	sor.u32 s1, s0  }
0xbc: {  	s0 =	sadd.s32 $0x8F2B, s0  }
0xbd: {  	[sflag:s0] =	ssyncadd.remote.s32 $0x1  }
0xbe: {  	_ =	sfence.sel $0xFFFF  }
0xbf: {  	[dreg:$0x0] =	wrdreg $0xFFFFFFFF;
	(pc) =	sbr.abs _section_cstart, $3  }
0xc0: {  	[dreg:$0x1] =	wrdreg $0xFFFFFFFF  }
0xc1: {  	_ =	task.clear_ibuf [dreg:s6], $0x2FFFF;
	_ =	strace $0x9FFFFFFF  }
0xc2: {  	(tm) =	ssettm $0x7FFFFFFF  }
0xc3: {  	_ =	shalt  }
tec
execute0_lowered:
.L_overlay_start_1:
0x0: {  	(tag) =	ssettag $0x1  }
0x1: {  	s0 =	rddreg [dreg:$0x0]  }
0x2: {  	s1 =	rddreg [dreg:$0x1];
	s3 =	simm.s32 $0x0  }
0x3: {  	s2 =	srdreg.scid;
	s12 =	stileid.u32;
	s28 =	simm.s32 $0x100  }
0x4: {  	s29 =	simm.s32 $0x180;
	s30 =	simm.s32 $0x6;
	s31 =	simm.s32 $0x2A00  }
0x5: {  	[smem:$0x7FF] =	sst s3;
	s2 =	sand.u32 $0x1, s2;
	s8 =	smul.u32 $0x14000, s12  }
0x6: {  	s4 =	sadd.s32 $0x18E00, s0;
	s5 =	sadd.s32 $0x5200, s0;
	s15 =	smul.u32 $0x50000, s12  }
0x7: {  	s14 =	sshll.u32 s12, $0x1;
	s17 =	sshll.u32 s12, $0x6;
	s12 =	smul.u32 $0x4E20, s12  }
0x8: {  	s6 =	sadd.s32 $0xF000, s0;
	s9 =	sadd.s32 $0x67200, s0;
	s7 =	smul.u32 $0x140000, s2  }
0x9: {  	_ =	strace $0x8000004D;
	[dreg:$0x3] =	wrdreg s9;
	s10 =	ssub.s32 $0x2, s2  }
0xa: {  	s11 =	sshrl.u32 s10, $0x1;
	s9 =	sshrl.u32 s15, $0x2;
	s7 =	sadd.s32 s8, s7  }
0xb: {  	s8 =	sor.u32 s2, s14;
	s16 =	ssub.s32 s10, s11;
	s2 =	smul.u32 $0x2710, s2  }
0xc: {  	s9 =	sadd.s32 s9, s1;
	s7 =	sshrl.u32 s7, $0x3;
	s8 =	smul.u32 $0x2710, s8  }
0xd: {  	s23 =	smax.u32 s16, $0x1;
	s0 =	sadd.s32 s7, s0;
	s22 =	sadd.s32 s2, s12  }
0xe: {  	[dreg:$0x9] =	wrdreg s23;
	s23 =	simm.s32 $0x5;
	s2 =	simm.s32 $0x2  }
0xf: {  	s7 =	simm.s32 $0x4;
	s18 =	sshrl.u32 s8, $0x3;
	s8 =	sor.u32 $0x1C07, s17  }
0x10: {  	s0 =	sadd.s32 $0x69A00, s0;
	s25 =	sadd.s32 $0xF0, s22;
	s17 =	sadd.s32 $0xA0, s22  }
0x11: {  	s22 =	simm.s32 $0x80;
	s19 =	sadd.s32 $0xA, s18;
	s13 =	sadd.s32 s5, s18  }
0x12: {  	s20 =	sadd.s32 s6, s18;
	[dreg:$0x8] =	wrdreg s0;
	s24 =	sadd.s32 $0x4D8, s18  }
0x13: {  	s26 =	sshrl.u32 s25, $0x3;
	s25 =	simm.s32 $0x200;
	[dreg:$0x4] =	wrdreg s13  }
0x14: {  	s0 =	simm.s32 $0x3;
	[dreg:$0x5] =	wrdreg s20;
	s21 =	sadd.s32 s5, s19  }
0x15: {  	s10 =	sadd.s32 s6, s19;
	s15 =	sadd.s32 s5, s24;
	s16 =	sadd.s32 s6, s24  }
0x16: {  	s18 =	sadd.s32 s26, s6;
	s19 =	sadd.s32 s26, s5;
	s20 =	sshrl.u32 s9, $0x3  }
0x17: {  	s24 =	simm.s32 $0x50;
	s26 =	simm.s32 $0x1;
	[dreg:$0x6] =	wrdreg s21  }
0x18: {  	s9 =	simm.s32 $0x0;
	[dreg:$0x7] =	wrdreg s10;
	s21 =	simm.s32 $0x7  }
.LBB2_1:
0x19: {  	s10 =	rddreg [dreg:$0x3]  }
0x1a: {  	[spmem:s20], [sflag:s8] =	dma.local [hbm:s10], $0x2800  }
0x1b: {  	_ =	swait.ge [sflag:s21], $0x2800  }
0x1c: {  	[sflag:s21] =	ssyncset.done $0x0  }
0x1d: {  	[sflag:s21] =	ssyncadd.s32 $0xFFFFD800  }
0x1e: {  	[bflag:$0x0] =	sbarrier.arrive $0xFFFF  }
0x1f: {  	s12 =	rddreg [dreg:$0x4]  }
0x20: {  	[tilespmem:s3], [sflag:$0x5] =	stream.linear.gather [hbm4b:s12+s3], $0x50, $0x38;
	[tilespmem:$0x19200] =	vst v63  }
0x21: {  	s13 =	rddreg [dreg:$0x5]  }
0x22: {  	[tilespmem:s22], [sflag:$0x5] =	stream.linear.gather [hbm4b:s13+s3], $0x50, $0x38;
	[tilespmem:$0x19200] =	vst v63  }
0x23: {  	_ =	swait.ge [sflag:s23], $0x50  }
0x24: {  	[sflag:s23] =	ssyncset.done $0x0  }
0x25: {  	[sflag:s23] =	ssyncadd.s32 $0xFFFFFFB0  }
0x26: {  	_ =	swait.ge [sflag:s23], $0x50  }
0x27: {  	[sflag:s23] =	ssyncset.done $0x0  }
0x28: {  	[sflag:s23] =	ssyncadd.s32 $0xFFFFFFB0  }
0x29: {  	[tilespmem:s25], [sflag:$0x1] =	stream.indirect.gather [hbm4b:s4+s24], $0x80, s3, s24, $0xb8;
	[tilespmem:$0x19200] =	vst v63  }
0x2a: {  	_ =	swait.ge [sflag:s26], $0x2800  }
0x2b: {  	[sflag:s26] =	ssyncset.done $0x0  }
0x2c: {  	[sflag:s26] =	ssyncadd.s32 $0xFFFFD800  }
0x2d: {  	[spmem:s1] =	stream.indirect.scatter.add.f32 [tilespmem:s25], [sflag:$0x3], $0x80, s22, s24, $0xb8;
	[tilespmem:$0x19200] =	vst v63  }
0x2e: {  	s14 =	rddreg [dreg:$0x6]  }
0x2f: {  	[tilespmem:s28], [sflag:$0x6] =	stream.linear.gather [hbm4b:s14+s3], $0x50, $0x38;
	[tilespmem:$0x19200] =	vst v63  }
0x30: {  	s11 =	rddreg [dreg:$0x7]  }
0x31: {  	[tilespmem:s29], [sflag:$0x6] =	stream.linear.gather [hbm4b:s11+s3], $0x50, $0x38;
	[tilespmem:$0x19200] =	vst v63  }
0x32: {  	_ =	swait.ge [sflag:s30], $0x50  }
0x33: {  	[sflag:s30] =	ssyncset.done $0x0  }
0x34: {  	[sflag:s30] =	ssyncadd.s32 $0xFFFFFFB0  }
0x35: {  	_ =	swait.ge [sflag:s30], $0x50  }
0x36: {  	[sflag:s30] =	ssyncset.done $0x0  }
0x37: {  	[sflag:s30] =	ssyncadd.s32 $0xFFFFFFB0  }
0x38: {  	[tilespmem:s31], [sflag:$0x2] =	stream.indirect.gather [hbm4b:s4+s24], $0x80, s28, s24, $0xb8;
	[tilespmem:$0x19200] =	vst v63  }
0x39: {  	_ =	swait.ge [sflag:s0], $0x2800  }
0x3a: {  	s12 =	sshrl.u32 s17, $0x3;
	[sflag:s0] =	ssyncset.done $0x0  }
0x3b: {  	s11 =	sadd.s32 s5, s12;
	[sflag:s0] =	ssyncadd.s32 $0xFFFFD800  }
0x3c: {  	[tilespmem:s3], [sflag:$0x5] =	stream.linear.gather [hbm4b:s11+s3], $0x50, $0x38;
	[tilespmem:$0x19200] =	vst v63  }
0x3d: {  	s10 =	sadd.s32 s6, s12  }
0x3e: {  	[tilespmem:s22], [sflag:$0x5] =	stream.linear.gather [hbm4b:s10+s3], $0x50, $0x38;
	[tilespmem:$0x19200] =	vst v63  }
0x3f: {  	_ =	swait.ge [sflag:s2], $0x2800  }
0x40: {  	[sflag:s2] =	ssyncset.done $0x0  }
0x41: {  	[sflag:s2] =	ssyncadd.s32 $0xFFFFD800  }
0x42: {  	[spmem:s1] =	stream.indirect.scatter.add.f32 [tilespmem:s31], [sflag:$0x4], $0x80, s29, s24, $0xb8;
	[tilespmem:$0x19200] =	vst v63  }
0x43: {  	_ =	swait.ge [sflag:s23], $0x50  }
0x44: {  	[sflag:s23] =	ssyncset.done $0x0  }
0x45: {  	[sflag:s23] =	ssyncadd.s32 $0xFFFFFFB0  }
0x46: {  	_ =	swait.ge [sflag:s23], $0x50  }
0x47: {  	[sflag:s23] =	ssyncset.done $0x0  }
0x48: {  	[sflag:s23] =	ssyncadd.s32 $0xFFFFFFB0  }
0x49: {  	[tilespmem:s25], [sflag:$0x1] =	stream.indirect.gather [hbm4b:s4+s24], $0x80, s3, s24, $0xb8;
	[tilespmem:$0x19200] =	vst v63  }
0x4a: {  	_ =	swait.ge [sflag:s26], $0x2800  }
0x4b: {  	[sflag:s26] =	ssyncset.done $0x0  }
0x4c: {  	[sflag:s26] =	ssyncadd.s32 $0xFFFFD800  }
0x4d: {  	_ =	swait.ge [sflag:s7], $0x2800  }
0x4e: {  	[sflag:s7] =	ssyncset.done $0x0  }
0x4f: {  	s13 =	sadd.s32 $0x0, s19;
	[sflag:s7] =	ssyncadd.s32 $0xFFFFD800  }
0x50: {  	[tilespmem:s28], [sflag:$0x6] =	stream.linear.gather [hbm4b:s13+s3], $0x50, $0x38;
	[tilespmem:$0x19200] =	vst v63  }
0x51: {  	s14 =	sadd.s32 $0x0, s18;
	s11 =	sadd.s32 $0xA0, s17;
	s10 =	simm.s32 $0x14  }
0x52: {  	[tilespmem:s29], [sflag:$0x6] =	stream.linear.gather [hbm4b:s14+s3], $0x50, $0x38;
	[tilespmem:$0x19200] =	vst v63  }
.LBB2_2:
0x53: {  	[spmem:s1] =	stream.indirect.scatter.add.f32 [tilespmem:s25], [sflag:$0x3], $0x80, s22, s24, $0xb8;
	[tilespmem:$0x19200] =	vst v63  }
0x54: {  	s12 =	smov.u32 s10  }
0x55: {  	p0 =	sne.s32 s10, $0x4B0;
	s10 =	sadd.s32 $0x14, s10;
	_ =	swait.ge [sflag:s30], $0x50  }
0x56: {  	[sflag:s30] =	ssyncset.done $0x0  }
0x57: {  	[sflag:s30] =	ssyncadd.s32 $0xFFFFFFB0  }
0x58: {  	_ =	swait.ge [sflag:s30], $0x50  }
0x59: {  	[sflag:s30] =	ssyncset.done $0x0  }
0x5a: {  	[sflag:s30] =	ssyncadd.s32 $0xFFFFFFB0  }
0x5b: {  	[tilespmem:s31], [sflag:$0x2] =	stream.indirect.gather [hbm4b:s4+s24], $0x80, s28, s24, $0xb8;
	[tilespmem:$0x19200] =	vst v63  }
0x5c: {  	_ =	swait.ge [sflag:s0], $0x2800  }
0x5d: {  	s13 =	sshrl.u32 s11, $0x3;
	[sflag:s0] =	ssyncset.done $0x0  }
0x5e: {  	s14 =	sadd.s32 s5, s13;
	[sflag:s0] =	ssyncadd.s32 $0xFFFFD800  }
0x5f: {  	[tilespmem:s3], [sflag:$0x5] =	stream.linear.gather [hbm4b:s14+s3], $0x50, $0x38;
	[tilespmem:$0x19200] =	vst v63  }
0x60: {  	s13 =	sadd.s32 s6, s13  }
0x61: {  	[tilespmem:s22], [sflag:$0x5] =	stream.linear.gather [hbm4b:s13+s3], $0x50, $0x38;
	[tilespmem:$0x19200] =	vst v63  }
0x62: {  	_ =	swait.ge [sflag:s2], $0x2800  }
0x63: {  	[sflag:s2] =	ssyncset.done $0x0  }
0x64: {  	[sflag:s2] =	ssyncadd.s32 $0xFFFFD800  }
0x65: {  	[spmem:s1] =	stream.indirect.scatter.add.f32 [tilespmem:s31], [sflag:$0x4], $0x80, s29, s24, $0xb8;
	[tilespmem:$0x19200] =	vst v63  }
0x66: {  	_ =	swait.ge [sflag:s23], $0x50  }
0x67: {  	[sflag:s23] =	ssyncset.done $0x0  }
0x68: {  	[sflag:s23] =	ssyncadd.s32 $0xFFFFFFB0  }
0x69: {  	_ =	swait.ge [sflag:s23], $0x50  }
0x6a: {  	[sflag:s23] =	ssyncset.done $0x0  }
0x6b: {  	[sflag:s23] =	ssyncadd.s32 $0xFFFFFFB0  }
0x6c: {  	[tilespmem:s25], [sflag:$0x1] =	stream.indirect.gather [hbm4b:s4+s24], $0x80, s3, s24, $0xb8;
	[tilespmem:$0x19200] =	vst v63  }
0x6d: {  	_ =	swait.ge [sflag:s26], $0x2800  }
0x6e: {  	[sflag:s26] =	ssyncset.done $0x0  }
0x6f: {  	[sflag:s26] =	ssyncadd.s32 $0xFFFFD800  }
0x70: {  	_ =	swait.ge [sflag:s7], $0x2800  }
0x71: {  	[sflag:s7] =	ssyncset.done $0x0  }
.Ltmp0:
0x72: {  	s13 =	sadd.s32 s12, s19;
	[sflag:s7] =	ssyncadd.s32 $0xFFFFD800;
	(pc) =	sbr.rel @p0 .LBB2_2-.Ltmp0, $4  }
0x73: {  	[tilespmem:s28], [sflag:$0x6] =	stream.linear.gather [hbm4b:s13+s3], $0x50, $0x38;
	[tilespmem:$0x19200] =	vst v63  }
0x74: {  	s12 =	sadd.s32 s12, s18  }
0x75: {  	[tilespmem:s29], [sflag:$0x6] =	stream.linear.gather [hbm4b:s12+s3], $0x50, $0x38;
	[tilespmem:$0x19200] =	vst v63  }
0x76: {  	s11 =	sadd.s32 $0xA0, s11  }
0x77: {  	[spmem:s1] =	stream.indirect.scatter.add.f32 [tilespmem:s25], [sflag:$0x3], $0x80, s22, s24, $0xb8;
	[tilespmem:$0x19200] =	vst v63  }
0x78: {  	_ =	swait.ge [sflag:s30], $0x50  }
0x79: {  	[sflag:s30] =	ssyncset.done $0x0  }
0x7a: {  	[sflag:s30] =	ssyncadd.s32 $0xFFFFFFB0  }
0x7b: {  	_ =	swait.ge [sflag:s30], $0x50  }
0x7c: {  	[sflag:s30] =	ssyncset.done $0x0  }
0x7d: {  	[sflag:s30] =	ssyncadd.s32 $0xFFFFFFB0  }
0x7e: {  	[tilespmem:s31], [sflag:$0x2] =	stream.indirect.gather [hbm4b:s4+s24], $0x80, s28, s24, $0xb8;
	[tilespmem:$0x19200] =	vst v63  }
0x7f: {  	_ =	swait.ge [sflag:s0], $0x2800  }
0x80: {  	[sflag:s0] =	ssyncset.done $0x0  }
0x81: {  	[sflag:s0] =	ssyncadd.s32 $0xFFFFD800  }
0x82: {  	[tilespmem:s3], [sflag:$0x5] =	stream.linear.gather [hbm4b:s15+s3], $0x50, $0x38;
	[tilespmem:$0x19200] =	vst v63  }
0x83: {  	_ = 	snop  }
0x84: {  	[tilespmem:s22], [sflag:$0x5] =	stream.linear.gather [hbm4b:s16+s3], $0x50, $0x38;
	[tilespmem:$0x19200] =	vst v63  }
0x85: {  	_ =	swait.ge [sflag:s2], $0x2800  }
0x86: {  	[sflag:s2] =	ssyncset.done $0x0  }
0x87: {  	[sflag:s2] =	ssyncadd.s32 $0xFFFFD800  }
0x88: {  	[spmem:s1] =	stream.indirect.scatter.add.f32 [tilespmem:s31], [sflag:$0x4], $0x80, s29, s24, $0xb8;
	[tilespmem:$0x19200] =	vst v63  }
0x89: {  	_ =	swait.ge [sflag:s23], $0x50  }
0x8a: {  	[sflag:s23] =	ssyncset.done $0x0  }
0x8b: {  	[sflag:s23] =	ssyncadd.s32 $0xFFFFFFB0  }
0x8c: {  	_ =	swait.ge [sflag:s23], $0x50  }
0x8d: {  	[sflag:s23] =	ssyncset.done $0x0  }
0x8e: {  	[sflag:s23] =	ssyncadd.s32 $0xFFFFFFB0  }
0x8f: {  	[tilespmem:s25], [sflag:$0x1] =	stream.indirect.gather [hbm4b:s4+s24], $0x80, s3, s24, $0xb8;
	[tilespmem:$0x19200] =	vst v63  }
0x90: {  	_ =	swait.ge [sflag:s26], $0x2800  }
0x91: {  	[sflag:s26] =	ssyncset.done $0x0  }
0x92: {  	[sflag:s26] =	ssyncadd.s32 $0xFFFFD800  }
0x93: {  	_ =	swait.ge [sflag:s7], $0x2800  }
0x94: {  	[sflag:s7] =	ssyncset.done $0x0  }
0x95: {  	[sflag:s7] =	ssyncadd.s32 $0xFFFFD800  }
0x96: {  	[tilespmem:s28], [sflag:$0x6] =	stream.linear.gather [hbm4b:s15+s3], $0x50, $0x38;
	[tilespmem:$0x19200] =	vst v63  }
0x97: {  	_ = 	snop  }
0x98: {  	[tilespmem:s29], [sflag:$0x6] =	stream.linear.gather [hbm4b:s16+s3], $0x50, $0x38;
	[tilespmem:$0x19200] =	vst v63  }
0x99: {  	_ = 	snop  }
0x9a: {  	[spmem:s1] =	stream.indirect.scatter.add.f32 [tilespmem:s25], [sflag:$0x3], $0x80, s22, s24, $0xb8;
	[tilespmem:$0x19200] =	vst v63  }
0x9b: {  	_ =	swait.ge [sflag:s30], $0x50  }
0x9c: {  	[sflag:s30] =	ssyncset.done $0x0  }
0x9d: {  	[sflag:s30] =	ssyncadd.s32 $0xFFFFFFB0  }
0x9e: {  	_ =	swait.ge [sflag:s30], $0x50  }
0x9f: {  	[sflag:s30] =	ssyncset.done $0x0  }
0xa0: {  	[sflag:s30] =	ssyncadd.s32 $0xFFFFFFB0  }
0xa1: {  	_ =	swait.ge [sflag:s0], $0x2800  }
0xa2: {  	[sflag:s0] =	ssyncset.done $0x0  }
0xa3: {  	[sflag:s0] =	ssyncadd.s32 $0xFFFFD800  }
0xa4: {  	[bflag:$0x0] =	sbarrier.arrive $0xFFFF  }
0xa5: {  	s10 =	rddreg [dreg:$0x8]  }
0xa6: {  	[hbm:s10], [sflag:s8] =	dma.local [spmem:s20], $0x2800  }
0xa7: {  	_ =	swait.ge [sflag:s21], $0x2800  }
0xa8: {  	s9 =	sadd.s32 $0x1, s9;
	s14 =	rddreg [dreg:$0x9]  }
0xa9: {  	p0 =	sne.s32 s9, s14  }
.Ltmp1:
0xaa: {  	_ = 	snop;
	(pc) =	sbr.rel @p0 .LBB2_1-.Ltmp1, $3  }
0xab: {  	_ =	sdelay $0x1  }
0xac: {  	[sflag:s21] =	ssyncset.done $0x0  }
0xad: {  	[sflag:s21] =	ssyncadd.s32 $0xFFFFD800  }
0xae: {  	_ =	sfence.sel $0x180000  }
0xaf: {  	[bflag:$0x0] =	sbarrier.arrive $0xFFFF  }
0xb0: {  	_ =	strace $0x9000004D  }
0xb1: {  	s0 =	stileid.u32;
	[bflag:$0x2] =	sbarrier.arrive $0xFFFF  }
0xb2: {  	p0 =	sne.s32 s0, $0x0;
	s0 =	rddreg [dreg:$0x2]  }
0xb3: {  	s0 =	sadd.s32 @!p0 $0x100000, s0  }
0xb4: {  	[sflag:s0] =	ssyncadd.tile.s32 @!p0 $0x1;
	_ =	shalt  }
.Lfunc_end2:
_tile_overlayer_lowered:
.L_overlay_start_2:
0xb5: {  	(tag) =	ssettag $0x2  }
0xb6: {  	s0 =	rddreg [dreg:$0x0];
	s2 =	stileid.u32  }
0xb7: {  	s1 =	rddreg [dreg:$0x1];
	p0 =	sne.s32 s2, $0x0  }
0xb8: {  	s3 =	rddreg [dreg:$0x2];
	[bflag:$0x3] =	sbarrier.arrive $0xFFFF;
	s2 =	simm.s32 @!p0 $0x1C07  }
0xb9: {  	[timem:s3], [sflag:s2] =	dma.local @!p0 [hbm:s0], s1  }
0xba: {  	s0 =	simm.s32 @!p0 $0x7  }
0xbb: {  	_ =	swait.ge @!p0 [sflag:s0], s1  }
0xbc: {  	s1 =	ssub.s32 @!p0 $0x0, s1;
	[sflag:s0] =	ssyncset.done @!p0 $0x0  }
0xbd: {  	[sflag:s0] =	ssyncadd.s32 @!p0 s1  }
0xbe: {  	[bflag:$0x3] =	sbarrier.arrive $0xFFFF  }
0xbf: {  	_ =	shalt  }

// kernel: kernel.20.cloned.1.call-start
scs
__scs_entry_jumppad:
0x0: {  	(pc) =	sbr.rel $0x88, $3  }
0x1: {  	(tag) =	ssettag $0x0;
	lr =	simm.s32 $0x1  }
0x2: {  	[smem:$0x3F89] =	sst lr;
	_ =	strace $0xD0000000  }
0x3: {  	_ = 	snop  }
0x4: {  	_ = 	snop  }
0x5: {  	_ = 	snop  }
0x6: {  	_ = 	snop  }
0x7: {  	_ = 	snop  }
__scs_overlays_trampoline_lowered:
0x8: {  	[smem:$0x3F98] =	sst s0  }
0x9: {  	[smem:$0x3F99] =	sst s1  }
0xa: {  	[smem:$0x3F9A] =	sst s2  }
0xb: {  	[smem:$0x3F9B] =	sst s3  }
0xc: {  	[smem:$0x3F9C] =	sst s4  }
0xd: {  	[smem:$0x3F9D] =	sst s5  }
0xe: {  	[smem:$0x3F9E] =	sst s6  }
0xf: {  	[smem:$0x3F9F] =	sst s7  }
0x10: {  	[smem:$0x3FA0] =	sst s8  }
0x11: {  	[smem:$0x3FA1] =	sst s9;
	s0 =	simm.s32 @!p0 $0x0  }
0x12: {  	s1 =	sld [smem:$0x3F87];
	s0 =	simm.s32 @p0 $0x1  }
0x13: {  	[smem:$0x3FA2] =	sst s0;
	s0 =	simm.s32 @!p1 $0x0  }
0x14: {  	s2 =	sld [smem:$0x3F86];
	s0 =	simm.s32 @p1 $0x1  }
0x15: {  	[smem:$0x3FA3] =	sst s0;
	s0 =	simm.s32 @!p2 $0x0  }
0x16: {  	s3 =	sld [smem:$0x3FDB];
	s0 =	simm.s32 @p2 $0x1  }
0x17: {  	s4 =	simm.s32 $0x1BF5;
	[smem:$0x3FA5] =	sst s0  }
0x18: {  	s0 =	sld [smem:$0x3F88];
	_ =	swait.ge [sflag:s4], $0x0  }
0x19: {  	s7 =	sld [smem:$0x3F89]  }
0x1a: {  	s8 =	sadd.s32 $0xFFFFE003, lr  }
0x1b: {  	s9 =	sadd.s32 $0xFFFFFEF7, lr;
	s5 =	simm.s32 $0xFFFFFFFF;
	p2 =	slt.u32 s8, $0xFFFFF086  }
0x1c: {  	p1 =	slt.u32 s9, $0xF7A;
	s5 =	simm.s32 @!p2 $0x0  }
0x1d: {  	s5 =	simm.s32 @p1 $0x1;
	p0 =	seq.s32 s7, s2  }
0x1e: {  	s7 =	smul.u32 @!p0 $0xF7A, s2;
	p2 =	seq.s32 @!p0 s5, $0x0  }
0x1f: {  	s9 =	smul.u32 $0xF7A, s1;
	s8 =	simm.s32 @!p0 $0x1BF5;
	p2 =	por !p2, p0  }
0x20: {  	[sflag:s8] =	ssyncset.s32 @!p0 $0xFFFFF086;
	s6 =	sadd.s32 @!p0 s3, s7;
	s7 =	simm.s32 @!p0 $0x108  }
0x21: {  	s3 =	sadd.s32 s3, s9;
	s6 =	sadd.s32 @!p0 $0x88, s6;
	s7 =	simm.s32 @p2 $0x1082  }
0x22: {  	[simem:s7], [sflag:s8] =	dma.local @!p0 [hbm:s6], $0xF7A  }
0x23: {  	s9 =	sor.u32 $0xD0000000, s2;
	s6 =	simm.s32 $0x108;
	_ =	swait.ge @!p0 [sflag:s8], $0x0  }
0x24: {  	s3 =	sadd.s32 $0x88, s3;
	s6 =	simm.s32 @!p1 $0x1082;
	[sflag:s4] =	ssyncset.s32 $0xFFFFF086  }
0x25: {  	[simem:s6], [sflag:s4] =	dma.local [hbm:s3], $0xF7A  }
0x26: {  	[smem:$0x3F89] =	sst s1;
	(tag) =	ssettag s2;
	_ =	strace s9  }
0x27: {  	s1 =	sld [smem:$0x3F99]  }
0x28: {  	s2 =	sld [smem:$0x3F9A]  }
0x29: {  	s4 =	sld [smem:$0x3F9C]  }
0x2a: {  	p0 =	seq.s32 s5, $0x0;
	s5 =	sld [smem:$0x3F9D]  }
0x2b: {  	s6 =	sld [smem:$0x3F9E]  }
0x2c: {  	s7 =	sld [smem:$0x3F9F]  }
0x2d: {  	s3 =	simm.s32 $0x108;
	s8 =	sld [smem:$0x3FA0]  }
0x2e: {  	s3 =	simm.s32 @!p0 $0x1082;
	s9 =	sld [smem:$0x3FA1]  }
0x2f: {  	lr =	sadd.s32 s0, s3;
	s0 =	sld [smem:$0x3F98]  }
0x30: {  	s3 =	sld [smem:$0x3F9B]  }
0x31: {  	[smem:$0x3FA4] =	sst s10  }
0x32: {  	s10 =	sld [smem:$0x3FA2];
	_ =	sdelay $0x3  }
0x33: {  	p0 =	seq.s32 s10, $0x1;
	s10 =	sld [smem:$0x3FA4];
	_ =	sdelay $0x3  }
0x34: {  	[smem:$0x3FA4] =	sst s10  }
0x35: {  	s10 =	sld [smem:$0x3FA3];
	_ =	sdelay $0x3  }
0x36: {  	p1 =	seq.s32 s10, $0x1;
	s10 =	sld [smem:$0x3FA4];
	_ =	sdelay $0x3  }
0x37: {  	[smem:$0x3FA4] =	sst s10  }
0x38: {  	s10 =	sld [smem:$0x3FA5]  }
0x39: {  	_ = 	snop;
	(pc) =	sbr.ind lr, $3  }
0x3a: {  	_ = 	snop  }
0x3b: {  	_ = 	snop  }
0x3c: {  	p2 =	seq.s32 s10, $0x1;
	s10 =	sld [smem:$0x3FA4]  }
0x3d: {  	_ =	shalt  }
0x3e: {  	_ =	shalt  }
0x3f: {  	_ =	shalt  }
0x40: {  	_ =	shalt  }
0x41: {  	_ =	shalt  }
0x42: {  	_ =	shalt  }
0x43: {  	_ =	shalt  }
0x44: {  	_ =	shalt  }
0x45: {  	_ =	shalt  }
0x46: {  	_ =	shalt  }
0x47: {  	_ =	shalt  }
0x48: {  	_ =	shalt  }
0x49: {  	_ =	shalt  }
0x4a: {  	_ =	shalt  }
0x4b: {  	_ =	shalt  }
0x4c: {  	_ =	shalt  }
0x4d: {  	_ =	shalt  }
0x4e: {  	_ =	shalt  }
0x4f: {  	_ =	shalt  }
0x50: {  	_ =	shalt  }
0x51: {  	_ =	shalt  }
0x52: {  	_ =	shalt  }
0x53: {  	_ =	shalt  }
0x54: {  	_ =	shalt  }
0x55: {  	_ =	shalt  }
0x56: {  	_ =	shalt  }
0x57: {  	_ =	shalt  }
0x58: {  	_ =	shalt  }
0x59: {  	_ =	shalt  }
0x5a: {  	_ =	shalt  }
0x5b: {  	_ =	shalt  }
0x5c: {  	_ =	shalt  }
0x5d: {  	_ =	shalt  }
0x5e: {  	_ =	shalt  }
0x5f: {  	_ =	shalt  }
0x60: {  	_ =	shalt  }
0x61: {  	_ =	shalt  }
0x62: {  	_ =	shalt  }
0x63: {  	_ =	shalt  }
0x64: {  	_ =	shalt  }
0x65: {  	_ =	shalt  }
0x66: {  	_ =	shalt  }
0x67: {  	_ =	shalt  }
0x68: {  	_ =	shalt  }
0x69: {  	_ =	shalt  }
0x6a: {  	_ =	shalt  }
0x6b: {  	_ =	shalt  }
0x6c: {  	_ =	shalt  }
0x6d: {  	_ =	shalt  }
0x6e: {  	_ =	shalt  }
0x6f: {  	_ =	shalt  }
0x70: {  	_ =	shalt  }
0x71: {  	_ =	shalt  }
0x72: {  	_ =	shalt  }
0x73: {  	_ =	shalt  }
0x74: {  	_ =	shalt  }
0x75: {  	_ =	shalt  }
0x76: {  	_ =	shalt  }
0x77: {  	_ =	shalt  }
0x78: {  	_ =	shalt  }
0x79: {  	_ =	shalt  }
0x7a: {  	_ =	shalt  }
0x7b: {  	_ =	shalt  }
0x7c: {  	_ =	shalt  }
0x7d: {  	_ =	shalt  }
0x7e: {  	_ =	shalt  }
0x7f: {  	_ =	shalt  }
0x80: {  	_ =	shalt  }
0x81: {  	_ =	shalt  }
0x82: {  	_ =	shalt  }
0x83: {  	_ =	shalt  }
0x84: {  	_ =	shalt  }
0x85: {  	_ =	shalt  }
0x86: {  	_ =	shalt  }
0x87: {  	_ =	shalt  }
.Lfunc_end0:
.L_simem_size_0:
called_computation.3_lowered:
.L_overlay_start_0:
0x88: {  	s2 =	sld [smem:$0x3FD9]  }
0x89: {  	s3 =	sld [smem:$0x3FFE];
	_ =	sdelay $0x1  }
0x8a: {  	s1 =	srdreg.scid  }
0x8b: {  	s0 =	sand.u32 $0x1, s1  }
0x8c: {  	s16 =	sshll.u32 s0, $0xA;
	s2 =	sadd.s32 s3, s2  }
0x8d: {  	s2 =	sadd.s32 s2, s16  }
0x8e: {  	[smem:$0x3FB0] =	sst s2  }
0x8f: {  	_ = 	snop  }
0x90: {  	(tm) =	ssettm $0x1  }
0x91: {  	s17 =	sld [smem:$0x3FFB];
	_ =	sdelay $0x3  }
0x92: {  	_ =	strace s17  }
0x93: {  	s2 =	sld [smem:$0x3FFC];
	_ =	sdelay $0x3  }
0x94: {  	_ =	strace s2  }
0x95: {  	s2 =	sld [smem:$0x3FFD];
	_ =	sdelay $0x3  }
0x96: {  	_ =	strace s2  }
0x97: {  	_ =	strace $0x8FFFFFFF  }
0x98: {  	s18 =	sld [smem:$0x3FDB];
	_ =	sdelay $0x1  }
0x99: {  	s19 =	simm.s32 $_scs_section_size  }
0x9a: {  	s4 =	simm.s32 $_size__tile_overlayer_lowered;
	s5 =	simm.s32 $_tile_overlayer_lowered  }
0x9b: {  	s22 =	simm.s32 $0x1BFF;
	s21 =	sshll.u32 s5, $0x1;
	s2 =	sadd.s32 s19, s18  }
0x9c: {  	s6 =	simm.s32 $0x0;
	s20 =	sshll.u32 s4, $0x1;
	s4 =	sadd.s32 s21, s2  }
0x9d: {  	[timem:s6], [sflag:s22] =	dma.local [hbm:s4], s20  }
0x9e: {  	_ =	swait.ge [sflag:s22], s20  }
0x9f: {  	s3 =	ssub.s32 $0x0, s20;
	[sflag:s22] =	ssyncset.done $0x0  }
0xa0: {  	[sflag:s22] =	ssyncadd.s32 s3;
	_ =	sdelay $0x1  }
0xa1: {  	s23 =	simm.s32 $0x1B8B  }
0xa2: {  	_ =	swait.ge [sflag:s23], $0x1  }
0xa3: {  	[sflag:s23] =	ssyncset.done $0x0  }
0xa4: {  	s25 =	simm.s32 $0x1B8E;
	s24 =	sld [smem:$0x3FFE];
	[sflag:s23] =	ssyncadd.s32 $0xFFFFFFFF  }
0xa5: {  	s26 =	simm.s32 $execute0_lowered;
	[smem:$0x3FD2] =	sst s25  }
0xa6: {  	s4 =	sshll.u32 s26, $0x1;
	_ =	strace $0x8000004F;
	[dreg:$0x1] =	wrdreg $0xFFFFFFFF  }
0xa7: {  	s28 =	simm.s32 $_size_execute0_lowered;
	s2 =	sadd.s32 s2, s4;
	[dreg:$0x0] =	wrdreg $0x0  }
0xa8: {  	s4 =	sshll.u32 s28, $0x1;
	[dreg:$0x2] =	wrdreg s2  }
0xa9: {  	[dreg:$0x3] =	wrdreg s4  }
0xaa: {  	[dreg:$0x4] =	wrdreg $0xC0  }
0xab: {  	_ =	task [dreg:s6], $0x5FFFF  }
0xac: {  	[dreg:$0x1] =	wrdreg $0xFFFFFFFF  }
0xad: {  	[dreg:$0x0] =	wrdreg $0x60  }
0xae: {  	[dreg:$0x2] =	wrdreg s24  }
0xaf: {  	[dreg:$0x3] =	wrdreg $0x52000  }
0xb0: {  	[dreg:$0x4] =	wrdreg $0x9  }
0xb1: {  	_ =	task.clear_ibuf [dreg:s6], $0x5FFFF;
	_ =	strace $0x9000004F  }
0xb2: {  	s29 =	simm.s32 $0x9;
	_ =	strace $0x80000051  }
0xb3: {  	_ =	swait.ge [sflag:s29], $0x1  }
0xb4: {  	[sflag:s29] =	ssyncadd.s32 $0xFFFFFFFF  }
0xb5: {  	_ =	strace $0x90000051  }
0xb6: {  	_ =	sfence  }
0xb7: {  	s30 =	sld [smem:$0x0];
	_ =	sdelay $0x2  }
0xb8: {  	s31 =	sshll.u32 s1, $0xD;
	s1 =	sshrl.u32 s1, $0x2  }
0xb9: {  	s3 =	sand.u32 $0x4000, s31;
	s1 =	sadd.s32 s1, s30  }
0xba: {  	s0 =	sor.u32 s3, s0;
	s1 =	sshll.u32 s1, $0x11  }
0xbb: {  	s0 =	sor.u32 s1, s0  }
0xbc: {  	s0 =	sadd.s32 $0x8F2B, s0  }
0xbd: {  	[sflag:s0] =	ssyncadd.remote.s32 $0x1  }
0xbe: {  	_ =	sfence.sel $0xFFFF  }
0xbf: {  	[dreg:$0x0] =	wrdreg $0xFFFFFFFF;
	(pc) =	sbr.abs _section_cstart, $3  }
0xc0: {  	[dreg:$0x1] =	wrdreg $0xFFFFFFFF  }
0xc1: {  	_ =	task.clear_ibuf [dreg:s6], $0x2FFFF;
	_ =	strace $0x9FFFFFFF  }
0xc2: {  	(tm) =	ssettm $0x7FFFFFFF  }
0xc3: {  	_ =	shalt  }
tec
execute0_lowered:
.L_overlay_start_1:
0x0: {  	(tag) =	ssettag $0x1  }
0x1: {  	s0 =	rddreg [dreg:$0x0]  }
0x2: {  	s1 =	rddreg [dreg:$0x1];
	s3 =	simm.s32 $0x0  }
0x3: {  	s2 =	srdreg.scid;
	s12 =	stileid.u32;
	s28 =	simm.s32 $0x100  }
0x4: {  	s29 =	simm.s32 $0x180;
	s30 =	simm.s32 $0x6;
	s31 =	simm.s32 $0x2A00  }
0x5: {  	[smem:$0x7FF] =	sst s3;
	s2 =	sand.u32 $0x1, s2;
	s8 =	smul.u32 $0x14000, s12  }
0x6: {  	s4 =	sadd.s32 $0x18E00, s0;
	s5 =	sadd.s32 $0x5200, s0;
	s15 =	smul.u32 $0x50000, s12  }
0x7: {  	s14 =	sshll.u32 s12, $0x1;
	s17 =	sshll.u32 s12, $0x6;
	s12 =	smul.u32 $0x4E20, s12  }
0x8: {  	s6 =	sadd.s32 $0xF000, s0;
	s9 =	sadd.s32 $0x67200, s0;
	s7 =	smul.u32 $0x140000, s2  }
0x9: {  	_ =	strace $0x80000050;
	[dreg:$0x3] =	wrdreg s9;
	s10 =	ssub.s32 $0x2, s2  }
0xa: {  	s11 =	sshrl.u32 s10, $0x1;
	s9 =	sshrl.u32 s15, $0x2;
	s7 =	sadd.s32 s8, s7  }
0xb: {  	s8 =	sor.u32 s2, s14;
	s16 =	ssub.s32 s10, s11;
	s2 =	smul.u32 $0x2710, s2  }
0xc: {  	s9 =	sadd.s32 s9, s1;
	s7 =	sshrl.u32 s7, $0x3;
	s8 =	smul.u32 $0x2710, s8  }
0xd: {  	s23 =	smax.u32 s16, $0x1;
	s0 =	sadd.s32 s7, s0;
	s22 =	sadd.s32 s2, s12  }
0xe: {  	[dreg:$0x9] =	wrdreg s23;
	s23 =	simm.s32 $0x5;
	s2 =	simm.s32 $0x2  }
0xf: {  	s7 =	simm.s32 $0x4;
	s18 =	sshrl.u32 s8, $0x3;
	s8 =	sor.u32 $0x1C07, s17  }
0x10: {  	s0 =	sadd.s32 $0x69A00, s0;
	s25 =	sadd.s32 $0xF0, s22;
	s17 =	sadd.s32 $0xA0, s22  }
0x11: {  	s22 =	simm.s32 $0x80;
	s19 =	sadd.s32 $0xA, s18;
	s13 =	sadd.s32 s5, s18  }
0x12: {  	s20 =	sadd.s32 s6, s18;
	[dreg:$0x8] =	wrdreg s0;
	s24 =	sadd.s32 $0x4D8, s18  }
0x13: {  	s26 =	sshrl.u32 s25, $0x3;
	s25 =	simm.s32 $0x200;
	[dreg:$0x4] =	wrdreg s13  }
0x14: {  	s0 =	simm.s32 $0x3;
	[dreg:$0x5] =	wrdreg s20;
	s21 =	sadd.s32 s5, s19  }
0x15: {  	s10 =	sadd.s32 s6, s19;
	s15 =	sadd.s32 s5, s24;
	s16 =	sadd.s32 s6, s24  }
0x16: {  	s18 =	sadd.s32 s26, s6;
	s19 =	sadd.s32 s26, s5;
	s20 =	sshrl.u32 s9, $0x3  }
0x17: {  	s24 =	simm.s32 $0x50;
	s26 =	simm.s32 $0x1;
	[dreg:$0x6] =	wrdreg s21  }
0x18: {  	s9 =	simm.s32 $0x0;
	[dreg:$0x7] =	wrdreg s10;
	s21 =	simm.s32 $0x7  }
.LBB2_1:
0x19: {  	s10 =	rddreg [dreg:$0x3]  }
0x1a: {  	[spmem:s20], [sflag:s8] =	dma.local [hbm:s10], $0x2800  }
0x1b: {  	_ =	swait.ge [sflag:s21], $0x2800  }
0x1c: {  	[sflag:s21] =	ssyncset.done $0x0  }
0x1d: {  	[sflag:s21] =	ssyncadd.s32 $0xFFFFD800  }
0x1e: {  	[bflag:$0x0] =	sbarrier.arrive $0xFFFF  }
0x1f: {  	s12 =	rddreg [dreg:$0x4]  }
0x20: {  	[tilespmem:s3], [sflag:$0x5] =	stream.linear.gather [hbm4b:s12+s3], $0x50, $0x38;
	[tilespmem:$0x19200] =	vst v63  }
0x21: {  	s13 =	rddreg [dreg:$0x5]  }
0x22: {  	[tilespmem:s22], [sflag:$0x5] =	stream.linear.gather [hbm4b:s13+s3], $0x50, $0x38;
	[tilespmem:$0x19200] =	vst v63  }
0x23: {  	_ =	swait.ge [sflag:s23], $0x50  }
0x24: {  	[sflag:s23] =	ssyncset.done $0x0  }
0x25: {  	[sflag:s23] =	ssyncadd.s32 $0xFFFFFFB0  }
0x26: {  	_ =	swait.ge [sflag:s23], $0x50  }
0x27: {  	[sflag:s23] =	ssyncset.done $0x0  }
0x28: {  	[sflag:s23] =	ssyncadd.s32 $0xFFFFFFB0  }
0x29: {  	[tilespmem:s25], [sflag:$0x1] =	stream.indirect.gather [hbm4b:s4+s24], $0x80, s3, s24, $0xb8;
	[tilespmem:$0x19200] =	vst v63  }
0x2a: {  	_ =	swait.ge [sflag:s26], $0x2800  }
0x2b: {  	[sflag:s26] =	ssyncset.done $0x0  }
0x2c: {  	[sflag:s26] =	ssyncadd.s32 $0xFFFFD800  }
0x2d: {  	[spmem:s1] =	stream.indirect.scatter.add.f32 [tilespmem:s25], [sflag:$0x3], $0x80, s22, s24, $0xb8;
	[tilespmem:$0x19200] =	vst v63  }
0x2e: {  	s14 =	rddreg [dreg:$0x6]  }
0x2f: {  	[tilespmem:s28], [sflag:$0x6] =	stream.linear.gather [hbm4b:s14+s3], $0x50, $0x38;
	[tilespmem:$0x19200] =	vst v63  }
0x30: {  	s11 =	rddreg [dreg:$0x7]  }
0x31: {  	[tilespmem:s29], [sflag:$0x6] =	stream.linear.gather [hbm4b:s11+s3], $0x50, $0x38;
	[tilespmem:$0x19200] =	vst v63  }
0x32: {  	_ =	swait.ge [sflag:s30], $0x50  }
0x33: {  	[sflag:s30] =	ssyncset.done $0x0  }
0x34: {  	[sflag:s30] =	ssyncadd.s32 $0xFFFFFFB0  }
0x35: {  	_ =	swait.ge [sflag:s30], $0x50  }
0x36: {  	[sflag:s30] =	ssyncset.done $0x0  }
0x37: {  	[sflag:s30] =	ssyncadd.s32 $0xFFFFFFB0  }
0x38: {  	[tilespmem:s31], [sflag:$0x2] =	stream.indirect.gather [hbm4b:s4+s24], $0x80, s28, s24, $0xb8;
	[tilespmem:$0x19200] =	vst v63  }
0x39: {  	_ =	swait.ge [sflag:s0], $0x2800  }
0x3a: {  	s12 =	sshrl.u32 s17, $0x3;
	[sflag:s0] =	ssyncset.done $0x0  }
0x3b: {  	s11 =	sadd.s32 s5, s12;
	[sflag:s0] =	ssyncadd.s32 $0xFFFFD800  }
0x3c: {  	[tilespmem:s3], [sflag:$0x5] =	stream.linear.gather [hbm4b:s11+s3], $0x50, $0x38;
	[tilespmem:$0x19200] =	vst v63  }
0x3d: {  	s10 =	sadd.s32 s6, s12  }
0x3e: {  	[tilespmem:s22], [sflag:$0x5] =	stream.linear.gather [hbm4b:s10+s3], $0x50, $0x38;
	[tilespmem:$0x19200] =	vst v63  }
0x3f: {  	_ =	swait.ge [sflag:s2], $0x2800  }
0x40: {  	[sflag:s2] =	ssyncset.done $0x0  }
0x41: {  	[sflag:s2] =	ssyncadd.s32 $0xFFFFD800  }
0x42: {  	[spmem:s1] =	stream.indirect.scatter.add.f32 [tilespmem:s31], [sflag:$0x4], $0x80, s29, s24, $0xb8;
	[tilespmem:$0x19200] =	vst v63  }
0x43: {  	_ =	swait.ge [sflag:s23], $0x50  }
0x44: {  	[sflag:s23] =	ssyncset.done $0x0  }
0x45: {  	[sflag:s23] =	ssyncadd.s32 $0xFFFFFFB0  }
0x46: {  	_ =	swait.ge [sflag:s23], $0x50  }
0x47: {  	[sflag:s23] =	ssyncset.done $0x0  }
0x48: {  	[sflag:s23] =	ssyncadd.s32 $0xFFFFFFB0  }
0x49: {  	[tilespmem:s25], [sflag:$0x1] =	stream.indirect.gather [hbm4b:s4+s24], $0x80, s3, s24, $0xb8;
	[tilespmem:$0x19200] =	vst v63  }
0x4a: {  	_ =	swait.ge [sflag:s26], $0x2800  }
0x4b: {  	[sflag:s26] =	ssyncset.done $0x0  }
0x4c: {  	[sflag:s26] =	ssyncadd.s32 $0xFFFFD800  }
0x4d: {  	_ =	swait.ge [sflag:s7], $0x2800  }
0x4e: {  	[sflag:s7] =	ssyncset.done $0x0  }
0x4f: {  	s13 =	sadd.s32 $0x0, s19;
	[sflag:s7] =	ssyncadd.s32 $0xFFFFD800  }
0x50: {  	[tilespmem:s28], [sflag:$0x6] =	stream.linear.gather [hbm4b:s13+s3], $0x50, $0x38;
	[tilespmem:$0x19200] =	vst v63  }
0x51: {  	s14 =	sadd.s32 $0x0, s18;
	s11 =	sadd.s32 $0xA0, s17;
	s10 =	simm.s32 $0x14  }
0x52: {  	[tilespmem:s29], [sflag:$0x6] =	stream.linear.gather [hbm4b:s14+s3], $0x50, $0x38;
	[tilespmem:$0x19200] =	vst v63  }
.LBB2_2:
0x53: {  	[spmem:s1] =	stream.indirect.scatter.add.f32 [tilespmem:s25], [sflag:$0x3], $0x80, s22, s24, $0xb8;
	[tilespmem:$0x19200] =	vst v63  }
0x54: {  	s12 =	smov.u32 s10  }
0x55: {  	p0 =	sne.s32 s10, $0x4B0;
	s10 =	sadd.s32 $0x14, s10;
	_ =	swait.ge [sflag:s30], $0x50  }
0x56: {  	[sflag:s30] =	ssyncset.done $0x0  }
0x57: {  	[sflag:s30] =	ssyncadd.s32 $0xFFFFFFB0  }
0x58: {  	_ =	swait.ge [sflag:s30], $0x50  }
0x59: {  	[sflag:s30] =	ssyncset.done $0x0  }
0x5a: {  	[sflag:s30] =	ssyncadd.s32 $0xFFFFFFB0  }
0x5b: {  	[tilespmem:s31], [sflag:$0x2] =	stream.indirect.gather [hbm4b:s4+s24], $0x80, s28, s24, $0xb8;
	[tilespmem:$0x19200] =	vst v63  }
0x5c: {  	_ =	swait.ge [sflag:s0], $0x2800  }
0x5d: {  	s13 =	sshrl.u32 s11, $0x3;
	[sflag:s0] =	ssyncset.done $0x0  }
0x5e: {  	s14 =	sadd.s32 s5, s13;
	[sflag:s0] =	ssyncadd.s32 $0xFFFFD800  }
0x5f: {  	[tilespmem:s3], [sflag:$0x5] =	stream.linear.gather [hbm4b:s14+s3], $0x50, $0x38;
	[tilespmem:$0x19200] =	vst v63  }
0x60: {  	s13 =	sadd.s32 s6, s13  }
0x61: {  	[tilespmem:s22], [sflag:$0x5] =	stream.linear.gather [hbm4b:s13+s3], $0x50, $0x38;
	[tilespmem:$0x19200] =	vst v63  }
0x62: {  	_ =	swait.ge [sflag:s2], $0x2800  }
0x63: {  	[sflag:s2] =	ssyncset.done $0x0  }
0x64: {  	[sflag:s2] =	ssyncadd.s32 $0xFFFFD800  }
0x65: {  	[spmem:s1] =	stream.indirect.scatter.add.f32 [tilespmem:s31], [sflag:$0x4], $0x80, s29, s24, $0xb8;
	[tilespmem:$0x19200] =	vst v63  }
0x66: {  	_ =	swait.ge [sflag:s23], $0x50  }
0x67: {  	[sflag:s23] =	ssyncset.done $0x0  }
0x68: {  	[sflag:s23] =	ssyncadd.s32 $0xFFFFFFB0  }
0x69: {  	_ =	swait.ge [sflag:s23], $0x50  }
0x6a: {  	[sflag:s23] =	ssyncset.done $0x0  }
0x6b: {  	[sflag:s23] =	ssyncadd.s32 $0xFFFFFFB0  }
0x6c: {  	[tilespmem:s25], [sflag:$0x1] =	stream.indirect.gather [hbm4b:s4+s24], $0x80, s3, s24, $0xb8;
	[tilespmem:$0x19200] =	vst v63  }
0x6d: {  	_ =	swait.ge [sflag:s26], $0x2800  }
0x6e: {  	[sflag:s26] =	ssyncset.done $0x0  }
0x6f: {  	[sflag:s26] =	ssyncadd.s32 $0xFFFFD800  }
0x70: {  	_ =	swait.ge [sflag:s7], $0x2800  }
0x71: {  	[sflag:s7] =	ssyncset.done $0x0  }
.Ltmp0:
0x72: {  	s13 =	sadd.s32 s12, s19;
	[sflag:s7] =	ssyncadd.s32 $0xFFFFD800;
	(pc) =	sbr.rel @p0 .LBB2_2-.Ltmp0, $4  }
0x73: {  	[tilespmem:s28], [sflag:$0x6] =	stream.linear.gather [hbm4b:s13+s3], $0x50, $0x38;
	[tilespmem:$0x19200] =	vst v63  }
0x74: {  	s12 =	sadd.s32 s12, s18  }
0x75: {  	[tilespmem:s29], [sflag:$0x6] =	stream.linear.gather [hbm4b:s12+s3], $0x50, $0x38;
	[tilespmem:$0x19200] =	vst v63  }
0x76: {  	s11 =	sadd.s32 $0xA0, s11  }
0x77: {  	[spmem:s1] =	stream.indirect.scatter.add.f32 [tilespmem:s25], [sflag:$0x3], $0x80, s22, s24, $0xb8;
	[tilespmem:$0x19200] =	vst v63  }
0x78: {  	_ =	swait.ge [sflag:s30], $0x50  }
0x79: {  	[sflag:s30] =	ssyncset.done $0x0  }
0x7a: {  	[sflag:s30] =	ssyncadd.s32 $0xFFFFFFB0  }
0x7b: {  	_ =	swait.ge [sflag:s30], $0x50  }
0x7c: {  	[sflag:s30] =	ssyncset.done $0x0  }
0x7d: {  	[sflag:s30] =	ssyncadd.s32 $0xFFFFFFB0  }
0x7e: {  	[tilespmem:s31], [sflag:$0x2] =	stream.indirect.gather [hbm4b:s4+s24], $0x80, s28, s24, $0xb8;
	[tilespmem:$0x19200] =	vst v63  }
0x7f: {  	_ =	swait.ge [sflag:s0], $0x2800  }
0x80: {  	[sflag:s0] =	ssyncset.done $0x0  }
0x81: {  	[sflag:s0] =	ssyncadd.s32 $0xFFFFD800  }
0x82: {  	[tilespmem:s3], [sflag:$0x5] =	stream.linear.gather [hbm4b:s15+s3], $0x50, $0x38;
	[tilespmem:$0x19200] =	vst v63  }
0x83: {  	_ = 	snop  }
0x84: {  	[tilespmem:s22], [sflag:$0x5] =	stream.linear.gather [hbm4b:s16+s3], $0x50, $0x38;
	[tilespmem:$0x19200] =	vst v63  }
0x85: {  	_ =	swait.ge [sflag:s2], $0x2800  }
0x86: {  	[sflag:s2] =	ssyncset.done $0x0  }
0x87: {  	[sflag:s2] =	ssyncadd.s32 $0xFFFFD800  }
0x88: {  	[spmem:s1] =	stream.indirect.scatter.add.f32 [tilespmem:s31], [sflag:$0x4], $0x80, s29, s24, $0xb8;
	[tilespmem:$0x19200] =	vst v63  }
0x89: {  	_ =	swait.ge [sflag:s23], $0x50  }
0x8a: {  	[sflag:s23] =	ssyncset.done $0x0  }
0x8b: {  	[sflag:s23] =	ssyncadd.s32 $0xFFFFFFB0  }
0x8c: {  	_ =	swait.ge [sflag:s23], $0x50  }
0x8d: {  	[sflag:s23] =	ssyncset.done $0x0  }
0x8e: {  	[sflag:s23] =	ssyncadd.s32 $0xFFFFFFB0  }
0x8f: {  	[tilespmem:s25], [sflag:$0x1] =	stream.indirect.gather [hbm4b:s4+s24], $0x80, s3, s24, $0xb8;
	[tilespmem:$0x19200] =	vst v63  }
0x90: {  	_ =	swait.ge [sflag:s26], $0x2800  }
0x91: {  	[sflag:s26] =	ssyncset.done $0x0  }
0x92: {  	[sflag:s26] =	ssyncadd.s32 $0xFFFFD800  }
0x93: {  	_ =	swait.ge [sflag:s7], $0x2800  }
0x94: {  	[sflag:s7] =	ssyncset.done $0x0  }
0x95: {  	[sflag:s7] =	ssyncadd.s32 $0xFFFFD800  }
0x96: {  	[tilespmem:s28], [sflag:$0x6] =	stream.linear.gather [hbm4b:s15+s3], $0x50, $0x38;
	[tilespmem:$0x19200] =	vst v63  }
0x97: {  	_ = 	snop  }
0x98: {  	[tilespmem:s29], [sflag:$0x6] =	stream.linear.gather [hbm4b:s16+s3], $0x50, $0x38;
	[tilespmem:$0x19200] =	vst v63  }
0x99: {  	_ = 	snop  }
0x9a: {  	[spmem:s1] =	stream.indirect.scatter.add.f32 [tilespmem:s25], [sflag:$0x3], $0x80, s22, s24, $0xb8;
	[tilespmem:$0x19200] =	vst v63  }
0x9b: {  	_ =	swait.ge [sflag:s30], $0x50  }
0x9c: {  	[sflag:s30] =	ssyncset.done $0x0  }
0x9d: {  	[sflag:s30] =	ssyncadd.s32 $0xFFFFFFB0  }
0x9e: {  	_ =	swait.ge [sflag:s30], $0x50  }
0x9f: {  	[sflag:s30] =	ssyncset.done $0x0  }
0xa0: {  	[sflag:s30] =	ssyncadd.s32 $0xFFFFFFB0  }
0xa1: {  	_ =	swait.ge [sflag:s0], $0x2800  }
0xa2: {  	[sflag:s0] =	ssyncset.done $0x0  }
0xa3: {  	[sflag:s0] =	ssyncadd.s32 $0xFFFFD800  }
0xa4: {  	[bflag:$0x0] =	sbarrier.arrive $0xFFFF  }
0xa5: {  	s10 =	rddreg [dreg:$0x8]  }
0xa6: {  	[hbm:s10], [sflag:s8] =	dma.local [spmem:s20], $0x2800  }
0xa7: {  	_ =	swait.ge [sflag:s21], $0x2800  }
0xa8: {  	s9 =	sadd.s32 $0x1, s9;
	s14 =	rddreg [dreg:$0x9]  }
0xa9: {  	p0 =	sne.s32 s9, s14  }
.Ltmp1:
0xaa: {  	_ = 	snop;
	(pc) =	sbr.rel @p0 .LBB2_1-.Ltmp1, $3  }
0xab: {  	_ =	sdelay $0x1  }
0xac: {  	[sflag:s21] =	ssyncset.done $0x0  }
0xad: {  	[sflag:s21] =	ssyncadd.s32 $0xFFFFD800  }
0xae: {  	_ =	sfence.sel $0x180000  }
0xaf: {  	[bflag:$0x0] =	sbarrier.arrive $0xFFFF  }
0xb0: {  	_ =	strace $0x90000050  }
0xb1: {  	s0 =	stileid.u32;
	[bflag:$0x2] =	sbarrier.arrive $0xFFFF  }
0xb2: {  	p0 =	sne.s32 s0, $0x0;
	s0 =	rddreg [dreg:$0x2]  }
0xb3: {  	s0 =	sadd.s32 @!p0 $0x100000, s0  }
0xb4: {  	[sflag:s0] =	ssyncadd.tile.s32 @!p0 $0x1;
	_ =	shalt  }
.Lfunc_end2:
_tile_overlayer_lowered:
.L_overlay_start_2:
0xb5: {  	(tag) =	ssettag $0x2  }
0xb6: {  	s0 =	rddreg [dreg:$0x0];
	s2 =	stileid.u32  }
0xb7: {  	s1 =	rddreg [dreg:$0x1];
	p0 =	sne.s32 s2, $0x0  }
0xb8: {  	s3 =	rddreg [dreg:$0x2];
	[bflag:$0x3] =	sbarrier.arrive $0xFFFF;
	s2 =	simm.s32 @!p0 $0x1C07  }
0xb9: {  	[timem:s3], [sflag:s2] =	dma.local @!p0 [hbm:s0], s1  }
0xba: {  	s0 =	simm.s32 @!p0 $0x7  }
0xbb: {  	_ =	swait.ge @!p0 [sflag:s0], s1  }
0xbc: {  	s1 =	ssub.s32 @!p0 $0x0, s1;
	[sflag:s0] =	ssyncset.done @!p0 $0x0  }
0xbd: {  	[sflag:s0] =	ssyncadd.s32 @!p0 s1  }
0xbe: {  	[bflag:$0x3] =	sbarrier.arrive $0xFFFF  }
0xbf: {  	_ =	shalt  }

</sc_bundles>
